<compile_context>
chip_gen: v7x
topology: tpu7x:2x2x1
jax: 0.10.2.dev20260603
libtpu: 0.0.44.dev20260713+nightly
codegen_flags: <defaults>
</compile_context>

<pallas_src>
import jax
import jax.numpy as jnp
from jax import lax
from jax.experimental import pallas as pl
from jax.experimental.pallas import tpu as pltpu
from jax.experimental.pallas import tpu_sc as plsc

B = 16384
D = 32
NC = 2
NS = 16
NW = NC * NS
BPW = B // NW
L = 16
DEPTH = 8
NSG = BPW // DEPTH
TCOLS = 1000000


def _mf_dot_body(uid_hbm, iid_hbm, ut_hbm, it_hbm, out_hbm,
                 uidx_v, iidx_v, outc_v, rects, usem, isem, osem):
    urects = rects[:DEPTH]
    irects = rects[DEPTH:]
    wid = lax.axis_index("s") * NC + lax.axis_index("c")
    base = wid * BPW
    pltpu.sync_copy(uid_hbm.at[pl.ds(base, BPW)], uidx_v.at[pl.ds(0, BPW)])
    pltpu.sync_copy(iid_hbm.at[pl.ds(base, BPW)], iidx_v.at[pl.ds(0, BPW)])
    zeros = jnp.zeros((L,), jnp.int32)
    uidx_v[pl.ds(BPW, L)] = zeros
    uidx_v[pl.ds(BPW + L, L)] = zeros
    iidx_v[pl.ds(BPW, L)] = zeros
    iidx_v[pl.ds(BPW + L, L)] = zeros

    lanes = lax.iota(jnp.int32, L)
    rows_lo = lanes
    rows_hi = lanes + L
    perms = [jnp.bitwise_xor(lanes, sh) for sh in (8, 4, 2, 1)]
    gd = lax.GatherDimensionNumbers(
        offset_dims=(), collapsed_slice_dims=(0,), start_index_map=(0,))

    def shuf(x, idx):
        return lax.gather(x, idx[:, None], gd, slice_sizes=(1,),
                          mode=lax.GatherScatterMode.PROMISE_IN_BOUNDS)

    def col_off(idx_scalar):
        return pl.multiple_of((idx_scalar // 128) * 128, 128)

    def issue(j, u, i):
        pltpu.async_copy(ut_hbm.at[:, pl.ds(col_off(u), 128)], urects[j], usem)
        pltpu.async_copy(it_hbm.at[:, pl.ds(col_off(i), 128)], irects[j], isem)

    uc0 = uidx_v[pl.ds(0, L)]
    ic0 = iidx_v[pl.ds(0, L)]
    for j in range(DEPTH):
        issue(j, uc0[j], ic0[j])

    def supergroup(sg, carry):
        uc = uidx_v[pl.ds(sg * DEPTH, L)]
        ic = iidx_v[pl.ds(sg * DEPTH, L)]
        ucn = uidx_v[pl.ds(sg * DEPTH + DEPTH, L)]
        icn = iidx_v[pl.ds(sg * DEPTH + DEPTH, L)]
        w = jnp.zeros((L,), jnp.float32)
        for j in range(DEPTH):
            pltpu.make_async_copy(
                ut_hbm.at[:, pl.ds(0, 128)], urects[j], usem).wait()
            pltpu.make_async_copy(
                it_hbm.at[:, pl.ds(0, 128)], irects[j], isem).wait()
            u = uc[j]
            i = ic[j]
            ul = jnp.full((L,), u % 128, jnp.int32)
            il = jnp.full((L,), i % 128, jnp.int32)
            e0 = plsc.load_gather(urects[j], [rows_lo, ul])
            e1 = plsc.load_gather(urects[j], [rows_hi, ul])
            f0 = plsc.load_gather(irects[j], [rows_lo, il])
            f1 = plsc.load_gather(irects[j], [rows_hi, il])
            p = e0 * f0 + e1 * f1
            for perm in perms:
                p = p + shuf(p, perm)
            w = jnp.where(lanes == j, p, w)
            issue(j, ucn[j], icn[j])
        outc_v[pl.ds(sg * DEPTH, L)] = w
        return carry

    lax.fori_loop(0, NSG, supergroup, 0)
    for j in range(DEPTH):
        pltpu.make_async_copy(
            ut_hbm.at[:, pl.ds(0, 128)], urects[j], usem).wait()
        pltpu.make_async_copy(
            it_hbm.at[:, pl.ds(0, 128)], irects[j], isem).wait()
    pltpu.async_copy(
        outc_v.at[pl.ds(0, BPW)], out_hbm.at[pl.ds(base, BPW)], osem).wait()


def kernel(user_ids, item_ids, user_table, item_table):
    mesh = plsc.VectorSubcoreMesh(core_axis_name="c", subcore_axis_name="s")
    k = pl.kernel(
        _mf_dot_body,
        mesh=mesh,
        compiler_params=pltpu.CompilerParams(needs_layout_passes=False),
        out_type=jax.ShapeDtypeStruct((B,), jnp.float32),
        scratch_types=[
            pltpu.VMEM((BPW + 2 * L,), jnp.int32),
            pltpu.VMEM((BPW + 2 * L,), jnp.int32),
            pltpu.VMEM((BPW + 2 * L,), jnp.float32),
            [pltpu.VMEM((D, 128), jnp.float32) for _ in range(2 * DEPTH)],
            pltpu.SemaphoreType.DMA,
            pltpu.SemaphoreType.DMA,
            pltpu.SemaphoreType.DMA,
        ],
    )
    return k(user_ids, item_ids, user_table.T, item_table.T)

# --- scband reference (transcript-rebuilt; emitter-appended) ---
"""Pipeline reference for scband-matrix-factorization-9672266351178 (READ-ONLY COPY).

The authoritative reference and input builder live on the scoring server;
editing this copy changes nothing except your own understanding.
"""

import jax, jax.numpy as jnp
import numpy as np

NUM_USERS = 1000000
NUM_ITEMS = 1000000
EMBED_DIM = 32
BATCH = 16384


def setup_inputs(seed: int = 0) -> dict:
    key = jax.random.key(seed)
    k1, k2, k3, k4 = jax.random.split(key, 4)
    user_ids = jax.random.randint(k1, (BATCH,), 0, NUM_USERS, dtype=jnp.int64 if jax.config.jax_enable_x64 else jnp.int32)
    item_ids = jax.random.randint(k2, (BATCH,), 0, NUM_ITEMS, dtype=jnp.int64 if jax.config.jax_enable_x64 else jnp.int32)
    # Embedding tables initialized uniform(0, 0.05) as in the torch module
    user_table = jax.random.uniform(k3, (NUM_USERS, EMBED_DIM), dtype=jnp.float32, minval=0.0, maxval=0.05)
    item_table = jax.random.uniform(k4, (NUM_ITEMS, EMBED_DIM), dtype=jnp.float32, minval=0.0, maxval=0.05)
    return {"user_ids": user_ids, "item_ids": item_ids, "user_table": user_table, "item_table": item_table}


def reference(user_ids, item_ids, user_table, item_table):
    user_embeds = jnp.take(user_table, user_ids, axis=0)  # [B, D] gather
    item_embeds = jnp.take(item_table, item_ids, axis=0)  # [B, D] gather
    return (user_embeds * item_embeds).sum(axis=1)  # [B]

if __name__ == "__main__":
    import jax
    _d = setup_inputs()
    print(jax.jit(kernel)(*tuple(_d.values())))

</pallas_src>

<mosaic_0001>
#map = affine_map<(d0, d1) -> (0)>
#map1 = affine_map<(d0, d1) -> (0, 0)>
module attributes {stable_mosaic.version = 14 : i64} {
  func.func @_mf_dot_body(%arg0: i32, %arg1: i32, %arg2: memref<16384xi32, #tpu.memory_space<hbm>>, %arg3: memref<16384xi32, #tpu.memory_space<hbm>>, %arg4: memref<32x1000000xf32, #tpu.memory_space<hbm>>, %arg5: memref<32x1000000xf32, #tpu.memory_space<hbm>>, %arg6: memref<16384xf32, #tpu.memory_space<hbm>>, %arg7: memref<544xi32, #tpu.memory_space<vmem>>, %arg8: memref<544xi32, #tpu.memory_space<vmem>>, %arg9: memref<544xf32, #tpu.memory_space<vmem>>, %arg10: memref<32x128xf32, #tpu.memory_space<vmem>>, %arg11: memref<32x128xf32, #tpu.memory_space<vmem>>, %arg12: memref<32x128xf32, #tpu.memory_space<vmem>>, %arg13: memref<32x128xf32, #tpu.memory_space<vmem>>, %arg14: memref<32x128xf32, #tpu.memory_space<vmem>>, %arg15: memref<32x128xf32, #tpu.memory_space<vmem>>, %arg16: memref<32x128xf32, #tpu.memory_space<vmem>>, %arg17: memref<32x128xf32, #tpu.memory_space<vmem>>, %arg18: memref<32x128xf32, #tpu.memory_space<vmem>>, %arg19: memref<32x128xf32, #tpu.memory_space<vmem>>, %arg20: memref<32x128xf32, #tpu.memory_space<vmem>>, %arg21: memref<32x128xf32, #tpu.memory_space<vmem>>, %arg22: memref<32x128xf32, #tpu.memory_space<vmem>>, %arg23: memref<32x128xf32, #tpu.memory_space<vmem>>, %arg24: memref<32x128xf32, #tpu.memory_space<vmem>>, %arg25: memref<32x128xf32, #tpu.memory_space<vmem>>, %arg26: memref<!tpu.dma_semaphore, #tpu.memory_space<semaphore_mem>>, %arg27: memref<!tpu.dma_semaphore, #tpu.memory_space<semaphore_mem>>, %arg28: memref<!tpu.dma_semaphore, #tpu.memory_space<semaphore_mem>>) attributes {dimension_semantics = [#tpu.dimension_semantics<core_parallel>, #tpu.dimension_semantics<subcore_parallel>], iteration_bounds = array<i64: 2, 16>, scalar_prefetch = 0 : i64, scratch_operands = 22 : i64, tpu.core_type = #tpu.core_type<sc_vector_subcore>, window_params = [{transform_indices = #map}, {transform_indices = #map}, {transform_indices = #map1}, {transform_indices = #map1}, {transform_indices = #map}]} {
    %mul3A = arith.constant 2 : i32
    %mul3A_0 = arith.muli %arg1, %mul3A : i32
    %add3A = arith.addi %mul3A_0, %arg0 : i32
    %mul3A_1 = arith.constant 512 : i32
    %mul3A_2 = arith.muli %add3A, %mul3A_1 : i32
    "tpu.region"() ({
      %run_scoped3A = tpu.sem_alloc : memref<!tpu.dma_semaphore, #tpu.memory_space<semaphore_mem>>
      %dma_start3A_656 = arith.constant 0 : i32
      %dma_start3A_657 = tpu.memref_slice %arg7[%dma_start3A_656] : memref<544xi32, #tpu.memory_space<vmem>> -> memref<512xi32, #tpu.memory_space<vmem>>
      %dma_start3A_658 = tpu.memref_slice %arg2[%mul3A_2] : memref<16384xi32, #tpu.memory_space<hbm>> -> memref<512xi32, #tpu.memory_space<hbm>>
      %dma_start3A_659 = arith.constant 0 : i32
      %dma_start3A_660 = tpu.memref_slice %arg7[%dma_start3A_659] : memref<544xi32, #tpu.memory_space<vmem>> -> memref<512xi32, #tpu.memory_space<vmem>>
      %dma_start3A_661 = tpu.memref_slice %arg2[%mul3A_2] : memref<16384xi32, #tpu.memory_space<hbm>> -> memref<512xi32, #tpu.memory_space<hbm>>
      tpu.enqueue_dma source(%dma_start3A_661 : memref<512xi32, #tpu.memory_space<hbm>>) target(%dma_start3A_660 : memref<512xi32, #tpu.memory_space<vmem>>) target_semaphore(%run_scoped3A : memref<!tpu.dma_semaphore, #tpu.memory_space<semaphore_mem>>)
      %dma_wait3A_662 = arith.constant 0 : i32
      %dma_wait3A_663 = tpu.memref_slice %arg7[%dma_wait3A_662] : memref<544xi32, #tpu.memory_space<vmem>> -> memref<512xi32, #tpu.memory_space<vmem>>
      %dma_wait3A_664 = tpu.memref_slice %arg2[%mul3A_2] : memref<16384xi32, #tpu.memory_space<hbm>> -> memref<512xi32, #tpu.memory_space<hbm>>
      %dma_wait3A_665 = arith.constant 0 : i32
      %dma_wait3A_666 = tpu.memref_slice %arg7[%dma_wait3A_665] : memref<544xi32, #tpu.memory_space<vmem>> -> memref<512xi32, #tpu.memory_space<vmem>>
      %dma_wait3A_667 = tpu.memref_slice %arg2[%mul3A_2] : memref<16384xi32, #tpu.memory_space<hbm>> -> memref<512xi32, #tpu.memory_space<hbm>>
      tpu.wait_dma2 semaphore(%run_scoped3A : memref<!tpu.dma_semaphore, #tpu.memory_space<semaphore_mem>>) src(%dma_wait3A_667 : memref<512xi32, #tpu.memory_space<hbm>>) dst(%dma_wait3A_666 : memref<512xi32, #tpu.memory_space<vmem>>)
      tpu.yield
    }) : () -> ()
    "tpu.region"() ({
      %run_scoped3A = tpu.sem_alloc : memref<!tpu.dma_semaphore, #tpu.memory_space<semaphore_mem>>
      %dma_start3A_656 = arith.constant 0 : i32
      %dma_start3A_657 = tpu.memref_slice %arg8[%dma_start3A_656] : memref<544xi32, #tpu.memory_space<vmem>> -> memref<512xi32, #tpu.memory_space<vmem>>
      %dma_start3A_658 = tpu.memref_slice %arg3[%mul3A_2] : memref<16384xi32, #tpu.memory_space<hbm>> -> memref<512xi32, #tpu.memory_space<hbm>>
      %dma_start3A_659 = arith.constant 0 : i32
      %dma_start3A_660 = tpu.memref_slice %arg8[%dma_start3A_659] : memref<544xi32, #tpu.memory_space<vmem>> -> memref<512xi32, #tpu.memory_space<vmem>>
      %dma_start3A_661 = tpu.memref_slice %arg3[%mul3A_2] : memref<16384xi32, #tpu.memory_space<hbm>> -> memref<512xi32, #tpu.memory_space<hbm>>
      tpu.enqueue_dma source(%dma_start3A_661 : memref<512xi32, #tpu.memory_space<hbm>>) target(%dma_start3A_660 : memref<512xi32, #tpu.memory_space<vmem>>) target_semaphore(%run_scoped3A : memref<!tpu.dma_semaphore, #tpu.memory_space<semaphore_mem>>)
      %dma_wait3A_662 = arith.constant 0 : i32
      %dma_wait3A_663 = tpu.memref_slice %arg8[%dma_wait3A_662] : memref<544xi32, #tpu.memory_space<vmem>> -> memref<512xi32, #tpu.memory_space<vmem>>
      %dma_wait3A_664 = tpu.memref_slice %arg3[%mul3A_2] : memref<16384xi32, #tpu.memory_space<hbm>> -> memref<512xi32, #tpu.memory_space<hbm>>
      %dma_wait3A_665 = arith.constant 0 : i32
      %dma_wait3A_666 = tpu.memref_slice %arg8[%dma_wait3A_665] : memref<544xi32, #tpu.memory_space<vmem>> -> memref<512xi32, #tpu.memory_space<vmem>>
      %dma_wait3A_667 = tpu.memref_slice %arg3[%mul3A_2] : memref<16384xi32, #tpu.memory_space<hbm>> -> memref<512xi32, #tpu.memory_space<hbm>>
      tpu.wait_dma2 semaphore(%run_scoped3A : memref<!tpu.dma_semaphore, #tpu.memory_space<semaphore_mem>>) src(%dma_wait3A_667 : memref<512xi32, #tpu.memory_space<hbm>>) dst(%dma_wait3A_666 : memref<512xi32, #tpu.memory_space<vmem>>)
      tpu.yield
    }) : () -> ()
    %broadcast_in_dim3A = arith.constant 0 : i32
    %broadcast_in_dim3A_3 = vector.broadcast %broadcast_in_dim3A : i32 to vector<16xi32>
    %swap3A = arith.constant 512 : index
    %swap3A_4 = tpu.vector_load %arg7[%swap3A] {strides = array<i32>} : memref<544xi32, #tpu.memory_space<vmem>>, vector<16xi32>,
    tpu.vector_store %arg7[%swap3A], %broadcast_in_dim3A_3 {strides = array<i32>} : memref<544xi32, #tpu.memory_space<vmem>>, vector<16xi32>,
    %swap3A_5 = arith.constant 528 : index
    %swap3A_6 = tpu.vector_load %arg7[%swap3A_5] {strides = array<i32>} : memref<544xi32, #tpu.memory_space<vmem>>, vector<16xi32>,
    tpu.vector_store %arg7[%swap3A_5], %broadcast_in_dim3A_3 {strides = array<i32>} : memref<544xi32, #tpu.memory_space<vmem>>, vector<16xi32>,
    %swap3A_7 = arith.constant 512 : index
    %swap3A_8 = tpu.vector_load %arg8[%swap3A_7] {strides = array<i32>} : memref<544xi32, #tpu.memory_space<vmem>>, vector<16xi32>,
    tpu.vector_store %arg8[%swap3A_7], %broadcast_in_dim3A_3 {strides = array<i32>} : memref<544xi32, #tpu.memory_space<vmem>>, vector<16xi32>,
    %swap3A_9 = arith.constant 528 : index
    %swap3A_10 = tpu.vector_load %arg8[%swap3A_9] {strides = array<i32>} : memref<544xi32, #tpu.memory_space<vmem>>, vector<16xi32>,
    tpu.vector_store %arg8[%swap3A_9], %broadcast_in_dim3A_3 {strides = array<i32>} : memref<544xi32, #tpu.memory_space<vmem>>, vector<16xi32>,
    %iota3A = tpu.iota {dimensions = array<i32: 0>} : vector<16xi32>
    %add3A_11 = arith.constant 16 : i32
    %add3A_12 = vector.broadcast %add3A_11 : i32 to vector<16xi32>
    %add3A_13 = arith.addi %iota3A, %add3A_12 : vector<16xi32>
    %xor3A = arith.constant 8 : i32
    %xor3A_14 = vector.broadcast %xor3A : i32 to vector<16xi32>
    %xor3A_15 = arith.xori %iota3A, %xor3A_14 : vector<16xi32>
    %xor3A_16 = arith.constant 4 : i32
    %xor3A_17 = vector.broadcast %xor3A_16 : i32 to vector<16xi32>
    %xor3A_18 = arith.xori %iota3A, %xor3A_17 : vector<16xi32>
    %xor3A_19 = arith.constant 2 : i32
    %xor3A_20 = vector.broadcast %xor3A_19 : i32 to vector<16xi32>
    %xor3A_21 = arith.xori %iota3A, %xor3A_20 : vector<16xi32>
    %xor3A_22 = arith.constant 1 : i32
    %xor3A_23 = vector.broadcast %xor3A_22 : i32 to vector<16xi32>
    %xor3A_24 = arith.xori %iota3A, %xor3A_23 : vector<16xi32>
    %get3A = arith.constant 0 : index
    %get3A_25 = tpu.vector_load %arg7[%get3A] {strides = array<i32>} : memref<544xi32, #tpu.memory_space<vmem>>, vector<16xi32>,
    %get3A_26 = arith.constant 0 : index
    %get3A_27 = tpu.vector_load %arg8[%get3A_26] {strides = array<i32>} : memref<544xi32, #tpu.memory_space<vmem>>, vector<16xi32>,
    %slice3A = vector.extract_strided_slice %get3A_25 {offsets = [0], sizes = [1], strides = [1]} : vector<16xi32> to vector<1xi32>
    %squeeze3A = vector.extract %slice3A[0] : i32 from vector<1xi32>
    %slice3A_28 = vector.extract_strided_slice %get3A_27 {offsets = [0], sizes = [1], strides = [1]} : vector<16xi32> to vector<1xi32>
    %squeeze3A_29 = vector.extract %slice3A_28[0] : i32 from vector<1xi32>
    %jit3A = arith.constant 128 : i32
    %div3A = arith.divsi %squeeze3A, %jit3A : i32
    %sign3A = arith.constant 0 : i32
    %sign3A_30 = arith.cmpi sgt, %squeeze3A, %sign3A : i32
    %sign3A_31 = arith.extui %sign3A_30 : i1 to i32
    %sign3A_32 = arith.constant 0 : i32
    %sign3A_33 = arith.cmpi slt, %squeeze3A, %sign3A_32 : i32
    %sign3A_34 = arith.extui %sign3A_33 : i1 to i32
    %sign3A_35 = arith.subi %sign3A_31, %sign3A_34 : i32
    %sign3A_36 = arith.constant 0 : i32
    %sign3A_37 = arith.cmpi sgt, %jit3A, %sign3A_36 : i32
    %sign3A_38 = arith.extui %sign3A_37 : i1 to i32
    %sign3A_39 = arith.constant 0 : i32
    %sign3A_40 = arith.cmpi slt, %jit3A, %sign3A_39 : i32
    %sign3A_41 = arith.extui %sign3A_40 : i1 to i32
    %sign3A_42 = arith.subi %sign3A_38, %sign3A_41 : i32
    %ne3A = arith.cmpi ne, %sign3A_35, %sign3A_42 : i32
    %rem3A = arith.remsi %squeeze3A, %jit3A : i32
    %ne3A_43 = arith.constant 0 : i32
    %ne3A_44 = arith.cmpi ne, %rem3A, %ne3A_43 : i32
    %and3A = arith.andi %ne3A, %ne3A_44 : i1
    %sub3A = arith.constant 1 : i32
    %sub3A_45 = arith.subi %div3A, %sub3A : i32
    %select_n3A = arith.select %and3A, %sub3A_45, %div3A : i32
    %mul3A_46 = arith.constant 128 : i32
    %mul3A_47 = arith.muli %select_n3A, %mul3A_46 : i32
    %multiple_of3A = tpu.assume_multiple %mul3A_47, 128 : i32
    %dma_start3A = arith.constant 0 : i32
    %dma_start3A_48 = tpu.memref_slice %arg4[%dma_start3A, %multiple_of3A] : memref<32x1000000xf32, #tpu.memory_space<hbm>> -> memref<32x128xf32, #tpu.memory_space<hbm>>
    %dma_start3A_49 = arith.constant 0 : i32
    %dma_start3A_50 = tpu.memref_slice %arg4[%dma_start3A_49, %multiple_of3A] : memref<32x1000000xf32, #tpu.memory_space<hbm>> -> memref<32x128xf32, #tpu.memory_space<hbm>>
    tpu.enqueue_dma source(%dma_start3A_50 : memref<32x128xf32, #tpu.memory_space<hbm>>) target(%arg10 : memref<32x128xf32, #tpu.memory_space<vmem>>) target_semaphore(%arg26 : memref<!tpu.dma_semaphore, #tpu.memory_space<semaphore_mem>>)
    %jit3A_51 = arith.constant 128 : i32
    %div3A_52 = arith.divsi %squeeze3A_29, %jit3A_51 : i32
    %sign3A_53 = arith.constant 0 : i32
    %sign3A_54 = arith.cmpi sgt, %squeeze3A_29, %sign3A_53 : i32
    %sign3A_55 = arith.extui %sign3A_54 : i1 to i32
    %sign3A_56 = arith.constant 0 : i32
    %sign3A_57 = arith.cmpi slt, %squeeze3A_29, %sign3A_56 : i32
    %sign3A_58 = arith.extui %sign3A_57 : i1 to i32
    %sign3A_59 = arith.subi %sign3A_55, %sign3A_58 : i32
    %sign3A_60 = arith.constant 0 : i32
    %sign3A_61 = arith.cmpi sgt, %jit3A_51, %sign3A_60 : i32
    %sign3A_62 = arith.extui %sign3A_61 : i1 to i32
    %sign3A_63 = arith.constant 0 : i32
    %sign3A_64 = arith.cmpi slt, %jit3A_51, %sign3A_63 : i32
    %sign3A_65 = arith.extui %sign3A_64 : i1 to i32
    %sign3A_66 = arith.subi %sign3A_62, %sign3A_65 : i32
    %ne3A_67 = arith.cmpi ne, %sign3A_59, %sign3A_66 : i32
    %rem3A_68 = arith.remsi %squeeze3A_29, %jit3A_51 : i32
    %ne3A_69 = arith.constant 0 : i32
    %ne3A_70 = arith.cmpi ne, %rem3A_68, %ne3A_69 : i32
    %and3A_71 = arith.andi %ne3A_67, %ne3A_70 : i1
    %sub3A_72 = arith.constant 1 : i32
    %sub3A_73 = arith.subi %div3A_52, %sub3A_72 : i32
    %select_n3A_74 = arith.select %and3A_71, %sub3A_73, %div3A_52 : i32
    %mul3A_75 = arith.constant 128 : i32
    %mul3A_76 = arith.muli %select_n3A_74, %mul3A_75 : i32
    %multiple_of3A_77 = tpu.assume_multiple %mul3A_76, 128 : i32
    %dma_start3A_78 = arith.constant 0 : i32
    %dma_start3A_79 = tpu.memref_slice %arg5[%dma_start3A_78, %multiple_of3A_77] : memref<32x1000000xf32, #tpu.memory_space<hbm>> -> memref<32x128xf32, #tpu.memory_space<hbm>>
    %dma_start3A_80 = arith.constant 0 : i32
    %dma_start3A_81 = tpu.memref_slice %arg5[%dma_start3A_80, %multiple_of3A_77] : memref<32x1000000xf32, #tpu.memory_space<hbm>> -> memref<32x128xf32, #tpu.memory_space<hbm>>
    tpu.enqueue_dma source(%dma_start3A_81 : memref<32x128xf32, #tpu.memory_space<hbm>>) target(%arg18 : memref<32x128xf32, #tpu.memory_space<vmem>>) target_semaphore(%arg27 : memref<!tpu.dma_semaphore, #tpu.memory_space<semaphore_mem>>)
    %slice3A_82 = vector.extract_strided_slice %get3A_25 {offsets = [1], sizes = [1], strides = [1]} : vector<16xi32> to vector<1xi32>
    %squeeze3A_83 = vector.extract %slice3A_82[0] : i32 from vector<1xi32>
    %slice3A_84 = vector.extract_strided_slice %get3A_27 {offsets = [1], sizes = [1], strides = [1]} : vector<16xi32> to vector<1xi32>
    %squeeze3A_85 = vector.extract %slice3A_84[0] : i32 from vector<1xi32>
    %jit3A_86 = arith.constant 128 : i32
    %div3A_87 = arith.divsi %squeeze3A_83, %jit3A_86 : i32
    %sign3A_88 = arith.constant 0 : i32
    %sign3A_89 = arith.cmpi sgt, %squeeze3A_83, %sign3A_88 : i32
    %sign3A_90 = arith.extui %sign3A_89 : i1 to i32
    %sign3A_91 = arith.constant 0 : i32
    %sign3A_92 = arith.cmpi slt, %squeeze3A_83, %sign3A_91 : i32
    %sign3A_93 = arith.extui %sign3A_92 : i1 to i32
    %sign3A_94 = arith.subi %sign3A_90, %sign3A_93 : i32
    %sign3A_95 = arith.constant 0 : i32
    %sign3A_96 = arith.cmpi sgt, %jit3A_86, %sign3A_95 : i32
    %sign3A_97 = arith.extui %sign3A_96 : i1 to i32
    %sign3A_98 = arith.constant 0 : i32
    %sign3A_99 = arith.cmpi slt, %jit3A_86, %sign3A_98 : i32
    %sign3A_100 = arith.extui %sign3A_99 : i1 to i32
    %sign3A_101 = arith.subi %sign3A_97, %sign3A_100 : i32
    %ne3A_102 = arith.cmpi ne, %sign3A_94, %sign3A_101 : i32
    %rem3A_103 = arith.remsi %squeeze3A_83, %jit3A_86 : i32
    %ne3A_104 = arith.constant 0 : i32
    %ne3A_105 = arith.cmpi ne, %rem3A_103, %ne3A_104 : i32
    %and3A_106 = arith.andi %ne3A_102, %ne3A_105 : i1
    %sub3A_107 = arith.constant 1 : i32
    %sub3A_108 = arith.subi %div3A_87, %sub3A_107 : i32
    %select_n3A_109 = arith.select %and3A_106, %sub3A_108, %div3A_87 : i32
    %mul3A_110 = arith.constant 128 : i32
    %mul3A_111 = arith.muli %select_n3A_109, %mul3A_110 : i32
    %multiple_of3A_112 = tpu.assume_multiple %mul3A_111, 128 : i32
    %dma_start3A_113 = arith.constant 0 : i32
    %dma_start3A_114 = tpu.memref_slice %arg4[%dma_start3A_113, %multiple_of3A_112] : memref<32x1000000xf32, #tpu.memory_space<hbm>> -> memref<32x128xf32, #tpu.memory_space<hbm>>
    %dma_start3A_115 = arith.constant 0 : i32
    %dma_start3A_116 = tpu.memref_slice %arg4[%dma_start3A_115, %multiple_of3A_112] : memref<32x1000000xf32, #tpu.memory_space<hbm>> -> memref<32x128xf32, #tpu.memory_space<hbm>>
    tpu.enqueue_dma source(%dma_start3A_116 : memref<32x128xf32, #tpu.memory_space<hbm>>) target(%arg11 : memref<32x128xf32, #tpu.memory_space<vmem>>) target_semaphore(%arg26 : memref<!tpu.dma_semaphore, #tpu.memory_space<semaphore_mem>>)
    %jit3A_117 = arith.constant 128 : i32
    %div3A_118 = arith.divsi %squeeze3A_85, %jit3A_117 : i32
    %sign3A_119 = arith.constant 0 : i32
    %sign3A_120 = arith.cmpi sgt, %squeeze3A_85, %sign3A_119 : i32
    %sign3A_121 = arith.extui %sign3A_120 : i1 to i32
    %sign3A_122 = arith.constant 0 : i32
    %sign3A_123 = arith.cmpi slt, %squeeze3A_85, %sign3A_122 : i32
    %sign3A_124 = arith.extui %sign3A_123 : i1 to i32
    %sign3A_125 = arith.subi %sign3A_121, %sign3A_124 : i32
    %sign3A_126 = arith.constant 0 : i32
    %sign3A_127 = arith.cmpi sgt, %jit3A_117, %sign3A_126 : i32
    %sign3A_128 = arith.extui %sign3A_127 : i1 to i32
    %sign3A_129 = arith.constant 0 : i32
    %sign3A_130 = arith.cmpi slt, %jit3A_117, %sign3A_129 : i32
    %sign3A_131 = arith.extui %sign3A_130 : i1 to i32
    %sign3A_132 = arith.subi %sign3A_128, %sign3A_131 : i32
    %ne3A_133 = arith.cmpi ne, %sign3A_125, %sign3A_132 : i32
    %rem3A_134 = arith.remsi %squeeze3A_85, %jit3A_117 : i32
    %ne3A_135 = arith.constant 0 : i32
    %ne3A_136 = arith.cmpi ne, %rem3A_134, %ne3A_135 : i32
    %and3A_137 = arith.andi %ne3A_133, %ne3A_136 : i1
    %sub3A_138 = arith.constant 1 : i32
    %sub3A_139 = arith.subi %div3A_118, %sub3A_138 : i32
    %select_n3A_140 = arith.select %and3A_137, %sub3A_139, %div3A_118 : i32
    %mul3A_141 = arith.constant 128 : i32
    %mul3A_142 = arith.muli %select_n3A_140, %mul3A_141 : i32
    %multiple_of3A_143 = tpu.assume_multiple %mul3A_142, 128 : i32
    %dma_start3A_144 = arith.constant 0 : i32
    %dma_start3A_145 = tpu.memref_slice %arg5[%dma_start3A_144, %multiple_of3A_143] : memref<32x1000000xf32, #tpu.memory_space<hbm>> -> memref<32x128xf32, #tpu.memory_space<hbm>>
    %dma_start3A_146 = arith.constant 0 : i32
    %dma_start3A_147 = tpu.memref_slice %arg5[%dma_start3A_146, %multiple_of3A_143] : memref<32x1000000xf32, #tpu.memory_space<hbm>> -> memref<32x128xf32, #tpu.memory_space<hbm>>
    tpu.enqueue_dma source(%dma_start3A_147 : memref<32x128xf32, #tpu.memory_space<hbm>>) target(%arg19 : memref<32x128xf32, #tpu.memory_space<vmem>>) target_semaphore(%arg27 : memref<!tpu.dma_semaphore, #tpu.memory_space<semaphore_mem>>)
    %slice3A_148 = vector.extract_strided_slice %get3A_25 {offsets = [2], sizes = [1], strides = [1]} : vector<16xi32> to vector<1xi32>
    %squeeze3A_149 = vector.extract %slice3A_148[0] : i32 from vector<1xi32>
    %slice3A_150 = vector.extract_strided_slice %get3A_27 {offsets = [2], sizes = [1], strides = [1]} : vector<16xi32> to vector<1xi32>
    %squeeze3A_151 = vector.extract %slice3A_150[0] : i32 from vector<1xi32>
    %jit3A_152 = arith.constant 128 : i32
    %div3A_153 = arith.divsi %squeeze3A_149, %jit3A_152 : i32
    %sign3A_154 = arith.constant 0 : i32
    %sign3A_155 = arith.cmpi sgt, %squeeze3A_149, %sign3A_154 : i32
    %sign3A_156 = arith.extui %sign3A_155 : i1 to i32
    %sign3A_157 = arith.constant 0 : i32
    %sign3A_158 = arith.cmpi slt, %squeeze3A_149, %sign3A_157 : i32
    %sign3A_159 = arith.extui %sign3A_158 : i1 to i32
    %sign3A_160 = arith.subi %sign3A_156, %sign3A_159 : i32
    %sign3A_161 = arith.constant 0 : i32
    %sign3A_162 = arith.cmpi sgt, %jit3A_152, %sign3A_161 : i32
    %sign3A_163 = arith.extui %sign3A_162 : i1 to i32
    %sign3A_164 = arith.constant 0 : i32
    %sign3A_165 = arith.cmpi slt, %jit3A_152, %sign3A_164 : i32
    %sign3A_166 = arith.extui %sign3A_165 : i1 to i32
    %sign3A_167 = arith.subi %sign3A_163, %sign3A_166 : i32
    %ne3A_168 = arith.cmpi ne, %sign3A_160, %sign3A_167 : i32
    %rem3A_169 = arith.remsi %squeeze3A_149, %jit3A_152 : i32
    %ne3A_170 = arith.constant 0 : i32
    %ne3A_171 = arith.cmpi ne, %rem3A_169, %ne3A_170 : i32
    %and3A_172 = arith.andi %ne3A_168, %ne3A_171 : i1
    %sub3A_173 = arith.constant 1 : i32
    %sub3A_174 = arith.subi %div3A_153, %sub3A_173 : i32
    %select_n3A_175 = arith.select %and3A_172, %sub3A_174, %div3A_153 : i32
    %mul3A_176 = arith.constant 128 : i32
    %mul3A_177 = arith.muli %select_n3A_175, %mul3A_176 : i32
    %multiple_of3A_178 = tpu.assume_multiple %mul3A_177, 128 : i32
    %dma_start3A_179 = arith.constant 0 : i32
    %dma_start3A_180 = tpu.memref_slice %arg4[%dma_start3A_179, %multiple_of3A_178] : memref<32x1000000xf32, #tpu.memory_space<hbm>> -> memref<32x128xf32, #tpu.memory_space<hbm>>
    %dma_start3A_181 = arith.constant 0 : i32
    %dma_start3A_182 = tpu.memref_slice %arg4[%dma_start3A_181, %multiple_of3A_178] : memref<32x1000000xf32, #tpu.memory_space<hbm>> -> memref<32x128xf32, #tpu.memory_space<hbm>>
    tpu.enqueue_dma source(%dma_start3A_182 : memref<32x128xf32, #tpu.memory_space<hbm>>) target(%arg12 : memref<32x128xf32, #tpu.memory_space<vmem>>) target_semaphore(%arg26 : memref<!tpu.dma_semaphore, #tpu.memory_space<semaphore_mem>>)
    %jit3A_183 = arith.constant 128 : i32
    %div3A_184 = arith.divsi %squeeze3A_151, %jit3A_183 : i32
    %sign3A_185 = arith.constant 0 : i32
    %sign3A_186 = arith.cmpi sgt, %squeeze3A_151, %sign3A_185 : i32
    %sign3A_187 = arith.extui %sign3A_186 : i1 to i32
    %sign3A_188 = arith.constant 0 : i32
    %sign3A_189 = arith.cmpi slt, %squeeze3A_151, %sign3A_188 : i32
    %sign3A_190 = arith.extui %sign3A_189 : i1 to i32
    %sign3A_191 = arith.subi %sign3A_187, %sign3A_190 : i32
    %sign3A_192 = arith.constant 0 : i32
    %sign3A_193 = arith.cmpi sgt, %jit3A_183, %sign3A_192 : i32
    %sign3A_194 = arith.extui %sign3A_193 : i1 to i32
    %sign3A_195 = arith.constant 0 : i32
    %sign3A_196 = arith.cmpi slt, %jit3A_183, %sign3A_195 : i32
    %sign3A_197 = arith.extui %sign3A_196 : i1 to i32
    %sign3A_198 = arith.subi %sign3A_194, %sign3A_197 : i32
    %ne3A_199 = arith.cmpi ne, %sign3A_191, %sign3A_198 : i32
    %rem3A_200 = arith.remsi %squeeze3A_151, %jit3A_183 : i32
    %ne3A_201 = arith.constant 0 : i32
    %ne3A_202 = arith.cmpi ne, %rem3A_200, %ne3A_201 : i32
    %and3A_203 = arith.andi %ne3A_199, %ne3A_202 : i1
    %sub3A_204 = arith.constant 1 : i32
    %sub3A_205 = arith.subi %div3A_184, %sub3A_204 : i32
    %select_n3A_206 = arith.select %and3A_203, %sub3A_205, %div3A_184 : i32
    %mul3A_207 = arith.constant 128 : i32
    %mul3A_208 = arith.muli %select_n3A_206, %mul3A_207 : i32
    %multiple_of3A_209 = tpu.assume_multiple %mul3A_208, 128 : i32
    %dma_start3A_210 = arith.constant 0 : i32
    %dma_start3A_211 = tpu.memref_slice %arg5[%dma_start3A_210, %multiple_of3A_209] : memref<32x1000000xf32, #tpu.memory_space<hbm>> -> memref<32x128xf32, #tpu.memory_space<hbm>>
    %dma_start3A_212 = arith.constant 0 : i32
    %dma_start3A_213 = tpu.memref_slice %arg5[%dma_start3A_212, %multiple_of3A_209] : memref<32x1000000xf32, #tpu.memory_space<hbm>> -> memref<32x128xf32, #tpu.memory_space<hbm>>
    tpu.enqueue_dma source(%dma_start3A_213 : memref<32x128xf32, #tpu.memory_space<hbm>>) target(%arg20 : memref<32x128xf32, #tpu.memory_space<vmem>>) target_semaphore(%arg27 : memref<!tpu.dma_semaphore, #tpu.memory_space<semaphore_mem>>)
    %slice3A_214 = vector.extract_strided_slice %get3A_25 {offsets = [3], sizes = [1], strides = [1]} : vector<16xi32> to vector<1xi32>
    %squeeze3A_215 = vector.extract %slice3A_214[0] : i32 from vector<1xi32>
    %slice3A_216 = vector.extract_strided_slice %get3A_27 {offsets = [3], sizes = [1], strides = [1]} : vector<16xi32> to vector<1xi32>
    %squeeze3A_217 = vector.extract %slice3A_216[0] : i32 from vector<1xi32>
    %jit3A_218 = arith.constant 128 : i32
    %div3A_219 = arith.divsi %squeeze3A_215, %jit3A_218 : i32
    %sign3A_220 = arith.constant 0 : i32
    %sign3A_221 = arith.cmpi sgt, %squeeze3A_215, %sign3A_220 : i32
    %sign3A_222 = arith.extui %sign3A_221 : i1 to i32
    %sign3A_223 = arith.constant 0 : i32
    %sign3A_224 = arith.cmpi slt, %squeeze3A_215, %sign3A_223 : i32
    %sign3A_225 = arith.extui %sign3A_224 : i1 to i32
    %sign3A_226 = arith.subi %sign3A_222, %sign3A_225 : i32
    %sign3A_227 = arith.constant 0 : i32
    %sign3A_228 = arith.cmpi sgt, %jit3A_218, %sign3A_227 : i32
    %sign3A_229 = arith.extui %sign3A_228 : i1 to i32
    %sign3A_230 = arith.constant 0 : i32
    %sign3A_231 = arith.cmpi slt, %jit3A_218, %sign3A_230 : i32
    %sign3A_232 = arith.extui %sign3A_231 : i1 to i32
    %sign3A_233 = arith.subi %sign3A_229, %sign3A_232 : i32
    %ne3A_234 = arith.cmpi ne, %sign3A_226, %sign3A_233 : i32
    %rem3A_235 = arith.remsi %squeeze3A_215, %jit3A_218 : i32
    %ne3A_236 = arith.constant 0 : i32
    %ne3A_237 = arith.cmpi ne, %rem3A_235, %ne3A_236 : i32
    %and3A_238 = arith.andi %ne3A_234, %ne3A_237 : i1
    %sub3A_239 = arith.constant 1 : i32
    %sub3A_240 = arith.subi %div3A_219, %sub3A_239 : i32
    %select_n3A_241 = arith.select %and3A_238, %sub3A_240, %div3A_219 : i32
    %mul3A_242 = arith.constant 128 : i32
    %mul3A_243 = arith.muli %select_n3A_241, %mul3A_242 : i32
    %multiple_of3A_244 = tpu.assume_multiple %mul3A_243, 128 : i32
    %dma_start3A_245 = arith.constant 0 : i32
    %dma_start3A_246 = tpu.memref_slice %arg4[%dma_start3A_245, %multiple_of3A_244] : memref<32x1000000xf32, #tpu.memory_space<hbm>> -> memref<32x128xf32, #tpu.memory_space<hbm>>
    %dma_start3A_247 = arith.constant 0 : i32
    %dma_start3A_248 = tpu.memref_slice %arg4[%dma_start3A_247, %multiple_of3A_244] : memref<32x1000000xf32, #tpu.memory_space<hbm>> -> memref<32x128xf32, #tpu.memory_space<hbm>>
    tpu.enqueue_dma source(%dma_start3A_248 : memref<32x128xf32, #tpu.memory_space<hbm>>) target(%arg13 : memref<32x128xf32, #tpu.memory_space<vmem>>) target_semaphore(%arg26 : memref<!tpu.dma_semaphore, #tpu.memory_space<semaphore_mem>>)
    %jit3A_249 = arith.constant 128 : i32
    %div3A_250 = arith.divsi %squeeze3A_217, %jit3A_249 : i32
    %sign3A_251 = arith.constant 0 : i32
    %sign3A_252 = arith.cmpi sgt, %squeeze3A_217, %sign3A_251 : i32
    %sign3A_253 = arith.extui %sign3A_252 : i1 to i32
    %sign3A_254 = arith.constant 0 : i32
    %sign3A_255 = arith.cmpi slt, %squeeze3A_217, %sign3A_254 : i32
    %sign3A_256 = arith.extui %sign3A_255 : i1 to i32
    %sign3A_257 = arith.subi %sign3A_253, %sign3A_256 : i32
    %sign3A_258 = arith.constant 0 : i32
    %sign3A_259 = arith.cmpi sgt, %jit3A_249, %sign3A_258 : i32
    %sign3A_260 = arith.extui %sign3A_259 : i1 to i32
    %sign3A_261 = arith.constant 0 : i32
    %sign3A_262 = arith.cmpi slt, %jit3A_249, %sign3A_261 : i32
    %sign3A_263 = arith.extui %sign3A_262 : i1 to i32
    %sign3A_264 = arith.subi %sign3A_260, %sign3A_263 : i32
    %ne3A_265 = arith.cmpi ne, %sign3A_257, %sign3A_264 : i32
    %rem3A_266 = arith.remsi %squeeze3A_217, %jit3A_249 : i32
    %ne3A_267 = arith.constant 0 : i32
    %ne3A_268 = arith.cmpi ne, %rem3A_266, %ne3A_267 : i32
    %and3A_269 = arith.andi %ne3A_265, %ne3A_268 : i1
    %sub3A_270 = arith.constant 1 : i32
    %sub3A_271 = arith.subi %div3A_250, %sub3A_270 : i32
    %select_n3A_272 = arith.select %and3A_269, %sub3A_271, %div3A_250 : i32
    %mul3A_273 = arith.constant 128 : i32
    %mul3A_274 = arith.muli %select_n3A_272, %mul3A_273 : i32
    %multiple_of3A_275 = tpu.assume_multiple %mul3A_274, 128 : i32
    %dma_start3A_276 = arith.constant 0 : i32
    %dma_start3A_277 = tpu.memref_slice %arg5[%dma_start3A_276, %multiple_of3A_275] : memref<32x1000000xf32, #tpu.memory_space<hbm>> -> memref<32x128xf32, #tpu.memory_space<hbm>>
    %dma_start3A_278 = arith.constant 0 : i32
    %dma_start3A_279 = tpu.memref_slice %arg5[%dma_start3A_278, %multiple_of3A_275] : memref<32x1000000xf32, #tpu.memory_space<hbm>> -> memref<32x128xf32, #tpu.memory_space<hbm>>
    tpu.enqueue_dma source(%dma_start3A_279 : memref<32x128xf32, #tpu.memory_space<hbm>>) target(%arg21 : memref<32x128xf32, #tpu.memory_space<vmem>>) target_semaphore(%arg27 : memref<!tpu.dma_semaphore, #tpu.memory_space<semaphore_mem>>)
    %slice3A_280 = vector.extract_strided_slice %get3A_25 {offsets = [4], sizes = [1], strides = [1]} : vector<16xi32> to vector<1xi32>
    %squeeze3A_281 = vector.extract %slice3A_280[0] : i32 from vector<1xi32>
    %slice3A_282 = vector.extract_strided_slice %get3A_27 {offsets = [4], sizes = [1], strides = [1]} : vector<16xi32> to vector<1xi32>
    %squeeze3A_283 = vector.extract %slice3A_282[0] : i32 from vector<1xi32>
    %jit3A_284 = arith.constant 128 : i32
    %div3A_285 = arith.divsi %squeeze3A_281, %jit3A_284 : i32
    %sign3A_286 = arith.constant 0 : i32
    %sign3A_287 = arith.cmpi sgt, %squeeze3A_281, %sign3A_286 : i32
    %sign3A_288 = arith.extui %sign3A_287 : i1 to i32
    %sign3A_289 = arith.constant 0 : i32
    %sign3A_290 = arith.cmpi slt, %squeeze3A_281, %sign3A_289 : i32
    %sign3A_291 = arith.extui %sign3A_290 : i1 to i32
    %sign3A_292 = arith.subi %sign3A_288, %sign3A_291 : i32
    %sign3A_293 = arith.constant 0 : i32
    %sign3A_294 = arith.cmpi sgt, %jit3A_284, %sign3A_293 : i32
    %sign3A_295 = arith.extui %sign3A_294 : i1 to i32
    %sign3A_296 = arith.constant 0 : i32
    %sign3A_297 = arith.cmpi slt, %jit3A_284, %sign3A_296 : i32
    %sign3A_298 = arith.extui %sign3A_297 : i1 to i32
    %sign3A_299 = arith.subi %sign3A_295, %sign3A_298 : i32
    %ne3A_300 = arith.cmpi ne, %sign3A_292, %sign3A_299 : i32
    %rem3A_301 = arith.remsi %squeeze3A_281, %jit3A_284 : i32
    %ne3A_302 = arith.constant 0 : i32
    %ne3A_303 = arith.cmpi ne, %rem3A_301, %ne3A_302 : i32
    %and3A_304 = arith.andi %ne3A_300, %ne3A_303 : i1
    %sub3A_305 = arith.constant 1 : i32
    %sub3A_306 = arith.subi %div3A_285, %sub3A_305 : i32
    %select_n3A_307 = arith.select %and3A_304, %sub3A_306, %div3A_285 : i32
    %mul3A_308 = arith.constant 128 : i32
    %mul3A_309 = arith.muli %select_n3A_307, %mul3A_308 : i32
    %multiple_of3A_310 = tpu.assume_multiple %mul3A_309, 128 : i32
    %dma_start3A_311 = arith.constant 0 : i32
    %dma_start3A_312 = tpu.memref_slice %arg4[%dma_start3A_311, %multiple_of3A_310] : memref<32x1000000xf32, #tpu.memory_space<hbm>> -> memref<32x128xf32, #tpu.memory_space<hbm>>
    %dma_start3A_313 = arith.constant 0 : i32
    %dma_start3A_314 = tpu.memref_slice %arg4[%dma_start3A_313, %multiple_of3A_310] : memref<32x1000000xf32, #tpu.memory_space<hbm>> -> memref<32x128xf32, #tpu.memory_space<hbm>>
    tpu.enqueue_dma source(%dma_start3A_314 : memref<32x128xf32, #tpu.memory_space<hbm>>) target(%arg14 : memref<32x128xf32, #tpu.memory_space<vmem>>) target_semaphore(%arg26 : memref<!tpu.dma_semaphore, #tpu.memory_space<semaphore_mem>>)
    %jit3A_315 = arith.constant 128 : i32
    %div3A_316 = arith.divsi %squeeze3A_283, %jit3A_315 : i32
    %sign3A_317 = arith.constant 0 : i32
    %sign3A_318 = arith.cmpi sgt, %squeeze3A_283, %sign3A_317 : i32
    %sign3A_319 = arith.extui %sign3A_318 : i1 to i32
    %sign3A_320 = arith.constant 0 : i32
    %sign3A_321 = arith.cmpi slt, %squeeze3A_283, %sign3A_320 : i32
    %sign3A_322 = arith.extui %sign3A_321 : i1 to i32
    %sign3A_323 = arith.subi %sign3A_319, %sign3A_322 : i32
    %sign3A_324 = arith.constant 0 : i32
    %sign3A_325 = arith.cmpi sgt, %jit3A_315, %sign3A_324 : i32
    %sign3A_326 = arith.extui %sign3A_325 : i1 to i32
    %sign3A_327 = arith.constant 0 : i32
    %sign3A_328 = arith.cmpi slt, %jit3A_315, %sign3A_327 : i32
    %sign3A_329 = arith.extui %sign3A_328 : i1 to i32
    %sign3A_330 = arith.subi %sign3A_326, %sign3A_329 : i32
    %ne3A_331 = arith.cmpi ne, %sign3A_323, %sign3A_330 : i32
    %rem3A_332 = arith.remsi %squeeze3A_283, %jit3A_315 : i32
    %ne3A_333 = arith.constant 0 : i32
    %ne3A_334 = arith.cmpi ne, %rem3A_332, %ne3A_333 : i32
    %and3A_335 = arith.andi %ne3A_331, %ne3A_334 : i1
    %sub3A_336 = arith.constant 1 : i32
    %sub3A_337 = arith.subi %div3A_316, %sub3A_336 : i32
    %select_n3A_338 = arith.select %and3A_335, %sub3A_337, %div3A_316 : i32
    %mul3A_339 = arith.constant 128 : i32
    %mul3A_340 = arith.muli %select_n3A_338, %mul3A_339 : i32
    %multiple_of3A_341 = tpu.assume_multiple %mul3A_340, 128 : i32
    %dma_start3A_342 = arith.constant 0 : i32
    %dma_start3A_343 = tpu.memref_slice %arg5[%dma_start3A_342, %multiple_of3A_341] : memref<32x1000000xf32, #tpu.memory_space<hbm>> -> memref<32x128xf32, #tpu.memory_space<hbm>>
    %dma_start3A_344 = arith.constant 0 : i32
    %dma_start3A_345 = tpu.memref_slice %arg5[%dma_start3A_344, %multiple_of3A_341] : memref<32x1000000xf32, #tpu.memory_space<hbm>> -> memref<32x128xf32, #tpu.memory_space<hbm>>
    tpu.enqueue_dma source(%dma_start3A_345 : memref<32x128xf32, #tpu.memory_space<hbm>>) target(%arg22 : memref<32x128xf32, #tpu.memory_space<vmem>>) target_semaphore(%arg27 : memref<!tpu.dma_semaphore, #tpu.memory_space<semaphore_mem>>)
    %slice3A_346 = vector.extract_strided_slice %get3A_25 {offsets = [5], sizes = [1], strides = [1]} : vector<16xi32> to vector<1xi32>
    %squeeze3A_347 = vector.extract %slice3A_346[0] : i32 from vector<1xi32>
    %slice3A_348 = vector.extract_strided_slice %get3A_27 {offsets = [5], sizes = [1], strides = [1]} : vector<16xi32> to vector<1xi32>
    %squeeze3A_349 = vector.extract %slice3A_348[0] : i32 from vector<1xi32>
    %jit3A_350 = arith.constant 128 : i32
    %div3A_351 = arith.divsi %squeeze3A_347, %jit3A_350 : i32
    %sign3A_352 = arith.constant 0 : i32
    %sign3A_353 = arith.cmpi sgt, %squeeze3A_347, %sign3A_352 : i32
    %sign3A_354 = arith.extui %sign3A_353 : i1 to i32
    %sign3A_355 = arith.constant 0 : i32
    %sign3A_356 = arith.cmpi slt, %squeeze3A_347, %sign3A_355 : i32
    %sign3A_357 = arith.extui %sign3A_356 : i1 to i32
    %sign3A_358 = arith.subi %sign3A_354, %sign3A_357 : i32
    %sign3A_359 = arith.constant 0 : i32
    %sign3A_360 = arith.cmpi sgt, %jit3A_350, %sign3A_359 : i32
    %sign3A_361 = arith.extui %sign3A_360 : i1 to i32
    %sign3A_362 = arith.constant 0 : i32
    %sign3A_363 = arith.cmpi slt, %jit3A_350, %sign3A_362 : i32
    %sign3A_364 = arith.extui %sign3A_363 : i1 to i32
    %sign3A_365 = arith.subi %sign3A_361, %sign3A_364 : i32
    %ne3A_366 = arith.cmpi ne, %sign3A_358, %sign3A_365 : i32
    %rem3A_367 = arith.remsi %squeeze3A_347, %jit3A_350 : i32
    %ne3A_368 = arith.constant 0 : i32
    %ne3A_369 = arith.cmpi ne, %rem3A_367, %ne3A_368 : i32
    %and3A_370 = arith.andi %ne3A_366, %ne3A_369 : i1
    %sub3A_371 = arith.constant 1 : i32
    %sub3A_372 = arith.subi %div3A_351, %sub3A_371 : i32
    %select_n3A_373 = arith.select %and3A_370, %sub3A_372, %div3A_351 : i32
    %mul3A_374 = arith.constant 128 : i32
    %mul3A_375 = arith.muli %select_n3A_373, %mul3A_374 : i32
    %multiple_of3A_376 = tpu.assume_multiple %mul3A_375, 128 : i32
    %dma_start3A_377 = arith.constant 0 : i32
    %dma_start3A_378 = tpu.memref_slice %arg4[%dma_start3A_377, %multiple_of3A_376] : memref<32x1000000xf32, #tpu.memory_space<hbm>> -> memref<32x128xf32, #tpu.memory_space<hbm>>
    %dma_start3A_379 = arith.constant 0 : i32
    %dma_start3A_380 = tpu.memref_slice %arg4[%dma_start3A_379, %multiple_of3A_376] : memref<32x1000000xf32, #tpu.memory_space<hbm>> -> memref<32x128xf32, #tpu.memory_space<hbm>>
    tpu.enqueue_dma source(%dma_start3A_380 : memref<32x128xf32, #tpu.memory_space<hbm>>) target(%arg15 : memref<32x128xf32, #tpu.memory_space<vmem>>) target_semaphore(%arg26 : memref<!tpu.dma_semaphore, #tpu.memory_space<semaphore_mem>>)
    %jit3A_381 = arith.constant 128 : i32
    %div3A_382 = arith.divsi %squeeze3A_349, %jit3A_381 : i32
    %sign3A_383 = arith.constant 0 : i32
    %sign3A_384 = arith.cmpi sgt, %squeeze3A_349, %sign3A_383 : i32
    %sign3A_385 = arith.extui %sign3A_384 : i1 to i32
    %sign3A_386 = arith.constant 0 : i32
    %sign3A_387 = arith.cmpi slt, %squeeze3A_349, %sign3A_386 : i32
    %sign3A_388 = arith.extui %sign3A_387 : i1 to i32
    %sign3A_389 = arith.subi %sign3A_385, %sign3A_388 : i32
    %sign3A_390 = arith.constant 0 : i32
    %sign3A_391 = arith.cmpi sgt, %jit3A_381, %sign3A_390 : i32
    %sign3A_392 = arith.extui %sign3A_391 : i1 to i32
    %sign3A_393 = arith.constant 0 : i32
    %sign3A_394 = arith.cmpi slt, %jit3A_381, %sign3A_393 : i32
    %sign3A_395 = arith.extui %sign3A_394 : i1 to i32
    %sign3A_396 = arith.subi %sign3A_392, %sign3A_395 : i32
    %ne3A_397 = arith.cmpi ne, %sign3A_389, %sign3A_396 : i32
    %rem3A_398 = arith.remsi %squeeze3A_349, %jit3A_381 : i32
    %ne3A_399 = arith.constant 0 : i32
    %ne3A_400 = arith.cmpi ne, %rem3A_398, %ne3A_399 : i32
    %and3A_401 = arith.andi %ne3A_397, %ne3A_400 : i1
    %sub3A_402 = arith.constant 1 : i32
    %sub3A_403 = arith.subi %div3A_382, %sub3A_402 : i32
    %select_n3A_404 = arith.select %and3A_401, %sub3A_403, %div3A_382 : i32
    %mul3A_405 = arith.constant 128 : i32
    %mul3A_406 = arith.muli %select_n3A_404, %mul3A_405 : i32
    %multiple_of3A_407 = tpu.assume_multiple %mul3A_406, 128 : i32
    %dma_start3A_408 = arith.constant 0 : i32
    %dma_start3A_409 = tpu.memref_slice %arg5[%dma_start3A_408, %multiple_of3A_407] : memref<32x1000000xf32, #tpu.memory_space<hbm>> -> memref<32x128xf32, #tpu.memory_space<hbm>>
    %dma_start3A_410 = arith.constant 0 : i32
    %dma_start3A_411 = tpu.memref_slice %arg5[%dma_start3A_410, %multiple_of3A_407] : memref<32x1000000xf32, #tpu.memory_space<hbm>> -> memref<32x128xf32, #tpu.memory_space<hbm>>
    tpu.enqueue_dma source(%dma_start3A_411 : memref<32x128xf32, #tpu.memory_space<hbm>>) target(%arg23 : memref<32x128xf32, #tpu.memory_space<vmem>>) target_semaphore(%arg27 : memref<!tpu.dma_semaphore, #tpu.memory_space<semaphore_mem>>)
    %slice3A_412 = vector.extract_strided_slice %get3A_25 {offsets = [6], sizes = [1], strides = [1]} : vector<16xi32> to vector<1xi32>
    %squeeze3A_413 = vector.extract %slice3A_412[0] : i32 from vector<1xi32>
    %slice3A_414 = vector.extract_strided_slice %get3A_27 {offsets = [6], sizes = [1], strides = [1]} : vector<16xi32> to vector<1xi32>
    %squeeze3A_415 = vector.extract %slice3A_414[0] : i32 from vector<1xi32>
    %jit3A_416 = arith.constant 128 : i32
    %div3A_417 = arith.divsi %squeeze3A_413, %jit3A_416 : i32
    %sign3A_418 = arith.constant 0 : i32
    %sign3A_419 = arith.cmpi sgt, %squeeze3A_413, %sign3A_418 : i32
    %sign3A_420 = arith.extui %sign3A_419 : i1 to i32
    %sign3A_421 = arith.constant 0 : i32
    %sign3A_422 = arith.cmpi slt, %squeeze3A_413, %sign3A_421 : i32
    %sign3A_423 = arith.extui %sign3A_422 : i1 to i32
    %sign3A_424 = arith.subi %sign3A_420, %sign3A_423 : i32
    %sign3A_425 = arith.constant 0 : i32
    %sign3A_426 = arith.cmpi sgt, %jit3A_416, %sign3A_425 : i32
    %sign3A_427 = arith.extui %sign3A_426 : i1 to i32
    %sign3A_428 = arith.constant 0 : i32
    %sign3A_429 = arith.cmpi slt, %jit3A_416, %sign3A_428 : i32
    %sign3A_430 = arith.extui %sign3A_429 : i1 to i32
    %sign3A_431 = arith.subi %sign3A_427, %sign3A_430 : i32
    %ne3A_432 = arith.cmpi ne, %sign3A_424, %sign3A_431 : i32
    %rem3A_433 = arith.remsi %squeeze3A_413, %jit3A_416 : i32
    %ne3A_434 = arith.constant 0 : i32
    %ne3A_435 = arith.cmpi ne, %rem3A_433, %ne3A_434 : i32
    %and3A_436 = arith.andi %ne3A_432, %ne3A_435 : i1
    %sub3A_437 = arith.constant 1 : i32
    %sub3A_438 = arith.subi %div3A_417, %sub3A_437 : i32
    %select_n3A_439 = arith.select %and3A_436, %sub3A_438, %div3A_417 : i32
    %mul3A_440 = arith.constant 128 : i32
    %mul3A_441 = arith.muli %select_n3A_439, %mul3A_440 : i32
    %multiple_of3A_442 = tpu.assume_multiple %mul3A_441, 128 : i32
    %dma_start3A_443 = arith.constant 0 : i32
    %dma_start3A_444 = tpu.memref_slice %arg4[%dma_start3A_443, %multiple_of3A_442] : memref<32x1000000xf32, #tpu.memory_space<hbm>> -> memref<32x128xf32, #tpu.memory_space<hbm>>
    %dma_start3A_445 = arith.constant 0 : i32
    %dma_start3A_446 = tpu.memref_slice %arg4[%dma_start3A_445, %multiple_of3A_442] : memref<32x1000000xf32, #tpu.memory_space<hbm>> -> memref<32x128xf32, #tpu.memory_space<hbm>>
    tpu.enqueue_dma source(%dma_start3A_446 : memref<32x128xf32, #tpu.memory_space<hbm>>) target(%arg16 : memref<32x128xf32, #tpu.memory_space<vmem>>) target_semaphore(%arg26 : memref<!tpu.dma_semaphore, #tpu.memory_space<semaphore_mem>>)
    %jit3A_447 = arith.constant 128 : i32
    %div3A_448 = arith.divsi %squeeze3A_415, %jit3A_447 : i32
    %sign3A_449 = arith.constant 0 : i32
    %sign3A_450 = arith.cmpi sgt, %squeeze3A_415, %sign3A_449 : i32
    %sign3A_451 = arith.extui %sign3A_450 : i1 to i32
    %sign3A_452 = arith.constant 0 : i32
    %sign3A_453 = arith.cmpi slt, %squeeze3A_415, %sign3A_452 : i32
    %sign3A_454 = arith.extui %sign3A_453 : i1 to i32
    %sign3A_455 = arith.subi %sign3A_451, %sign3A_454 : i32
    %sign3A_456 = arith.constant 0 : i32
    %sign3A_457 = arith.cmpi sgt, %jit3A_447, %sign3A_456 : i32
    %sign3A_458 = arith.extui %sign3A_457 : i1 to i32
    %sign3A_459 = arith.constant 0 : i32
    %sign3A_460 = arith.cmpi slt, %jit3A_447, %sign3A_459 : i32
    %sign3A_461 = arith.extui %sign3A_460 : i1 to i32
    %sign3A_462 = arith.subi %sign3A_458, %sign3A_461 : i32
    %ne3A_463 = arith.cmpi ne, %sign3A_455, %sign3A_462 : i32
    %rem3A_464 = arith.remsi %squeeze3A_415, %jit3A_447 : i32
    %ne3A_465 = arith.constant 0 : i32
    %ne3A_466 = arith.cmpi ne, %rem3A_464, %ne3A_465 : i32
    %and3A_467 = arith.andi %ne3A_463, %ne3A_466 : i1
    %sub3A_468 = arith.constant 1 : i32
    %sub3A_469 = arith.subi %div3A_448, %sub3A_468 : i32
    %select_n3A_470 = arith.select %and3A_467, %sub3A_469, %div3A_448 : i32
    %mul3A_471 = arith.constant 128 : i32
    %mul3A_472 = arith.muli %select_n3A_470, %mul3A_471 : i32
    %multiple_of3A_473 = tpu.assume_multiple %mul3A_472, 128 : i32
    %dma_start3A_474 = arith.constant 0 : i32
    %dma_start3A_475 = tpu.memref_slice %arg5[%dma_start3A_474, %multiple_of3A_473] : memref<32x1000000xf32, #tpu.memory_space<hbm>> -> memref<32x128xf32, #tpu.memory_space<hbm>>
    %dma_start3A_476 = arith.constant 0 : i32
    %dma_start3A_477 = tpu.memref_slice %arg5[%dma_start3A_476, %multiple_of3A_473] : memref<32x1000000xf32, #tpu.memory_space<hbm>> -> memref<32x128xf32, #tpu.memory_space<hbm>>
    tpu.enqueue_dma source(%dma_start3A_477 : memref<32x128xf32, #tpu.memory_space<hbm>>) target(%arg24 : memref<32x128xf32, #tpu.memory_space<vmem>>) target_semaphore(%arg27 : memref<!tpu.dma_semaphore, #tpu.memory_space<semaphore_mem>>)
    %slice3A_478 = vector.extract_strided_slice %get3A_25 {offsets = [7], sizes = [1], strides = [1]} : vector<16xi32> to vector<1xi32>
    %squeeze3A_479 = vector.extract %slice3A_478[0] : i32 from vector<1xi32>
    %slice3A_480 = vector.extract_strided_slice %get3A_27 {offsets = [7], sizes = [1], strides = [1]} : vector<16xi32> to vector<1xi32>
    %squeeze3A_481 = vector.extract %slice3A_480[0] : i32 from vector<1xi32>
    %jit3A_482 = arith.constant 128 : i32
    %div3A_483 = arith.divsi %squeeze3A_479, %jit3A_482 : i32
    %sign3A_484 = arith.constant 0 : i32
    %sign3A_485 = arith.cmpi sgt, %squeeze3A_479, %sign3A_484 : i32
    %sign3A_486 = arith.extui %sign3A_485 : i1 to i32
    %sign3A_487 = arith.constant 0 : i32
    %sign3A_488 = arith.cmpi slt, %squeeze3A_479, %sign3A_487 : i32
    %sign3A_489 = arith.extui %sign3A_488 : i1 to i32
    %sign3A_490 = arith.subi %sign3A_486, %sign3A_489 : i32
    %sign3A_491 = arith.constant 0 : i32
    %sign3A_492 = arith.cmpi sgt, %jit3A_482, %sign3A_491 : i32
    %sign3A_493 = arith.extui %sign3A_492 : i1 to i32
    %sign3A_494 = arith.constant 0 : i32
    %sign3A_495 = arith.cmpi slt, %jit3A_482, %sign3A_494 : i32
    %sign3A_496 = arith.extui %sign3A_495 : i1 to i32
    %sign3A_497 = arith.subi %sign3A_493, %sign3A_496 : i32
    %ne3A_498 = arith.cmpi ne, %sign3A_490, %sign3A_497 : i32
    %rem3A_499 = arith.remsi %squeeze3A_479, %jit3A_482 : i32
    %ne3A_500 = arith.constant 0 : i32
    %ne3A_501 = arith.cmpi ne, %rem3A_499, %ne3A_500 : i32
    %and3A_502 = arith.andi %ne3A_498, %ne3A_501 : i1
    %sub3A_503 = arith.constant 1 : i32
    %sub3A_504 = arith.subi %div3A_483, %sub3A_503 : i32
    %select_n3A_505 = arith.select %and3A_502, %sub3A_504, %div3A_483 : i32
    %mul3A_506 = arith.constant 128 : i32
    %mul3A_507 = arith.muli %select_n3A_505, %mul3A_506 : i32
    %multiple_of3A_508 = tpu.assume_multiple %mul3A_507, 128 : i32
    %dma_start3A_509 = arith.constant 0 : i32
    %dma_start3A_510 = tpu.memref_slice %arg4[%dma_start3A_509, %multiple_of3A_508] : memref<32x1000000xf32, #tpu.memory_space<hbm>> -> memref<32x128xf32, #tpu.memory_space<hbm>>
    %dma_start3A_511 = arith.constant 0 : i32
    %dma_start3A_512 = tpu.memref_slice %arg4[%dma_start3A_511, %multiple_of3A_508] : memref<32x1000000xf32, #tpu.memory_space<hbm>> -> memref<32x128xf32, #tpu.memory_space<hbm>>
    tpu.enqueue_dma source(%dma_start3A_512 : memref<32x128xf32, #tpu.memory_space<hbm>>) target(%arg17 : memref<32x128xf32, #tpu.memory_space<vmem>>) target_semaphore(%arg26 : memref<!tpu.dma_semaphore, #tpu.memory_space<semaphore_mem>>)
    %jit3A_513 = arith.constant 128 : i32
    %div3A_514 = arith.divsi %squeeze3A_481, %jit3A_513 : i32
    %sign3A_515 = arith.constant 0 : i32
    %sign3A_516 = arith.cmpi sgt, %squeeze3A_481, %sign3A_515 : i32
    %sign3A_517 = arith.extui %sign3A_516 : i1 to i32
    %sign3A_518 = arith.constant 0 : i32
    %sign3A_519 = arith.cmpi slt, %squeeze3A_481, %sign3A_518 : i32
    %sign3A_520 = arith.extui %sign3A_519 : i1 to i32
    %sign3A_521 = arith.subi %sign3A_517, %sign3A_520 : i32
    %sign3A_522 = arith.constant 0 : i32
    %sign3A_523 = arith.cmpi sgt, %jit3A_513, %sign3A_522 : i32
    %sign3A_524 = arith.extui %sign3A_523 : i1 to i32
    %sign3A_525 = arith.constant 0 : i32
    %sign3A_526 = arith.cmpi slt, %jit3A_513, %sign3A_525 : i32
    %sign3A_527 = arith.extui %sign3A_526 : i1 to i32
    %sign3A_528 = arith.subi %sign3A_524, %sign3A_527 : i32
    %ne3A_529 = arith.cmpi ne, %sign3A_521, %sign3A_528 : i32
    %rem3A_530 = arith.remsi %squeeze3A_481, %jit3A_513 : i32
    %ne3A_531 = arith.constant 0 : i32
    %ne3A_532 = arith.cmpi ne, %rem3A_530, %ne3A_531 : i32
    %and3A_533 = arith.andi %ne3A_529, %ne3A_532 : i1
    %sub3A_534 = arith.constant 1 : i32
    %sub3A_535 = arith.subi %div3A_514, %sub3A_534 : i32
    %select_n3A_536 = arith.select %and3A_533, %sub3A_535, %div3A_514 : i32
    %mul3A_537 = arith.constant 128 : i32
    %mul3A_538 = arith.muli %select_n3A_536, %mul3A_537 : i32
    %multiple_of3A_539 = tpu.assume_multiple %mul3A_538, 128 : i32
    %dma_start3A_540 = arith.constant 0 : i32
    %dma_start3A_541 = tpu.memref_slice %arg5[%dma_start3A_540, %multiple_of3A_539] : memref<32x1000000xf32, #tpu.memory_space<hbm>> -> memref<32x128xf32, #tpu.memory_space<hbm>>
    %dma_start3A_542 = arith.constant 0 : i32
    %dma_start3A_543 = tpu.memref_slice %arg5[%dma_start3A_542, %multiple_of3A_539] : memref<32x1000000xf32, #tpu.memory_space<hbm>> -> memref<32x128xf32, #tpu.memory_space<hbm>>
    tpu.enqueue_dma source(%dma_start3A_543 : memref<32x128xf32, #tpu.memory_space<hbm>>) target(%arg25 : memref<32x128xf32, #tpu.memory_space<vmem>>) target_semaphore(%arg27 : memref<!tpu.dma_semaphore, #tpu.memory_space<semaphore_mem>>)
    %scan3A = arith.constant 0 : i32
    %scan3A_544 = arith.constant 0 : i32
    %scan3A_545 = arith.constant 64 : i32
    %scan3A_546 = arith.addi %scan3A_544, %scan3A_545 : i32
    %scan3A_547 = arith.constant 1 : i32
    scf.for %scan3A_656 = %scan3A_544 to %scan3A_546 step %scan3A_547  : i32 {
      %mul3A_657 = arith.constant 8 : i32
      %mul3A_658 = arith.muli %scan3A_656, %mul3A_657 : i32
      %get3A_659 = arith.index_cast %mul3A_658 : i32 to index
      %get3A_660 = tpu.vector_load %arg7[%get3A_659] {strides = array<i32>} : memref<544xi32, #tpu.memory_space<vmem>>, vector<16xi32>,
      %mul3A_661 = arith.constant 8 : i32
      %mul3A_662 = arith.muli %scan3A_656, %mul3A_661 : i32
      %get3A_663 = arith.index_cast %mul3A_662 : i32 to index
      %get3A_664 = tpu.vector_load %arg8[%get3A_663] {strides = array<i32>} : memref<544xi32, #tpu.memory_space<vmem>>, vector<16xi32>,
      %mul3A_665 = arith.constant 8 : i32
      %mul3A_666 = arith.muli %scan3A_656, %mul3A_665 : i32
      %add3A_667 = arith.constant 8 : i32
      %add3A_668 = arith.addi %mul3A_666, %add3A_667 : i32
      %get3A_669 = arith.index_cast %add3A_668 : i32 to index
      %get3A_670 = tpu.vector_load %arg7[%get3A_669] {strides = array<i32>} : memref<544xi32, #tpu.memory_space<vmem>>, vector<16xi32>,
      %mul3A_671 = arith.constant 8 : i32
      %mul3A_672 = arith.muli %scan3A_656, %mul3A_671 : i32
      %add3A_673 = arith.constant 8 : i32
      %add3A_674 = arith.addi %mul3A_672, %add3A_673 : i32
      %get3A_675 = arith.index_cast %add3A_674 : i32 to index
      %get3A_676 = tpu.vector_load %arg8[%get3A_675] {strides = array<i32>} : memref<544xi32, #tpu.memory_space<vmem>>, vector<16xi32>,
      %broadcast_in_dim3A_677 = arith.constant 0.000000e+00 : f32
      %broadcast_in_dim3A_678 = vector.broadcast %broadcast_in_dim3A_677 : f32 to vector<16xf32>
      %dma_wait3A_679 = arith.constant 0 : i32
      %dma_wait3A_680 = arith.constant 0 : i32
      %dma_wait3A_681 = tpu.memref_slice %arg4[%dma_wait3A_679, %dma_wait3A_680] : memref<32x1000000xf32, #tpu.memory_space<hbm>> -> memref<32x128xf32, #tpu.memory_space<hbm>>
      %dma_wait3A_682 = arith.constant 0 : i32
      %dma_wait3A_683 = arith.constant 0 : i32
      %dma_wait3A_684 = tpu.memref_slice %arg4[%dma_wait3A_682, %dma_wait3A_683] : memref<32x1000000xf32, #tpu.memory_space<hbm>> -> memref<32x128xf32, #tpu.memory_space<hbm>>
      tpu.wait_dma2 semaphore(%arg26 : memref<!tpu.dma_semaphore, #tpu.memory_space<semaphore_mem>>) src(%dma_wait3A_684 : memref<32x128xf32, #tpu.memory_space<hbm>>) dst(%arg10 : memref<32x128xf32, #tpu.memory_space<vmem>>)
      %dma_wait3A_685 = arith.constant 0 : i32
      %dma_wait3A_686 = arith.constant 0 : i32
      %dma_wait3A_687 = tpu.memref_slice %arg5[%dma_wait3A_685, %dma_wait3A_686] : memref<32x1000000xf32, #tpu.memory_space<hbm>> -> memref<32x128xf32, #tpu.memory_space<hbm>>
      %dma_wait3A_688 = arith.constant 0 : i32
      %dma_wait3A_689 = arith.constant 0 : i32
      %dma_wait3A_690 = tpu.memref_slice %arg5[%dma_wait3A_688, %dma_wait3A_689] : memref<32x1000000xf32, #tpu.memory_space<hbm>> -> memref<32x128xf32, #tpu.memory_space<hbm>>
      tpu.wait_dma2 semaphore(%arg27 : memref<!tpu.dma_semaphore, #tpu.memory_space<semaphore_mem>>) src(%dma_wait3A_690 : memref<32x128xf32, #tpu.memory_space<hbm>>) dst(%arg18 : memref<32x128xf32, #tpu.memory_space<vmem>>)
      %slice3A_691 = vector.extract_strided_slice %get3A_660 {offsets = [0], sizes = [1], strides = [1]} : vector<16xi32> to vector<1xi32>
      %squeeze3A_692 = vector.extract %slice3A_691[0] : i32 from vector<1xi32>
      %slice3A_693 = vector.extract_strided_slice %get3A_664 {offsets = [0], sizes = [1], strides = [1]} : vector<16xi32> to vector<1xi32>
      %squeeze3A_694 = vector.extract %slice3A_693[0] : i32 from vector<1xi32>
      %jit3A_695 = arith.constant 128 : i32
      %eq3A = arith.constant 0 : i32
      %eq3A_696 = arith.cmpi eq, %jit3A_695, %eq3A : i32
      %jit3A_697 = arith.constant 1 : i32
      %select_n3A_698 = arith.select %eq3A_696, %jit3A_697, %jit3A_695 : i32
      %rem3A_699 = arith.remsi %squeeze3A_692, %select_n3A_698 : i32
      %ne3A_700 = arith.constant 0 : i32
      %ne3A_701 = arith.cmpi ne, %rem3A_699, %ne3A_700 : i32
      %lt3A = arith.constant 0 : i32
      %lt3A_702 = arith.cmpi slt, %rem3A_699, %lt3A : i32
      %lt3A_703 = arith.constant 0 : i32
      %lt3A_704 = arith.cmpi slt, %select_n3A_698, %lt3A_703 : i32
      %ne3A_705 = arith.xori %lt3A_702, %lt3A_704 : i1
      %and3A_706 = arith.andi %ne3A_705, %ne3A_701 : i1
      %add3A_707 = arith.addi %rem3A_699, %select_n3A_698 : i32
      %select_n3A_708 = arith.select %and3A_706, %add3A_707, %rem3A_699 : i32
      %broadcast_in_dim3A_709 = vector.broadcast %select_n3A_708 : i32 to vector<16xi32>
      %jit3A_710 = arith.constant 128 : i32
      %eq3A_711 = arith.constant 0 : i32
      %eq3A_712 = arith.cmpi eq, %jit3A_710, %eq3A_711 : i32
      %jit3A_713 = arith.constant 1 : i32
      %select_n3A_714 = arith.select %eq3A_712, %jit3A_713, %jit3A_710 : i32
      %rem3A_715 = arith.remsi %squeeze3A_694, %select_n3A_714 : i32
      %ne3A_716 = arith.constant 0 : i32
      %ne3A_717 = arith.cmpi ne, %rem3A_715, %ne3A_716 : i32
      %lt3A_718 = arith.constant 0 : i32
      %lt3A_719 = arith.cmpi slt, %rem3A_715, %lt3A_718 : i32
      %lt3A_720 = arith.constant 0 : i32
      %lt3A_721 = arith.cmpi slt, %select_n3A_714, %lt3A_720 : i32
      %ne3A_722 = arith.xori %lt3A_719, %lt3A_721 : i1
      %and3A_723 = arith.andi %ne3A_722, %ne3A_717 : i1
      %add3A_724 = arith.addi %rem3A_715, %select_n3A_714 : i32
      %select_n3A_725 = arith.select %and3A_723, %add3A_724, %rem3A_715 : i32
      %broadcast_in_dim3A_726 = vector.broadcast %select_n3A_725 : i32 to vector<16xi32>
      %gather3A = tpu.vector_load_idx %arg10[%iota3A, %broadcast_in_dim3A_709] : memref<32x128xf32, #tpu.memory_space<vmem>>[vector<16xi32>, vector<16xi32>], vector<16xf32>,
      %gather3A_727 = tpu.vector_load_idx %arg10[%add3A_13, %broadcast_in_dim3A_709] : memref<32x128xf32, #tpu.memory_space<vmem>>[vector<16xi32>, vector<16xi32>], vector<16xf32>,
      %gather3A_728 = tpu.vector_load_idx %arg18[%iota3A, %broadcast_in_dim3A_726] : memref<32x128xf32, #tpu.memory_space<vmem>>[vector<16xi32>, vector<16xi32>], vector<16xf32>,
      %gather3A_729 = tpu.vector_load_idx %arg18[%add3A_13, %broadcast_in_dim3A_726] : memref<32x128xf32, #tpu.memory_space<vmem>>[vector<16xi32>, vector<16xi32>], vector<16xf32>,
      %mul3A_730 = arith.mulf %gather3A, %gather3A_728 : vector<16xf32>
      %mul3A_731 = arith.mulf %gather3A_727, %gather3A_729 : vector<16xf32>
      %add3A_732 = arith.addf %mul3A_730, %mul3A_731 : vector<16xf32>
      %broadcast_in_dim3A_733 = vector.shape_cast %xor3A_15 : vector<16xi32> to vector<16x1xi32>
      %gather3A_734 = vector.shape_cast %broadcast_in_dim3A_733 : vector<16x1xi32> to vector<16xi32>
      %gather3A_735 = tpu.dynamic_gather %add3A_732[%gather3A_734] in [0] : vector<16xf32>, vector<16xi32> -> vector<16xf32>
      %add3A_736 = arith.addf %add3A_732, %gather3A_735 : vector<16xf32>
      %broadcast_in_dim3A_737 = vector.shape_cast %xor3A_18 : vector<16xi32> to vector<16x1xi32>
      %gather3A_738 = vector.shape_cast %broadcast_in_dim3A_737 : vector<16x1xi32> to vector<16xi32>
      %gather3A_739 = tpu.dynamic_gather %add3A_736[%gather3A_738] in [0] : vector<16xf32>, vector<16xi32> -> vector<16xf32>
      %add3A_740 = arith.addf %add3A_736, %gather3A_739 : vector<16xf32>
      %broadcast_in_dim3A_741 = vector.shape_cast %xor3A_21 : vector<16xi32> to vector<16x1xi32>
      %gather3A_742 = vector.shape_cast %broadcast_in_dim3A_741 : vector<16x1xi32> to vector<16xi32>
      %gather3A_743 = tpu.dynamic_gather %add3A_740[%gather3A_742] in [0] : vector<16xf32>, vector<16xi32> -> vector<16xf32>
      %add3A_744 = arith.addf %add3A_740, %gather3A_743 : vector<16xf32>
      %broadcast_in_dim3A_745 = vector.shape_cast %xor3A_24 : vector<16xi32> to vector<16x1xi32>
      %gather3A_746 = vector.shape_cast %broadcast_in_dim3A_745 : vector<16x1xi32> to vector<16xi32>
      %gather3A_747 = tpu.dynamic_gather %add3A_744[%gather3A_746] in [0] : vector<16xf32>, vector<16xi32> -> vector<16xf32>
      %add3A_748 = arith.addf %add3A_744, %gather3A_747 : vector<16xf32>
      %eq3A_749 = arith.constant 0 : i32
      %eq3A_750 = vector.broadcast %eq3A_749 : i32 to vector<16xi32>
      %eq3A_751 = arith.cmpi eq, %iota3A, %eq3A_750 : vector<16xi32>
      %select_n3A_752 = arith.select %eq3A_751, %add3A_748, %broadcast_in_dim3A_678 : vector<16xi1>, vector<16xf32>
      %slice3A_753 = vector.extract_strided_slice %get3A_670 {offsets = [0], sizes = [1], strides = [1]} : vector<16xi32> to vector<1xi32>
      %squeeze3A_754 = vector.extract %slice3A_753[0] : i32 from vector<1xi32>
      %slice3A_755 = vector.extract_strided_slice %get3A_676 {offsets = [0], sizes = [1], strides = [1]} : vector<16xi32> to vector<1xi32>
      %squeeze3A_756 = vector.extract %slice3A_755[0] : i32 from vector<1xi32>
      %jit3A_757 = arith.constant 128 : i32
      %div3A_758 = arith.divsi %squeeze3A_754, %jit3A_757 : i32
      %sign3A_759 = arith.constant 0 : i32
      %sign3A_760 = arith.cmpi sgt, %squeeze3A_754, %sign3A_759 : i32
      %sign3A_761 = arith.extui %sign3A_760 : i1 to i32
      %sign3A_762 = arith.constant 0 : i32
      %sign3A_763 = arith.cmpi slt, %squeeze3A_754, %sign3A_762 : i32
      %sign3A_764 = arith.extui %sign3A_763 : i1 to i32
      %sign3A_765 = arith.subi %sign3A_761, %sign3A_764 : i32
      %sign3A_766 = arith.constant 0 : i32
      %sign3A_767 = arith.cmpi sgt, %jit3A_757, %sign3A_766 : i32
      %sign3A_768 = arith.extui %sign3A_767 : i1 to i32
      %sign3A_769 = arith.constant 0 : i32
      %sign3A_770 = arith.cmpi slt, %jit3A_757, %sign3A_769 : i32
      %sign3A_771 = arith.extui %sign3A_770 : i1 to i32
      %sign3A_772 = arith.subi %sign3A_768, %sign3A_771 : i32
      %ne3A_773 = arith.cmpi ne, %sign3A_765, %sign3A_772 : i32
      %rem3A_774 = arith.remsi %squeeze3A_754, %jit3A_757 : i32
      %ne3A_775 = arith.constant 0 : i32
      %ne3A_776 = arith.cmpi ne, %rem3A_774, %ne3A_775 : i32
      %and3A_777 = arith.andi %ne3A_773, %ne3A_776 : i1
      %sub3A_778 = arith.constant 1 : i32
      %sub3A_779 = arith.subi %div3A_758, %sub3A_778 : i32
      %select_n3A_780 = arith.select %and3A_777, %sub3A_779, %div3A_758 : i32
      %mul3A_781 = arith.constant 128 : i32
      %mul3A_782 = arith.muli %select_n3A_780, %mul3A_781 : i32
      %multiple_of3A_783 = tpu.assume_multiple %mul3A_782, 128 : i32
      %dma_start3A_784 = arith.constant 0 : i32
      %dma_start3A_785 = tpu.memref_slice %arg4[%dma_start3A_784, %multiple_of3A_783] : memref<32x1000000xf32, #tpu.memory_space<hbm>> -> memref<32x128xf32, #tpu.memory_space<hbm>>
      %dma_start3A_786 = arith.constant 0 : i32
      %dma_start3A_787 = tpu.memref_slice %arg4[%dma_start3A_786, %multiple_of3A_783] : memref<32x1000000xf32, #tpu.memory_space<hbm>> -> memref<32x128xf32, #tpu.memory_space<hbm>>
      tpu.enqueue_dma source(%dma_start3A_787 : memref<32x128xf32, #tpu.memory_space<hbm>>) target(%arg10 : memref<32x128xf32, #tpu.memory_space<vmem>>) target_semaphore(%arg26 : memref<!tpu.dma_semaphore, #tpu.memory_space<semaphore_mem>>)
      %jit3A_788 = arith.constant 128 : i32
      %div3A_789 = arith.divsi %squeeze3A_756, %jit3A_788 : i32
      %sign3A_790 = arith.constant 0 : i32
      %sign3A_791 = arith.cmpi sgt, %squeeze3A_756, %sign3A_790 : i32
      %sign3A_792 = arith.extui %sign3A_791 : i1 to i32
      %sign3A_793 = arith.constant 0 : i32
      %sign3A_794 = arith.cmpi slt, %squeeze3A_756, %sign3A_793 : i32
      %sign3A_795 = arith.extui %sign3A_794 : i1 to i32
      %sign3A_796 = arith.subi %sign3A_792, %sign3A_795 : i32
      %sign3A_797 = arith.constant 0 : i32
      %sign3A_798 = arith.cmpi sgt, %jit3A_788, %sign3A_797 : i32
      %sign3A_799 = arith.extui %sign3A_798 : i1 to i32
      %sign3A_800 = arith.constant 0 : i32
      %sign3A_801 = arith.cmpi slt, %jit3A_788, %sign3A_800 : i32
      %sign3A_802 = arith.extui %sign3A_801 : i1 to i32
      %sign3A_803 = arith.subi %sign3A_799, %sign3A_802 : i32
      %ne3A_804 = arith.cmpi ne, %sign3A_796, %sign3A_803 : i32
      %rem3A_805 = arith.remsi %squeeze3A_756, %jit3A_788 : i32
      %ne3A_806 = arith.constant 0 : i32
      %ne3A_807 = arith.cmpi ne, %rem3A_805, %ne3A_806 : i32
      %and3A_808 = arith.andi %ne3A_804, %ne3A_807 : i1
      %sub3A_809 = arith.constant 1 : i32
      %sub3A_810 = arith.subi %div3A_789, %sub3A_809 : i32
      %select_n3A_811 = arith.select %and3A_808, %sub3A_810, %div3A_789 : i32
      %mul3A_812 = arith.constant 128 : i32
      %mul3A_813 = arith.muli %select_n3A_811, %mul3A_812 : i32
      %multiple_of3A_814 = tpu.assume_multiple %mul3A_813, 128 : i32
      %dma_start3A_815 = arith.constant 0 : i32
      %dma_start3A_816 = tpu.memref_slice %arg5[%dma_start3A_815, %multiple_of3A_814] : memref<32x1000000xf32, #tpu.memory_space<hbm>> -> memref<32x128xf32, #tpu.memory_space<hbm>>
      %dma_start3A_817 = arith.constant 0 : i32
      %dma_start3A_818 = tpu.memref_slice %arg5[%dma_start3A_817, %multiple_of3A_814] : memref<32x1000000xf32, #tpu.memory_space<hbm>> -> memref<32x128xf32, #tpu.memory_space<hbm>>
      tpu.enqueue_dma source(%dma_start3A_818 : memref<32x128xf32, #tpu.memory_space<hbm>>) target(%arg18 : memref<32x128xf32, #tpu.memory_space<vmem>>) target_semaphore(%arg27 : memref<!tpu.dma_semaphore, #tpu.memory_space<semaphore_mem>>)
      %dma_wait3A_819 = arith.constant 0 : i32
      %dma_wait3A_820 = arith.constant 0 : i32
      %dma_wait3A_821 = tpu.memref_slice %arg4[%dma_wait3A_819, %dma_wait3A_820] : memref<32x1000000xf32, #tpu.memory_space<hbm>> -> memref<32x128xf32, #tpu.memory_space<hbm>>
      %dma_wait3A_822 = arith.constant 0 : i32
      %dma_wait3A_823 = arith.constant 0 : i32
      %dma_wait3A_824 = tpu.memref_slice %arg4[%dma_wait3A_822, %dma_wait3A_823] : memref<32x1000000xf32, #tpu.memory_space<hbm>> -> memref<32x128xf32, #tpu.memory_space<hbm>>
      tpu.wait_dma2 semaphore(%arg26 : memref<!tpu.dma_semaphore, #tpu.memory_space<semaphore_mem>>) src(%dma_wait3A_824 : memref<32x128xf32, #tpu.memory_space<hbm>>) dst(%arg11 : memref<32x128xf32, #tpu.memory_space<vmem>>)
      %dma_wait3A_825 = arith.constant 0 : i32
      %dma_wait3A_826 = arith.constant 0 : i32
      %dma_wait3A_827 = tpu.memref_slice %arg5[%dma_wait3A_825, %dma_wait3A_826] : memref<32x1000000xf32, #tpu.memory_space<hbm>> -> memref<32x128xf32, #tpu.memory_space<hbm>>
      %dma_wait3A_828 = arith.constant 0 : i32
      %dma_wait3A_829 = arith.constant 0 : i32
      %dma_wait3A_830 = tpu.memref_slice %arg5[%dma_wait3A_828, %dma_wait3A_829] : memref<32x1000000xf32, #tpu.memory_space<hbm>> -> memref<32x128xf32, #tpu.memory_space<hbm>>
      tpu.wait_dma2 semaphore(%arg27 : memref<!tpu.dma_semaphore, #tpu.memory_space<semaphore_mem>>) src(%dma_wait3A_830 : memref<32x128xf32, #tpu.memory_space<hbm>>) dst(%arg19 : memref<32x128xf32, #tpu.memory_space<vmem>>)
      %slice3A_831 = vector.extract_strided_slice %get3A_660 {offsets = [1], sizes = [1], strides = [1]} : vector<16xi32> to vector<1xi32>
      %squeeze3A_832 = vector.extract %slice3A_831[0] : i32 from vector<1xi32>
      %slice3A_833 = vector.extract_strided_slice %get3A_664 {offsets = [1], sizes = [1], strides = [1]} : vector<16xi32> to vector<1xi32>
      %squeeze3A_834 = vector.extract %slice3A_833[0] : i32 from vector<1xi32>
      %jit3A_835 = arith.constant 128 : i32
      %eq3A_836 = arith.constant 0 : i32
      %eq3A_837 = arith.cmpi eq, %jit3A_835, %eq3A_836 : i32
      %jit3A_838 = arith.constant 1 : i32
      %select_n3A_839 = arith.select %eq3A_837, %jit3A_838, %jit3A_835 : i32
      %rem3A_840 = arith.remsi %squeeze3A_832, %select_n3A_839 : i32
      %ne3A_841 = arith.constant 0 : i32
      %ne3A_842 = arith.cmpi ne, %rem3A_840, %ne3A_841 : i32
      %lt3A_843 = arith.constant 0 : i32
      %lt3A_844 = arith.cmpi slt, %rem3A_840, %lt3A_843 : i32
      %lt3A_845 = arith.constant 0 : i32
      %lt3A_846 = arith.cmpi slt, %select_n3A_839, %lt3A_845 : i32
      %ne3A_847 = arith.xori %lt3A_844, %lt3A_846 : i1
      %and3A_848 = arith.andi %ne3A_847, %ne3A_842 : i1
      %add3A_849 = arith.addi %rem3A_840, %select_n3A_839 : i32
      %select_n3A_850 = arith.select %and3A_848, %add3A_849, %rem3A_840 : i32
      %broadcast_in_dim3A_851 = vector.broadcast %select_n3A_850 : i32 to vector<16xi32>
      %jit3A_852 = arith.constant 128 : i32
      %eq3A_853 = arith.constant 0 : i32
      %eq3A_854 = arith.cmpi eq, %jit3A_852, %eq3A_853 : i32
      %jit3A_855 = arith.constant 1 : i32
      %select_n3A_856 = arith.select %eq3A_854, %jit3A_855, %jit3A_852 : i32
      %rem3A_857 = arith.remsi %squeeze3A_834, %select_n3A_856 : i32
      %ne3A_858 = arith.constant 0 : i32
      %ne3A_859 = arith.cmpi ne, %rem3A_857, %ne3A_858 : i32
      %lt3A_860 = arith.constant 0 : i32
      %lt3A_861 = arith.cmpi slt, %rem3A_857, %lt3A_860 : i32
      %lt3A_862 = arith.constant 0 : i32
      %lt3A_863 = arith.cmpi slt, %select_n3A_856, %lt3A_862 : i32
      %ne3A_864 = arith.xori %lt3A_861, %lt3A_863 : i1
      %and3A_865 = arith.andi %ne3A_864, %ne3A_859 : i1
      %add3A_866 = arith.addi %rem3A_857, %select_n3A_856 : i32
      %select_n3A_867 = arith.select %and3A_865, %add3A_866, %rem3A_857 : i32
      %broadcast_in_dim3A_868 = vector.broadcast %select_n3A_867 : i32 to vector<16xi32>
      %gather3A_869 = tpu.vector_load_idx %arg11[%iota3A, %broadcast_in_dim3A_851] : memref<32x128xf32, #tpu.memory_space<vmem>>[vector<16xi32>, vector<16xi32>], vector<16xf32>,
      %gather3A_870 = tpu.vector_load_idx %arg11[%add3A_13, %broadcast_in_dim3A_851] : memref<32x128xf32, #tpu.memory_space<vmem>>[vector<16xi32>, vector<16xi32>], vector<16xf32>,
      %gather3A_871 = tpu.vector_load_idx %arg19[%iota3A, %broadcast_in_dim3A_868] : memref<32x128xf32, #tpu.memory_space<vmem>>[vector<16xi32>, vector<16xi32>], vector<16xf32>,
      %gather3A_872 = tpu.vector_load_idx %arg19[%add3A_13, %broadcast_in_dim3A_868] : memref<32x128xf32, #tpu.memory_space<vmem>>[vector<16xi32>, vector<16xi32>], vector<16xf32>,
      %mul3A_873 = arith.mulf %gather3A_869, %gather3A_871 : vector<16xf32>
      %mul3A_874 = arith.mulf %gather3A_870, %gather3A_872 : vector<16xf32>
      %add3A_875 = arith.addf %mul3A_873, %mul3A_874 : vector<16xf32>
      %broadcast_in_dim3A_876 = vector.shape_cast %xor3A_15 : vector<16xi32> to vector<16x1xi32>
      %gather3A_877 = vector.shape_cast %broadcast_in_dim3A_876 : vector<16x1xi32> to vector<16xi32>
      %gather3A_878 = tpu.dynamic_gather %add3A_875[%gather3A_877] in [0] : vector<16xf32>, vector<16xi32> -> vector<16xf32>
      %add3A_879 = arith.addf %add3A_875, %gather3A_878 : vector<16xf32>
      %broadcast_in_dim3A_880 = vector.shape_cast %xor3A_18 : vector<16xi32> to vector<16x1xi32>
      %gather3A_881 = vector.shape_cast %broadcast_in_dim3A_880 : vector<16x1xi32> to vector<16xi32>
      %gather3A_882 = tpu.dynamic_gather %add3A_879[%gather3A_881] in [0] : vector<16xf32>, vector<16xi32> -> vector<16xf32>
      %add3A_883 = arith.addf %add3A_879, %gather3A_882 : vector<16xf32>
      %broadcast_in_dim3A_884 = vector.shape_cast %xor3A_21 : vector<16xi32> to vector<16x1xi32>
      %gather3A_885 = vector.shape_cast %broadcast_in_dim3A_884 : vector<16x1xi32> to vector<16xi32>
      %gather3A_886 = tpu.dynamic_gather %add3A_883[%gather3A_885] in [0] : vector<16xf32>, vector<16xi32> -> vector<16xf32>
      %add3A_887 = arith.addf %add3A_883, %gather3A_886 : vector<16xf32>
      %broadcast_in_dim3A_888 = vector.shape_cast %xor3A_24 : vector<16xi32> to vector<16x1xi32>
      %gather3A_889 = vector.shape_cast %broadcast_in_dim3A_888 : vector<16x1xi32> to vector<16xi32>
      %gather3A_890 = tpu.dynamic_gather %add3A_887[%gather3A_889] in [0] : vector<16xf32>, vector<16xi32> -> vector<16xf32>
      %add3A_891 = arith.addf %add3A_887, %gather3A_890 : vector<16xf32>
      %eq3A_892 = arith.constant 1 : i32
      %eq3A_893 = vector.broadcast %eq3A_892 : i32 to vector<16xi32>
      %eq3A_894 = arith.cmpi eq, %iota3A, %eq3A_893 : vector<16xi32>
      %select_n3A_895 = arith.select %eq3A_894, %add3A_891, %select_n3A_752 : vector<16xi1>, vector<16xf32>
      %slice3A_896 = vector.extract_strided_slice %get3A_670 {offsets = [1], sizes = [1], strides = [1]} : vector<16xi32> to vector<1xi32>
      %squeeze3A_897 = vector.extract %slice3A_896[0] : i32 from vector<1xi32>
      %slice3A_898 = vector.extract_strided_slice %get3A_676 {offsets = [1], sizes = [1], strides = [1]} : vector<16xi32> to vector<1xi32>
      %squeeze3A_899 = vector.extract %slice3A_898[0] : i32 from vector<1xi32>
      %jit3A_900 = arith.constant 128 : i32
      %div3A_901 = arith.divsi %squeeze3A_897, %jit3A_900 : i32
      %sign3A_902 = arith.constant 0 : i32
      %sign3A_903 = arith.cmpi sgt, %squeeze3A_897, %sign3A_902 : i32
      %sign3A_904 = arith.extui %sign3A_903 : i1 to i32
      %sign3A_905 = arith.constant 0 : i32
      %sign3A_906 = arith.cmpi slt, %squeeze3A_897, %sign3A_905 : i32
      %sign3A_907 = arith.extui %sign3A_906 : i1 to i32
      %sign3A_908 = arith.subi %sign3A_904, %sign3A_907 : i32
      %sign3A_909 = arith.constant 0 : i32
      %sign3A_910 = arith.cmpi sgt, %jit3A_900, %sign3A_909 : i32
      %sign3A_911 = arith.extui %sign3A_910 : i1 to i32
      %sign3A_912 = arith.constant 0 : i32
      %sign3A_913 = arith.cmpi slt, %jit3A_900, %sign3A_912 : i32
      %sign3A_914 = arith.extui %sign3A_913 : i1 to i32
      %sign3A_915 = arith.subi %sign3A_911, %sign3A_914 : i32
      %ne3A_916 = arith.cmpi ne, %sign3A_908, %sign3A_915 : i32
      %rem3A_917 = arith.remsi %squeeze3A_897, %jit3A_900 : i32
      %ne3A_918 = arith.constant 0 : i32
      %ne3A_919 = arith.cmpi ne, %rem3A_917, %ne3A_918 : i32
      %and3A_920 = arith.andi %ne3A_916, %ne3A_919 : i1
      %sub3A_921 = arith.constant 1 : i32
      %sub3A_922 = arith.subi %div3A_901, %sub3A_921 : i32
      %select_n3A_923 = arith.select %and3A_920, %sub3A_922, %div3A_901 : i32
      %mul3A_924 = arith.constant 128 : i32
      %mul3A_925 = arith.muli %select_n3A_923, %mul3A_924 : i32
      %multiple_of3A_926 = tpu.assume_multiple %mul3A_925, 128 : i32
      %dma_start3A_927 = arith.constant 0 : i32
      %dma_start3A_928 = tpu.memref_slice %arg4[%dma_start3A_927, %multiple_of3A_926] : memref<32x1000000xf32, #tpu.memory_space<hbm>> -> memref<32x128xf32, #tpu.memory_space<hbm>>
      %dma_start3A_929 = arith.constant 0 : i32
      %dma_start3A_930 = tpu.memref_slice %arg4[%dma_start3A_929, %multiple_of3A_926] : memref<32x1000000xf32, #tpu.memory_space<hbm>> -> memref<32x128xf32, #tpu.memory_space<hbm>>
      tpu.enqueue_dma source(%dma_start3A_930 : memref<32x128xf32, #tpu.memory_space<hbm>>) target(%arg11 : memref<32x128xf32, #tpu.memory_space<vmem>>) target_semaphore(%arg26 : memref<!tpu.dma_semaphore, #tpu.memory_space<semaphore_mem>>)
      %jit3A_931 = arith.constant 128 : i32
      %div3A_932 = arith.divsi %squeeze3A_899, %jit3A_931 : i32
      %sign3A_933 = arith.constant 0 : i32
      %sign3A_934 = arith.cmpi sgt, %squeeze3A_899, %sign3A_933 : i32
      %sign3A_935 = arith.extui %sign3A_934 : i1 to i32
      %sign3A_936 = arith.constant 0 : i32
      %sign3A_937 = arith.cmpi slt, %squeeze3A_899, %sign3A_936 : i32
      %sign3A_938 = arith.extui %sign3A_937 : i1 to i32
      %sign3A_939 = arith.subi %sign3A_935, %sign3A_938 : i32
      %sign3A_940 = arith.constant 0 : i32
      %sign3A_941 = arith.cmpi sgt, %jit3A_931, %sign3A_940 : i32
      %sign3A_942 = arith.extui %sign3A_941 : i1 to i32
      %sign3A_943 = arith.constant 0 : i32
      %sign3A_944 = arith.cmpi slt, %jit3A_931, %sign3A_943 : i32
      %sign3A_945 = arith.extui %sign3A_944 : i1 to i32
      %sign3A_946 = arith.subi %sign3A_942, %sign3A_945 : i32
      %ne3A_947 = arith.cmpi ne, %sign3A_939, %sign3A_946 : i32
      %rem3A_948 = arith.remsi %squeeze3A_899, %jit3A_931 : i32
      %ne3A_949 = arith.constant 0 : i32
      %ne3A_950 = arith.cmpi ne, %rem3A_948, %ne3A_949 : i32
      %and3A_951 = arith.andi %ne3A_947, %ne3A_950 : i1
      %sub3A_952 = arith.constant 1 : i32
      %sub3A_953 = arith.subi %div3A_932, %sub3A_952 : i32
      %select_n3A_954 = arith.select %and3A_951, %sub3A_953, %div3A_932 : i32
      %mul3A_955 = arith.constant 128 : i32
      %mul3A_956 = arith.muli %select_n3A_954, %mul3A_955 : i32
      %multiple_of3A_957 = tpu.assume_multiple %mul3A_956, 128 : i32
      %dma_start3A_958 = arith.constant 0 : i32
      %dma_start3A_959 = tpu.memref_slice %arg5[%dma_start3A_958, %multiple_of3A_957] : memref<32x1000000xf32, #tpu.memory_space<hbm>> -> memref<32x128xf32, #tpu.memory_space<hbm>>
      %dma_start3A_960 = arith.constant 0 : i32
      %dma_start3A_961 = tpu.memref_slice %arg5[%dma_start3A_960, %multiple_of3A_957] : memref<32x1000000xf32, #tpu.memory_space<hbm>> -> memref<32x128xf32, #tpu.memory_space<hbm>>
      tpu.enqueue_dma source(%dma_start3A_961 : memref<32x128xf32, #tpu.memory_space<hbm>>) target(%arg19 : memref<32x128xf32, #tpu.memory_space<vmem>>) target_semaphore(%arg27 : memref<!tpu.dma_semaphore, #tpu.memory_space<semaphore_mem>>)
      %dma_wait3A_962 = arith.constant 0 : i32
      %dma_wait3A_963 = arith.constant 0 : i32
      %dma_wait3A_964 = tpu.memref_slice %arg4[%dma_wait3A_962, %dma_wait3A_963] : memref<32x1000000xf32, #tpu.memory_space<hbm>> -> memref<32x128xf32, #tpu.memory_space<hbm>>
      %dma_wait3A_965 = arith.constant 0 : i32
      %dma_wait3A_966 = arith.constant 0 : i32
      %dma_wait3A_967 = tpu.memref_slice %arg4[%dma_wait3A_965, %dma_wait3A_966] : memref<32x1000000xf32, #tpu.memory_space<hbm>> -> memref<32x128xf32, #tpu.memory_space<hbm>>
      tpu.wait_dma2 semaphore(%arg26 : memref<!tpu.dma_semaphore, #tpu.memory_space<semaphore_mem>>) src(%dma_wait3A_967 : memref<32x128xf32, #tpu.memory_space<hbm>>) dst(%arg12 : memref<32x128xf32, #tpu.memory_space<vmem>>)
      %dma_wait3A_968 = arith.constant 0 : i32
      %dma_wait3A_969 = arith.constant 0 : i32
      %dma_wait3A_970 = tpu.memref_slice %arg5[%dma_wait3A_968, %dma_wait3A_969] : memref<32x1000000xf32, #tpu.memory_space<hbm>> -> memref<32x128xf32, #tpu.memory_space<hbm>>
      %dma_wait3A_971 = arith.constant 0 : i32
      %dma_wait3A_972 = arith.constant 0 : i32
      %dma_wait3A_973 = tpu.memref_slice %arg5[%dma_wait3A_971, %dma_wait3A_972] : memref<32x1000000xf32, #tpu.memory_space<hbm>> -> memref<32x128xf32, #tpu.memory_space<hbm>>
      tpu.wait_dma2 semaphore(%arg27 : memref<!tpu.dma_semaphore, #tpu.memory_space<semaphore_mem>>) src(%dma_wait3A_973 : memref<32x128xf32, #tpu.memory_space<hbm>>) dst(%arg20 : memref<32x128xf32, #tpu.memory_space<vmem>>)
      %slice3A_974 = vector.extract_strided_slice %get3A_660 {offsets = [2], sizes = [1], strides = [1]} : vector<16xi32> to vector<1xi32>
      %squeeze3A_975 = vector.extract %slice3A_974[0] : i32 from vector<1xi32>
      %slice3A_976 = vector.extract_strided_slice %get3A_664 {offsets = [2], sizes = [1], strides = [1]} : vector<16xi32> to vector<1xi32>
      %squeeze3A_977 = vector.extract %slice3A_976[0] : i32 from vector<1xi32>
      %jit3A_978 = arith.constant 128 : i32
      %eq3A_979 = arith.constant 0 : i32
      %eq3A_980 = arith.cmpi eq, %jit3A_978, %eq3A_979 : i32
      %jit3A_981 = arith.constant 1 : i32
      %select_n3A_982 = arith.select %eq3A_980, %jit3A_981, %jit3A_978 : i32
      %rem3A_983 = arith.remsi %squeeze3A_975, %select_n3A_982 : i32
      %ne3A_984 = arith.constant 0 : i32
      %ne3A_985 = arith.cmpi ne, %rem3A_983, %ne3A_984 : i32
      %lt3A_986 = arith.constant 0 : i32
      %lt3A_987 = arith.cmpi slt, %rem3A_983, %lt3A_986 : i32
      %lt3A_988 = arith.constant 0 : i32
      %lt3A_989 = arith.cmpi slt, %select_n3A_982, %lt3A_988 : i32
      %ne3A_990 = arith.xori %lt3A_987, %lt3A_989 : i1
      %and3A_991 = arith.andi %ne3A_990, %ne3A_985 : i1
      %add3A_992 = arith.addi %rem3A_983, %select_n3A_982 : i32
      %select_n3A_993 = arith.select %and3A_991, %add3A_992, %rem3A_983 : i32
      %broadcast_in_dim3A_994 = vector.broadcast %select_n3A_993 : i32 to vector<16xi32>
      %jit3A_995 = arith.constant 128 : i32
      %eq3A_996 = arith.constant 0 : i32
      %eq3A_997 = arith.cmpi eq, %jit3A_995, %eq3A_996 : i32
      %jit3A_998 = arith.constant 1 : i32
      %select_n3A_999 = arith.select %eq3A_997, %jit3A_998, %jit3A_995 : i32
      %rem3A_1000 = arith.remsi %squeeze3A_977, %select_n3A_999 : i32
      %ne3A_1001 = arith.constant 0 : i32
      %ne3A_1002 = arith.cmpi ne, %rem3A_1000, %ne3A_1001 : i32
      %lt3A_1003 = arith.constant 0 : i32
      %lt3A_1004 = arith.cmpi slt, %rem3A_1000, %lt3A_1003 : i32
      %lt3A_1005 = arith.constant 0 : i32
      %lt3A_1006 = arith.cmpi slt, %select_n3A_999, %lt3A_1005 : i32
      %ne3A_1007 = arith.xori %lt3A_1004, %lt3A_1006 : i1
      %and3A_1008 = arith.andi %ne3A_1007, %ne3A_1002 : i1
      %add3A_1009 = arith.addi %rem3A_1000, %select_n3A_999 : i32
      %select_n3A_1010 = arith.select %and3A_1008, %add3A_1009, %rem3A_1000 : i32
      %broadcast_in_dim3A_1011 = vector.broadcast %select_n3A_1010 : i32 to vector<16xi32>
      %gather3A_1012 = tpu.vector_load_idx %arg12[%iota3A, %broadcast_in_dim3A_994] : memref<32x128xf32, #tpu.memory_space<vmem>>[vector<16xi32>, vector<16xi32>], vector<16xf32>,
      %gather3A_1013 = tpu.vector_load_idx %arg12[%add3A_13, %broadcast_in_dim3A_994] : memref<32x128xf32, #tpu.memory_space<vmem>>[vector<16xi32>, vector<16xi32>], vector<16xf32>,
      %gather3A_1014 = tpu.vector_load_idx %arg20[%iota3A, %broadcast_in_dim3A_1011] : memref<32x128xf32, #tpu.memory_space<vmem>>[vector<16xi32>, vector<16xi32>], vector<16xf32>,
      %gather3A_1015 = tpu.vector_load_idx %arg20[%add3A_13, %broadcast_in_dim3A_1011] : memref<32x128xf32, #tpu.memory_space<vmem>>[vector<16xi32>, vector<16xi32>], vector<16xf32>,
      %mul3A_1016 = arith.mulf %gather3A_1012, %gather3A_1014 : vector<16xf32>
      %mul3A_1017 = arith.mulf %gather3A_1013, %gather3A_1015 : vector<16xf32>
      %add3A_1018 = arith.addf %mul3A_1016, %mul3A_1017 : vector<16xf32>
      %broadcast_in_dim3A_1019 = vector.shape_cast %xor3A_15 : vector<16xi32> to vector<16x1xi32>
      %gather3A_1020 = vector.shape_cast %broadcast_in_dim3A_1019 : vector<16x1xi32> to vector<16xi32>
      %gather3A_1021 = tpu.dynamic_gather %add3A_1018[%gather3A_1020] in [0] : vector<16xf32>, vector<16xi32> -> vector<16xf32>
      %add3A_1022 = arith.addf %add3A_1018, %gather3A_1021 : vector<16xf32>
      %broadcast_in_dim3A_1023 = vector.shape_cast %xor3A_18 : vector<16xi32> to vector<16x1xi32>
      %gather3A_1024 = vector.shape_cast %broadcast_in_dim3A_1023 : vector<16x1xi32> to vector<16xi32>
      %gather3A_1025 = tpu.dynamic_gather %add3A_1022[%gather3A_1024] in [0] : vector<16xf32>, vector<16xi32> -> vector<16xf32>
      %add3A_1026 = arith.addf %add3A_1022, %gather3A_1025 : vector<16xf32>
      %broadcast_in_dim3A_1027 = vector.shape_cast %xor3A_21 : vector<16xi32> to vector<16x1xi32>
      %gather3A_1028 = vector.shape_cast %broadcast_in_dim3A_1027 : vector<16x1xi32> to vector<16xi32>
      %gather3A_1029 = tpu.dynamic_gather %add3A_1026[%gather3A_1028] in [0] : vector<16xf32>, vector<16xi32> -> vector<16xf32>
      %add3A_1030 = arith.addf %add3A_1026, %gather3A_1029 : vector<16xf32>
      %broadcast_in_dim3A_1031 = vector.shape_cast %xor3A_24 : vector<16xi32> to vector<16x1xi32>
      %gather3A_1032 = vector.shape_cast %broadcast_in_dim3A_1031 : vector<16x1xi32> to vector<16xi32>
      %gather3A_1033 = tpu.dynamic_gather %add3A_1030[%gather3A_1032] in [0] : vector<16xf32>, vector<16xi32> -> vector<16xf32>
      %add3A_1034 = arith.addf %add3A_1030, %gather3A_1033 : vector<16xf32>
      %eq3A_1035 = arith.constant 2 : i32
      %eq3A_1036 = vector.broadcast %eq3A_1035 : i32 to vector<16xi32>
      %eq3A_1037 = arith.cmpi eq, %iota3A, %eq3A_1036 : vector<16xi32>
      %select_n3A_1038 = arith.select %eq3A_1037, %add3A_1034, %select_n3A_895 : vector<16xi1>, vector<16xf32>
      %slice3A_1039 = vector.extract_strided_slice %get3A_670 {offsets = [2], sizes = [1], strides = [1]} : vector<16xi32> to vector<1xi32>
      %squeeze3A_1040 = vector.extract %slice3A_1039[0] : i32 from vector<1xi32>
      %slice3A_1041 = vector.extract_strided_slice %get3A_676 {offsets = [2], sizes = [1], strides = [1]} : vector<16xi32> to vector<1xi32>
      %squeeze3A_1042 = vector.extract %slice3A_1041[0] : i32 from vector<1xi32>
      %jit3A_1043 = arith.constant 128 : i32
      %div3A_1044 = arith.divsi %squeeze3A_1040, %jit3A_1043 : i32
      %sign3A_1045 = arith.constant 0 : i32
      %sign3A_1046 = arith.cmpi sgt, %squeeze3A_1040, %sign3A_1045 : i32
      %sign3A_1047 = arith.extui %sign3A_1046 : i1 to i32
      %sign3A_1048 = arith.constant 0 : i32
      %sign3A_1049 = arith.cmpi slt, %squeeze3A_1040, %sign3A_1048 : i32
      %sign3A_1050 = arith.extui %sign3A_1049 : i1 to i32
      %sign3A_1051 = arith.subi %sign3A_1047, %sign3A_1050 : i32
      %sign3A_1052 = arith.constant 0 : i32
      %sign3A_1053 = arith.cmpi sgt, %jit3A_1043, %sign3A_1052 : i32
      %sign3A_1054 = arith.extui %sign3A_1053 : i1 to i32
      %sign3A_1055 = arith.constant 0 : i32
      %sign3A_1056 = arith.cmpi slt, %jit3A_1043, %sign3A_1055 : i32
      %sign3A_1057 = arith.extui %sign3A_1056 : i1 to i32
      %sign3A_1058 = arith.subi %sign3A_1054, %sign3A_1057 : i32
      %ne3A_1059 = arith.cmpi ne, %sign3A_1051, %sign3A_1058 : i32
      %rem3A_1060 = arith.remsi %squeeze3A_1040, %jit3A_1043 : i32
      %ne3A_1061 = arith.constant 0 : i32
      %ne3A_1062 = arith.cmpi ne, %rem3A_1060, %ne3A_1061 : i32
      %and3A_1063 = arith.andi %ne3A_1059, %ne3A_1062 : i1
      %sub3A_1064 = arith.constant 1 : i32
      %sub3A_1065 = arith.subi %div3A_1044, %sub3A_1064 : i32
      %select_n3A_1066 = arith.select %and3A_1063, %sub3A_1065, %div3A_1044 : i32
      %mul3A_1067 = arith.constant 128 : i32
      %mul3A_1068 = arith.muli %select_n3A_1066, %mul3A_1067 : i32
      %multiple_of3A_1069 = tpu.assume_multiple %mul3A_1068, 128 : i32
      %dma_start3A_1070 = arith.constant 0 : i32
      %dma_start3A_1071 = tpu.memref_slice %arg4[%dma_start3A_1070, %multiple_of3A_1069] : memref<32x1000000xf32, #tpu.memory_space<hbm>> -> memref<32x128xf32, #tpu.memory_space<hbm>>
      %dma_start3A_1072 = arith.constant 0 : i32
      %dma_start3A_1073 = tpu.memref_slice %arg4[%dma_start3A_1072, %multiple_of3A_1069] : memref<32x1000000xf32, #tpu.memory_space<hbm>> -> memref<32x128xf32, #tpu.memory_space<hbm>>
      tpu.enqueue_dma source(%dma_start3A_1073 : memref<32x128xf32, #tpu.memory_space<hbm>>) target(%arg12 : memref<32x128xf32, #tpu.memory_space<vmem>>) target_semaphore(%arg26 : memref<!tpu.dma_semaphore, #tpu.memory_space<semaphore_mem>>)
      %jit3A_1074 = arith.constant 128 : i32
      %div3A_1075 = arith.divsi %squeeze3A_1042, %jit3A_1074 : i32
      %sign3A_1076 = arith.constant 0 : i32
      %sign3A_1077 = arith.cmpi sgt, %squeeze3A_1042, %sign3A_1076 : i32
      %sign3A_1078 = arith.extui %sign3A_1077 : i1 to i32
      %sign3A_1079 = arith.constant 0 : i32
      %sign3A_1080 = arith.cmpi slt, %squeeze3A_1042, %sign3A_1079 : i32
      %sign3A_1081 = arith.extui %sign3A_1080 : i1 to i32
      %sign3A_1082 = arith.subi %sign3A_1078, %sign3A_1081 : i32
      %sign3A_1083 = arith.constant 0 : i32
      %sign3A_1084 = arith.cmpi sgt, %jit3A_1074, %sign3A_1083 : i32
      %sign3A_1085 = arith.extui %sign3A_1084 : i1 to i32
      %sign3A_1086 = arith.constant 0 : i32
      %sign3A_1087 = arith.cmpi slt, %jit3A_1074, %sign3A_1086 : i32
      %sign3A_1088 = arith.extui %sign3A_1087 : i1 to i32
      %sign3A_1089 = arith.subi %sign3A_1085, %sign3A_1088 : i32
      %ne3A_1090 = arith.cmpi ne, %sign3A_1082, %sign3A_1089 : i32
      %rem3A_1091 = arith.remsi %squeeze3A_1042, %jit3A_1074 : i32
      %ne3A_1092 = arith.constant 0 : i32
      %ne3A_1093 = arith.cmpi ne, %rem3A_1091, %ne3A_1092 : i32
      %and3A_1094 = arith.andi %ne3A_1090, %ne3A_1093 : i1
      %sub3A_1095 = arith.constant 1 : i32
      %sub3A_1096 = arith.subi %div3A_1075, %sub3A_1095 : i32
      %select_n3A_1097 = arith.select %and3A_1094, %sub3A_1096, %div3A_1075 : i32
      %mul3A_1098 = arith.constant 128 : i32
      %mul3A_1099 = arith.muli %select_n3A_1097, %mul3A_1098 : i32
      %multiple_of3A_1100 = tpu.assume_multiple %mul3A_1099, 128 : i32
      %dma_start3A_1101 = arith.constant 0 : i32
      %dma_start3A_1102 = tpu.memref_slice %arg5[%dma_start3A_1101, %multiple_of3A_1100] : memref<32x1000000xf32, #tpu.memory_space<hbm>> -> memref<32x128xf32, #tpu.memory_space<hbm>>
      %dma_start3A_1103 = arith.constant 0 : i32
      %dma_start3A_1104 = tpu.memref_slice %arg5[%dma_start3A_1103, %multiple_of3A_1100] : memref<32x1000000xf32, #tpu.memory_space<hbm>> -> memref<32x128xf32, #tpu.memory_space<hbm>>
      tpu.enqueue_dma source(%dma_start3A_1104 : memref<32x128xf32, #tpu.memory_space<hbm>>) target(%arg20 : memref<32x128xf32, #tpu.memory_space<vmem>>) target_semaphore(%arg27 : memref<!tpu.dma_semaphore, #tpu.memory_space<semaphore_mem>>)
      %dma_wait3A_1105 = arith.constant 0 : i32
      %dma_wait3A_1106 = arith.constant 0 : i32
      %dma_wait3A_1107 = tpu.memref_slice %arg4[%dma_wait3A_1105, %dma_wait3A_1106] : memref<32x1000000xf32, #tpu.memory_space<hbm>> -> memref<32x128xf32, #tpu.memory_space<hbm>>
      %dma_wait3A_1108 = arith.constant 0 : i32
      %dma_wait3A_1109 = arith.constant 0 : i32
      %dma_wait3A_1110 = tpu.memref_slice %arg4[%dma_wait3A_1108, %dma_wait3A_1109] : memref<32x1000000xf32, #tpu.memory_space<hbm>> -> memref<32x128xf32, #tpu.memory_space<hbm>>
      tpu.wait_dma2 semaphore(%arg26 : memref<!tpu.dma_semaphore, #tpu.memory_space<semaphore_mem>>) src(%dma_wait3A_1110 : memref<32x128xf32, #tpu.memory_space<hbm>>) dst(%arg13 : memref<32x128xf32, #tpu.memory_space<vmem>>)
      %dma_wait3A_1111 = arith.constant 0 : i32
      %dma_wait3A_1112 = arith.constant 0 : i32
      %dma_wait3A_1113 = tpu.memref_slice %arg5[%dma_wait3A_1111, %dma_wait3A_1112] : memref<32x1000000xf32, #tpu.memory_space<hbm>> -> memref<32x128xf32, #tpu.memory_space<hbm>>
      %dma_wait3A_1114 = arith.constant 0 : i32
      %dma_wait3A_1115 = arith.constant 0 : i32
      %dma_wait3A_1116 = tpu.memref_slice %arg5[%dma_wait3A_1114, %dma_wait3A_1115] : memref<32x1000000xf32, #tpu.memory_space<hbm>> -> memref<32x128xf32, #tpu.memory_space<hbm>>
      tpu.wait_dma2 semaphore(%arg27 : memref<!tpu.dma_semaphore, #tpu.memory_space<semaphore_mem>>) src(%dma_wait3A_1116 : memref<32x128xf32, #tpu.memory_space<hbm>>) dst(%arg21 : memref<32x128xf32, #tpu.memory_space<vmem>>)
      %slice3A_1117 = vector.extract_strided_slice %get3A_660 {offsets = [3], sizes = [1], strides = [1]} : vector<16xi32> to vector<1xi32>
      %squeeze3A_1118 = vector.extract %slice3A_1117[0] : i32 from vector<1xi32>
      %slice3A_1119 = vector.extract_strided_slice %get3A_664 {offsets = [3], sizes = [1], strides = [1]} : vector<16xi32> to vector<1xi32>
      %squeeze3A_1120 = vector.extract %slice3A_1119[0] : i32 from vector<1xi32>
      %jit3A_1121 = arith.constant 128 : i32
      %eq3A_1122 = arith.constant 0 : i32
      %eq3A_1123 = arith.cmpi eq, %jit3A_1121, %eq3A_1122 : i32
      %jit3A_1124 = arith.constant 1 : i32
      %select_n3A_1125 = arith.select %eq3A_1123, %jit3A_1124, %jit3A_1121 : i32
      %rem3A_1126 = arith.remsi %squeeze3A_1118, %select_n3A_1125 : i32
      %ne3A_1127 = arith.constant 0 : i32
      %ne3A_1128 = arith.cmpi ne, %rem3A_1126, %ne3A_1127 : i32
      %lt3A_1129 = arith.constant 0 : i32
      %lt3A_1130 = arith.cmpi slt, %rem3A_1126, %lt3A_1129 : i32
      %lt3A_1131 = arith.constant 0 : i32
      %lt3A_1132 = arith.cmpi slt, %select_n3A_1125, %lt3A_1131 : i32
      %ne3A_1133 = arith.xori %lt3A_1130, %lt3A_1132 : i1
      %and3A_1134 = arith.andi %ne3A_1133, %ne3A_1128 : i1
      %add3A_1135 = arith.addi %rem3A_1126, %select_n3A_1125 : i32
      %select_n3A_1136 = arith.select %and3A_1134, %add3A_1135, %rem3A_1126 : i32
      %broadcast_in_dim3A_1137 = vector.broadcast %select_n3A_1136 : i32 to vector<16xi32>
      %jit3A_1138 = arith.constant 128 : i32
      %eq3A_1139 = arith.constant 0 : i32
      %eq3A_1140 = arith.cmpi eq, %jit3A_1138, %eq3A_1139 : i32
      %jit3A_1141 = arith.constant 1 : i32
      %select_n3A_1142 = arith.select %eq3A_1140, %jit3A_1141, %jit3A_1138 : i32
      %rem3A_1143 = arith.remsi %squeeze3A_1120, %select_n3A_1142 : i32
      %ne3A_1144 = arith.constant 0 : i32
      %ne3A_1145 = arith.cmpi ne, %rem3A_1143, %ne3A_1144 : i32
      %lt3A_1146 = arith.constant 0 : i32
      %lt3A_1147 = arith.cmpi slt, %rem3A_1143, %lt3A_1146 : i32
      %lt3A_1148 = arith.constant 0 : i32
      %lt3A_1149 = arith.cmpi slt, %select_n3A_1142, %lt3A_1148 : i32
      %ne3A_1150 = arith.xori %lt3A_1147, %lt3A_1149 : i1
      %and3A_1151 = arith.andi %ne3A_1150, %ne3A_1145 : i1
      %add3A_1152 = arith.addi %rem3A_1143, %select_n3A_1142 : i32
      %select_n3A_1153 = arith.select %and3A_1151, %add3A_1152, %rem3A_1143 : i32
      %broadcast_in_dim3A_1154 = vector.broadcast %select_n3A_1153 : i32 to vector<16xi32>
      %gather3A_1155 = tpu.vector_load_idx %arg13[%iota3A, %broadcast_in_dim3A_1137] : memref<32x128xf32, #tpu.memory_space<vmem>>[vector<16xi32>, vector<16xi32>], vector<16xf32>,
      %gather3A_1156 = tpu.vector_load_idx %arg13[%add3A_13, %broadcast_in_dim3A_1137] : memref<32x128xf32, #tpu.memory_space<vmem>>[vector<16xi32>, vector<16xi32>], vector<16xf32>,
      %gather3A_1157 = tpu.vector_load_idx %arg21[%iota3A, %broadcast_in_dim3A_1154] : memref<32x128xf32, #tpu.memory_space<vmem>>[vector<16xi32>, vector<16xi32>], vector<16xf32>,
      %gather3A_1158 = tpu.vector_load_idx %arg21[%add3A_13, %broadcast_in_dim3A_1154] : memref<32x128xf32, #tpu.memory_space<vmem>>[vector<16xi32>, vector<16xi32>], vector<16xf32>,
      %mul3A_1159 = arith.mulf %gather3A_1155, %gather3A_1157 : vector<16xf32>
      %mul3A_1160 = arith.mulf %gather3A_1156, %gather3A_1158 : vector<16xf32>
      %add3A_1161 = arith.addf %mul3A_1159, %mul3A_1160 : vector<16xf32>
      %broadcast_in_dim3A_1162 = vector.shape_cast %xor3A_15 : vector<16xi32> to vector<16x1xi32>
      %gather3A_1163 = vector.shape_cast %broadcast_in_dim3A_1162 : vector<16x1xi32> to vector<16xi32>
      %gather3A_1164 = tpu.dynamic_gather %add3A_1161[%gather3A_1163] in [0] : vector<16xf32>, vector<16xi32> -> vector<16xf32>
      %add3A_1165 = arith.addf %add3A_1161, %gather3A_1164 : vector<16xf32>
      %broadcast_in_dim3A_1166 = vector.shape_cast %xor3A_18 : vector<16xi32> to vector<16x1xi32>
      %gather3A_1167 = vector.shape_cast %broadcast_in_dim3A_1166 : vector<16x1xi32> to vector<16xi32>
      %gather3A_1168 = tpu.dynamic_gather %add3A_1165[%gather3A_1167] in [0] : vector<16xf32>, vector<16xi32> -> vector<16xf32>
      %add3A_1169 = arith.addf %add3A_1165, %gather3A_1168 : vector<16xf32>
      %broadcast_in_dim3A_1170 = vector.shape_cast %xor3A_21 : vector<16xi32> to vector<16x1xi32>
      %gather3A_1171 = vector.shape_cast %broadcast_in_dim3A_1170 : vector<16x1xi32> to vector<16xi32>
      %gather3A_1172 = tpu.dynamic_gather %add3A_1169[%gather3A_1171] in [0] : vector<16xf32>, vector<16xi32> -> vector<16xf32>
      %add3A_1173 = arith.addf %add3A_1169, %gather3A_1172 : vector<16xf32>
      %broadcast_in_dim3A_1174 = vector.shape_cast %xor3A_24 : vector<16xi32> to vector<16x1xi32>
      %gather3A_1175 = vector.shape_cast %broadcast_in_dim3A_1174 : vector<16x1xi32> to vector<16xi32>
      %gather3A_1176 = tpu.dynamic_gather %add3A_1173[%gather3A_1175] in [0] : vector<16xf32>, vector<16xi32> -> vector<16xf32>
      %add3A_1177 = arith.addf %add3A_1173, %gather3A_1176 : vector<16xf32>
      %eq3A_1178 = arith.constant 3 : i32
      %eq3A_1179 = vector.broadcast %eq3A_1178 : i32 to vector<16xi32>
      %eq3A_1180 = arith.cmpi eq, %iota3A, %eq3A_1179 : vector<16xi32>
      %select_n3A_1181 = arith.select %eq3A_1180, %add3A_1177, %select_n3A_1038 : vector<16xi1>, vector<16xf32>
      %slice3A_1182 = vector.extract_strided_slice %get3A_670 {offsets = [3], sizes = [1], strides = [1]} : vector<16xi32> to vector<1xi32>
      %squeeze3A_1183 = vector.extract %slice3A_1182[0] : i32 from vector<1xi32>
      %slice3A_1184 = vector.extract_strided_slice %get3A_676 {offsets = [3], sizes = [1], strides = [1]} : vector<16xi32> to vector<1xi32>
      %squeeze3A_1185 = vector.extract %slice3A_1184[0] : i32 from vector<1xi32>
      %jit3A_1186 = arith.constant 128 : i32
      %div3A_1187 = arith.divsi %squeeze3A_1183, %jit3A_1186 : i32
      %sign3A_1188 = arith.constant 0 : i32
      %sign3A_1189 = arith.cmpi sgt, %squeeze3A_1183, %sign3A_1188 : i32
      %sign3A_1190 = arith.extui %sign3A_1189 : i1 to i32
      %sign3A_1191 = arith.constant 0 : i32
      %sign3A_1192 = arith.cmpi slt, %squeeze3A_1183, %sign3A_1191 : i32
      %sign3A_1193 = arith.extui %sign3A_1192 : i1 to i32
      %sign3A_1194 = arith.subi %sign3A_1190, %sign3A_1193 : i32
      %sign3A_1195 = arith.constant 0 : i32
      %sign3A_1196 = arith.cmpi sgt, %jit3A_1186, %sign3A_1195 : i32
      %sign3A_1197 = arith.extui %sign3A_1196 : i1 to i32
      %sign3A_1198 = arith.constant 0 : i32
      %sign3A_1199 = arith.cmpi slt, %jit3A_1186, %sign3A_1198 : i32
      %sign3A_1200 = arith.extui %sign3A_1199 : i1 to i32
      %sign3A_1201 = arith.subi %sign3A_1197, %sign3A_1200 : i32
      %ne3A_1202 = arith.cmpi ne, %sign3A_1194, %sign3A_1201 : i32
      %rem3A_1203 = arith.remsi %squeeze3A_1183, %jit3A_1186 : i32
      %ne3A_1204 = arith.constant 0 : i32
      %ne3A_1205 = arith.cmpi ne, %rem3A_1203, %ne3A_1204 : i32
      %and3A_1206 = arith.andi %ne3A_1202, %ne3A_1205 : i1
      %sub3A_1207 = arith.constant 1 : i32
      %sub3A_1208 = arith.subi %div3A_1187, %sub3A_1207 : i32
      %select_n3A_1209 = arith.select %and3A_1206, %sub3A_1208, %div3A_1187 : i32
      %mul3A_1210 = arith.constant 128 : i32
      %mul3A_1211 = arith.muli %select_n3A_1209, %mul3A_1210 : i32
      %multiple_of3A_1212 = tpu.assume_multiple %mul3A_1211, 128 : i32
      %dma_start3A_1213 = arith.constant 0 : i32
      %dma_start3A_1214 = tpu.memref_slice %arg4[%dma_start3A_1213, %multiple_of3A_1212] : memref<32x1000000xf32, #tpu.memory_space<hbm>> -> memref<32x128xf32, #tpu.memory_space<hbm>>
      %dma_start3A_1215 = arith.constant 0 : i32
      %dma_start3A_1216 = tpu.memref_slice %arg4[%dma_start3A_1215, %multiple_of3A_1212] : memref<32x1000000xf32, #tpu.memory_space<hbm>> -> memref<32x128xf32, #tpu.memory_space<hbm>>
      tpu.enqueue_dma source(%dma_start3A_1216 : memref<32x128xf32, #tpu.memory_space<hbm>>) target(%arg13 : memref<32x128xf32, #tpu.memory_space<vmem>>) target_semaphore(%arg26 : memref<!tpu.dma_semaphore, #tpu.memory_space<semaphore_mem>>)
      %jit3A_1217 = arith.constant 128 : i32
      %div3A_1218 = arith.divsi %squeeze3A_1185, %jit3A_1217 : i32
      %sign3A_1219 = arith.constant 0 : i32
      %sign3A_1220 = arith.cmpi sgt, %squeeze3A_1185, %sign3A_1219 : i32
      %sign3A_1221 = arith.extui %sign3A_1220 : i1 to i32
      %sign3A_1222 = arith.constant 0 : i32
      %sign3A_1223 = arith.cmpi slt, %squeeze3A_1185, %sign3A_1222 : i32
      %sign3A_1224 = arith.extui %sign3A_1223 : i1 to i32
      %sign3A_1225 = arith.subi %sign3A_1221, %sign3A_1224 : i32
      %sign3A_1226 = arith.constant 0 : i32
      %sign3A_1227 = arith.cmpi sgt, %jit3A_1217, %sign3A_1226 : i32
      %sign3A_1228 = arith.extui %sign3A_1227 : i1 to i32
      %sign3A_1229 = arith.constant 0 : i32
      %sign3A_1230 = arith.cmpi slt, %jit3A_1217, %sign3A_1229 : i32
      %sign3A_1231 = arith.extui %sign3A_1230 : i1 to i32
      %sign3A_1232 = arith.subi %sign3A_1228, %sign3A_1231 : i32
      %ne3A_1233 = arith.cmpi ne, %sign3A_1225, %sign3A_1232 : i32
      %rem3A_1234 = arith.remsi %squeeze3A_1185, %jit3A_1217 : i32
      %ne3A_1235 = arith.constant 0 : i32
      %ne3A_1236 = arith.cmpi ne, %rem3A_1234, %ne3A_1235 : i32
      %and3A_1237 = arith.andi %ne3A_1233, %ne3A_1236 : i1
      %sub3A_1238 = arith.constant 1 : i32
      %sub3A_1239 = arith.subi %div3A_1218, %sub3A_1238 : i32
      %select_n3A_1240 = arith.select %and3A_1237, %sub3A_1239, %div3A_1218 : i32
      %mul3A_1241 = arith.constant 128 : i32
      %mul3A_1242 = arith.muli %select_n3A_1240, %mul3A_1241 : i32
      %multiple_of3A_1243 = tpu.assume_multiple %mul3A_1242, 128 : i32
      %dma_start3A_1244 = arith.constant 0 : i32
      %dma_start3A_1245 = tpu.memref_slice %arg5[%dma_start3A_1244, %multiple_of3A_1243] : memref<32x1000000xf32, #tpu.memory_space<hbm>> -> memref<32x128xf32, #tpu.memory_space<hbm>>
      %dma_start3A_1246 = arith.constant 0 : i32
      %dma_start3A_1247 = tpu.memref_slice %arg5[%dma_start3A_1246, %multiple_of3A_1243] : memref<32x1000000xf32, #tpu.memory_space<hbm>> -> memref<32x128xf32, #tpu.memory_space<hbm>>
      tpu.enqueue_dma source(%dma_start3A_1247 : memref<32x128xf32, #tpu.memory_space<hbm>>) target(%arg21 : memref<32x128xf32, #tpu.memory_space<vmem>>) target_semaphore(%arg27 : memref<!tpu.dma_semaphore, #tpu.memory_space<semaphore_mem>>)
      %dma_wait3A_1248 = arith.constant 0 : i32
      %dma_wait3A_1249 = arith.constant 0 : i32
      %dma_wait3A_1250 = tpu.memref_slice %arg4[%dma_wait3A_1248, %dma_wait3A_1249] : memref<32x1000000xf32, #tpu.memory_space<hbm>> -> memref<32x128xf32, #tpu.memory_space<hbm>>
      %dma_wait3A_1251 = arith.constant 0 : i32
      %dma_wait3A_1252 = arith.constant 0 : i32
      %dma_wait3A_1253 = tpu.memref_slice %arg4[%dma_wait3A_1251, %dma_wait3A_1252] : memref<32x1000000xf32, #tpu.memory_space<hbm>> -> memref<32x128xf32, #tpu.memory_space<hbm>>
      tpu.wait_dma2 semaphore(%arg26 : memref<!tpu.dma_semaphore, #tpu.memory_space<semaphore_mem>>) src(%dma_wait3A_1253 : memref<32x128xf32, #tpu.memory_space<hbm>>) dst(%arg14 : memref<32x128xf32, #tpu.memory_space<vmem>>)
      %dma_wait3A_1254 = arith.constant 0 : i32
      %dma_wait3A_1255 = arith.constant 0 : i32
      %dma_wait3A_1256 = tpu.memref_slice %arg5[%dma_wait3A_1254, %dma_wait3A_1255] : memref<32x1000000xf32, #tpu.memory_space<hbm>> -> memref<32x128xf32, #tpu.memory_space<hbm>>
      %dma_wait3A_1257 = arith.constant 0 : i32
      %dma_wait3A_1258 = arith.constant 0 : i32
      %dma_wait3A_1259 = tpu.memref_slice %arg5[%dma_wait3A_1257, %dma_wait3A_1258] : memref<32x1000000xf32, #tpu.memory_space<hbm>> -> memref<32x128xf32, #tpu.memory_space<hbm>>
      tpu.wait_dma2 semaphore(%arg27 : memref<!tpu.dma_semaphore, #tpu.memory_space<semaphore_mem>>) src(%dma_wait3A_1259 : memref<32x128xf32, #tpu.memory_space<hbm>>) dst(%arg22 : memref<32x128xf32, #tpu.memory_space<vmem>>)
      %slice3A_1260 = vector.extract_strided_slice %get3A_660 {offsets = [4], sizes = [1], strides = [1]} : vector<16xi32> to vector<1xi32>
      %squeeze3A_1261 = vector.extract %slice3A_1260[0] : i32 from vector<1xi32>
      %slice3A_1262 = vector.extract_strided_slice %get3A_664 {offsets = [4], sizes = [1], strides = [1]} : vector<16xi32> to vector<1xi32>
      %squeeze3A_1263 = vector.extract %slice3A_1262[0] : i32 from vector<1xi32>
      %jit3A_1264 = arith.constant 128 : i32
      %eq3A_1265 = arith.constant 0 : i32
      %eq3A_1266 = arith.cmpi eq, %jit3A_1264, %eq3A_1265 : i32
      %jit3A_1267 = arith.constant 1 : i32
      %select_n3A_1268 = arith.select %eq3A_1266, %jit3A_1267, %jit3A_1264 : i32
      %rem3A_1269 = arith.remsi %squeeze3A_1261, %select_n3A_1268 : i32
      %ne3A_1270 = arith.constant 0 : i32
      %ne3A_1271 = arith.cmpi ne, %rem3A_1269, %ne3A_1270 : i32
      %lt3A_1272 = arith.constant 0 : i32
      %lt3A_1273 = arith.cmpi slt, %rem3A_1269, %lt3A_1272 : i32
      %lt3A_1274 = arith.constant 0 : i32
      %lt3A_1275 = arith.cmpi slt, %select_n3A_1268, %lt3A_1274 : i32
      %ne3A_1276 = arith.xori %lt3A_1273, %lt3A_1275 : i1
      %and3A_1277 = arith.andi %ne3A_1276, %ne3A_1271 : i1
      %add3A_1278 = arith.addi %rem3A_1269, %select_n3A_1268 : i32
      %select_n3A_1279 = arith.select %and3A_1277, %add3A_1278, %rem3A_1269 : i32
      %broadcast_in_dim3A_1280 = vector.broadcast %select_n3A_1279 : i32 to vector<16xi32>
      %jit3A_1281 = arith.constant 128 : i32
      %eq3A_1282 = arith.constant 0 : i32
      %eq3A_1283 = arith.cmpi eq, %jit3A_1281, %eq3A_1282 : i32
      %jit3A_1284 = arith.constant 1 : i32
      %select_n3A_1285 = arith.select %eq3A_1283, %jit3A_1284, %jit3A_1281 : i32
      %rem3A_1286 = arith.remsi %squeeze3A_1263, %select_n3A_1285 : i32
      %ne3A_1287 = arith.constant 0 : i32
      %ne3A_1288 = arith.cmpi ne, %rem3A_1286, %ne3A_1287 : i32
      %lt3A_1289 = arith.constant 0 : i32
      %lt3A_1290 = arith.cmpi slt, %rem3A_1286, %lt3A_1289 : i32
      %lt3A_1291 = arith.constant 0 : i32
      %lt3A_1292 = arith.cmpi slt, %select_n3A_1285, %lt3A_1291 : i32
      %ne3A_1293 = arith.xori %lt3A_1290, %lt3A_1292 : i1
      %and3A_1294 = arith.andi %ne3A_1293, %ne3A_1288 : i1
      %add3A_1295 = arith.addi %rem3A_1286, %select_n3A_1285 : i32
      %select_n3A_1296 = arith.select %and3A_1294, %add3A_1295, %rem3A_1286 : i32
      %broadcast_in_dim3A_1297 = vector.broadcast %select_n3A_1296 : i32 to vector<16xi32>
      %gather3A_1298 = tpu.vector_load_idx %arg14[%iota3A, %broadcast_in_dim3A_1280] : memref<32x128xf32, #tpu.memory_space<vmem>>[vector<16xi32>, vector<16xi32>], vector<16xf32>,
      %gather3A_1299 = tpu.vector_load_idx %arg14[%add3A_13, %broadcast_in_dim3A_1280] : memref<32x128xf32, #tpu.memory_space<vmem>>[vector<16xi32>, vector<16xi32>], vector<16xf32>,
      %gather3A_1300 = tpu.vector_load_idx %arg22[%iota3A, %broadcast_in_dim3A_1297] : memref<32x128xf32, #tpu.memory_space<vmem>>[vector<16xi32>, vector<16xi32>], vector<16xf32>,
      %gather3A_1301 = tpu.vector_load_idx %arg22[%add3A_13, %broadcast_in_dim3A_1297] : memref<32x128xf32, #tpu.memory_space<vmem>>[vector<16xi32>, vector<16xi32>], vector<16xf32>,
      %mul3A_1302 = arith.mulf %gather3A_1298, %gather3A_1300 : vector<16xf32>
      %mul3A_1303 = arith.mulf %gather3A_1299, %gather3A_1301 : vector<16xf32>
      %add3A_1304 = arith.addf %mul3A_1302, %mul3A_1303 : vector<16xf32>
      %broadcast_in_dim3A_1305 = vector.shape_cast %xor3A_15 : vector<16xi32> to vector<16x1xi32>
      %gather3A_1306 = vector.shape_cast %broadcast_in_dim3A_1305 : vector<16x1xi32> to vector<16xi32>
      %gather3A_1307 = tpu.dynamic_gather %add3A_1304[%gather3A_1306] in [0] : vector<16xf32>, vector<16xi32> -> vector<16xf32>
      %add3A_1308 = arith.addf %add3A_1304, %gather3A_1307 : vector<16xf32>
      %broadcast_in_dim3A_1309 = vector.shape_cast %xor3A_18 : vector<16xi32> to vector<16x1xi32>
      %gather3A_1310 = vector.shape_cast %broadcast_in_dim3A_1309 : vector<16x1xi32> to vector<16xi32>
      %gather3A_1311 = tpu.dynamic_gather %add3A_1308[%gather3A_1310] in [0] : vector<16xf32>, vector<16xi32> -> vector<16xf32>
      %add3A_1312 = arith.addf %add3A_1308, %gather3A_1311 : vector<16xf32>
      %broadcast_in_dim3A_1313 = vector.shape_cast %xor3A_21 : vector<16xi32> to vector<16x1xi32>
      %gather3A_1314 = vector.shape_cast %broadcast_in_dim3A_1313 : vector<16x1xi32> to vector<16xi32>
      %gather3A_1315 = tpu.dynamic_gather %add3A_1312[%gather3A_1314] in [0] : vector<16xf32>, vector<16xi32> -> vector<16xf32>
      %add3A_1316 = arith.addf %add3A_1312, %gather3A_1315 : vector<16xf32>
      %broadcast_in_dim3A_1317 = vector.shape_cast %xor3A_24 : vector<16xi32> to vector<16x1xi32>
      %gather3A_1318 = vector.shape_cast %broadcast_in_dim3A_1317 : vector<16x1xi32> to vector<16xi32>
      %gather3A_1319 = tpu.dynamic_gather %add3A_1316[%gather3A_1318] in [0] : vector<16xf32>, vector<16xi32> -> vector<16xf32>
      %add3A_1320 = arith.addf %add3A_1316, %gather3A_1319 : vector<16xf32>
      %eq3A_1321 = arith.constant 4 : i32
      %eq3A_1322 = vector.broadcast %eq3A_1321 : i32 to vector<16xi32>
      %eq3A_1323 = arith.cmpi eq, %iota3A, %eq3A_1322 : vector<16xi32>
      %select_n3A_1324 = arith.select %eq3A_1323, %add3A_1320, %select_n3A_1181 : vector<16xi1>, vector<16xf32>
      %slice3A_1325 = vector.extract_strided_slice %get3A_670 {offsets = [4], sizes = [1], strides = [1]} : vector<16xi32> to vector<1xi32>
      %squeeze3A_1326 = vector.extract %slice3A_1325[0] : i32 from vector<1xi32>
      %slice3A_1327 = vector.extract_strided_slice %get3A_676 {offsets = [4], sizes = [1], strides = [1]} : vector<16xi32> to vector<1xi32>
      %squeeze3A_1328 = vector.extract %slice3A_1327[0] : i32 from vector<1xi32>
      %jit3A_1329 = arith.constant 128 : i32
      %div3A_1330 = arith.divsi %squeeze3A_1326, %jit3A_1329 : i32
      %sign3A_1331 = arith.constant 0 : i32
      %sign3A_1332 = arith.cmpi sgt, %squeeze3A_1326, %sign3A_1331 : i32
      %sign3A_1333 = arith.extui %sign3A_1332 : i1 to i32
      %sign3A_1334 = arith.constant 0 : i32
      %sign3A_1335 = arith.cmpi slt, %squeeze3A_1326, %sign3A_1334 : i32
      %sign3A_1336 = arith.extui %sign3A_1335 : i1 to i32
      %sign3A_1337 = arith.subi %sign3A_1333, %sign3A_1336 : i32
      %sign3A_1338 = arith.constant 0 : i32
      %sign3A_1339 = arith.cmpi sgt, %jit3A_1329, %sign3A_1338 : i32
      %sign3A_1340 = arith.extui %sign3A_1339 : i1 to i32
      %sign3A_1341 = arith.constant 0 : i32
      %sign3A_1342 = arith.cmpi slt, %jit3A_1329, %sign3A_1341 : i32
      %sign3A_1343 = arith.extui %sign3A_1342 : i1 to i32
      %sign3A_1344 = arith.subi %sign3A_1340, %sign3A_1343 : i32
      %ne3A_1345 = arith.cmpi ne, %sign3A_1337, %sign3A_1344 : i32
      %rem3A_1346 = arith.remsi %squeeze3A_1326, %jit3A_1329 : i32
      %ne3A_1347 = arith.constant 0 : i32
      %ne3A_1348 = arith.cmpi ne, %rem3A_1346, %ne3A_1347 : i32
      %and3A_1349 = arith.andi %ne3A_1345, %ne3A_1348 : i1
      %sub3A_1350 = arith.constant 1 : i32
      %sub3A_1351 = arith.subi %div3A_1330, %sub3A_1350 : i32
      %select_n3A_1352 = arith.select %and3A_1349, %sub3A_1351, %div3A_1330 : i32
      %mul3A_1353 = arith.constant 128 : i32
      %mul3A_1354 = arith.muli %select_n3A_1352, %mul3A_1353 : i32
      %multiple_of3A_1355 = tpu.assume_multiple %mul3A_1354, 128 : i32
      %dma_start3A_1356 = arith.constant 0 : i32
      %dma_start3A_1357 = tpu.memref_slice %arg4[%dma_start3A_1356, %multiple_of3A_1355] : memref<32x1000000xf32, #tpu.memory_space<hbm>> -> memref<32x128xf32, #tpu.memory_space<hbm>>
      %dma_start3A_1358 = arith.constant 0 : i32
      %dma_start3A_1359 = tpu.memref_slice %arg4[%dma_start3A_1358, %multiple_of3A_1355] : memref<32x1000000xf32, #tpu.memory_space<hbm>> -> memref<32x128xf32, #tpu.memory_space<hbm>>
      tpu.enqueue_dma source(%dma_start3A_1359 : memref<32x128xf32, #tpu.memory_space<hbm>>) target(%arg14 : memref<32x128xf32, #tpu.memory_space<vmem>>) target_semaphore(%arg26 : memref<!tpu.dma_semaphore, #tpu.memory_space<semaphore_mem>>)
      %jit3A_1360 = arith.constant 128 : i32
      %div3A_1361 = arith.divsi %squeeze3A_1328, %jit3A_1360 : i32
      %sign3A_1362 = arith.constant 0 : i32
      %sign3A_1363 = arith.cmpi sgt, %squeeze3A_1328, %sign3A_1362 : i32
      %sign3A_1364 = arith.extui %sign3A_1363 : i1 to i32
      %sign3A_1365 = arith.constant 0 : i32
      %sign3A_1366 = arith.cmpi slt, %squeeze3A_1328, %sign3A_1365 : i32
      %sign3A_1367 = arith.extui %sign3A_1366 : i1 to i32
      %sign3A_1368 = arith.subi %sign3A_1364, %sign3A_1367 : i32
      %sign3A_1369 = arith.constant 0 : i32
      %sign3A_1370 = arith.cmpi sgt, %jit3A_1360, %sign3A_1369 : i32
      %sign3A_1371 = arith.extui %sign3A_1370 : i1 to i32
      %sign3A_1372 = arith.constant 0 : i32
      %sign3A_1373 = arith.cmpi slt, %jit3A_1360, %sign3A_1372 : i32
      %sign3A_1374 = arith.extui %sign3A_1373 : i1 to i32
      %sign3A_1375 = arith.subi %sign3A_1371, %sign3A_1374 : i32
      %ne3A_1376 = arith.cmpi ne, %sign3A_1368, %sign3A_1375 : i32
      %rem3A_1377 = arith.remsi %squeeze3A_1328, %jit3A_1360 : i32
      %ne3A_1378 = arith.constant 0 : i32
      %ne3A_1379 = arith.cmpi ne, %rem3A_1377, %ne3A_1378 : i32
      %and3A_1380 = arith.andi %ne3A_1376, %ne3A_1379 : i1
      %sub3A_1381 = arith.constant 1 : i32
      %sub3A_1382 = arith.subi %div3A_1361, %sub3A_1381 : i32
      %select_n3A_1383 = arith.select %and3A_1380, %sub3A_1382, %div3A_1361 : i32
      %mul3A_1384 = arith.constant 128 : i32
      %mul3A_1385 = arith.muli %select_n3A_1383, %mul3A_1384 : i32
      %multiple_of3A_1386 = tpu.assume_multiple %mul3A_1385, 128 : i32
      %dma_start3A_1387 = arith.constant 0 : i32
      %dma_start3A_1388 = tpu.memref_slice %arg5[%dma_start3A_1387, %multiple_of3A_1386] : memref<32x1000000xf32, #tpu.memory_space<hbm>> -> memref<32x128xf32, #tpu.memory_space<hbm>>
      %dma_start3A_1389 = arith.constant 0 : i32
      %dma_start3A_1390 = tpu.memref_slice %arg5[%dma_start3A_1389, %multiple_of3A_1386] : memref<32x1000000xf32, #tpu.memory_space<hbm>> -> memref<32x128xf32, #tpu.memory_space<hbm>>
      tpu.enqueue_dma source(%dma_start3A_1390 : memref<32x128xf32, #tpu.memory_space<hbm>>) target(%arg22 : memref<32x128xf32, #tpu.memory_space<vmem>>) target_semaphore(%arg27 : memref<!tpu.dma_semaphore, #tpu.memory_space<semaphore_mem>>)
      %dma_wait3A_1391 = arith.constant 0 : i32
      %dma_wait3A_1392 = arith.constant 0 : i32
      %dma_wait3A_1393 = tpu.memref_slice %arg4[%dma_wait3A_1391, %dma_wait3A_1392] : memref<32x1000000xf32, #tpu.memory_space<hbm>> -> memref<32x128xf32, #tpu.memory_space<hbm>>
      %dma_wait3A_1394 = arith.constant 0 : i32
      %dma_wait3A_1395 = arith.constant 0 : i32
      %dma_wait3A_1396 = tpu.memref_slice %arg4[%dma_wait3A_1394, %dma_wait3A_1395] : memref<32x1000000xf32, #tpu.memory_space<hbm>> -> memref<32x128xf32, #tpu.memory_space<hbm>>
      tpu.wait_dma2 semaphore(%arg26 : memref<!tpu.dma_semaphore, #tpu.memory_space<semaphore_mem>>) src(%dma_wait3A_1396 : memref<32x128xf32, #tpu.memory_space<hbm>>) dst(%arg15 : memref<32x128xf32, #tpu.memory_space<vmem>>)
      %dma_wait3A_1397 = arith.constant 0 : i32
      %dma_wait3A_1398 = arith.constant 0 : i32
      %dma_wait3A_1399 = tpu.memref_slice %arg5[%dma_wait3A_1397, %dma_wait3A_1398] : memref<32x1000000xf32, #tpu.memory_space<hbm>> -> memref<32x128xf32, #tpu.memory_space<hbm>>
      %dma_wait3A_1400 = arith.constant 0 : i32
      %dma_wait3A_1401 = arith.constant 0 : i32
      %dma_wait3A_1402 = tpu.memref_slice %arg5[%dma_wait3A_1400, %dma_wait3A_1401] : memref<32x1000000xf32, #tpu.memory_space<hbm>> -> memref<32x128xf32, #tpu.memory_space<hbm>>
      tpu.wait_dma2 semaphore(%arg27 : memref<!tpu.dma_semaphore, #tpu.memory_space<semaphore_mem>>) src(%dma_wait3A_1402 : memref<32x128xf32, #tpu.memory_space<hbm>>) dst(%arg23 : memref<32x128xf32, #tpu.memory_space<vmem>>)
      %slice3A_1403 = vector.extract_strided_slice %get3A_660 {offsets = [5], sizes = [1], strides = [1]} : vector<16xi32> to vector<1xi32>
      %squeeze3A_1404 = vector.extract %slice3A_1403[0] : i32 from vector<1xi32>
      %slice3A_1405 = vector.extract_strided_slice %get3A_664 {offsets = [5], sizes = [1], strides = [1]} : vector<16xi32> to vector<1xi32>
      %squeeze3A_1406 = vector.extract %slice3A_1405[0] : i32 from vector<1xi32>
      %jit3A_1407 = arith.constant 128 : i32
      %eq3A_1408 = arith.constant 0 : i32
      %eq3A_1409 = arith.cmpi eq, %jit3A_1407, %eq3A_1408 : i32
      %jit3A_1410 = arith.constant 1 : i32
      %select_n3A_1411 = arith.select %eq3A_1409, %jit3A_1410, %jit3A_1407 : i32
      %rem3A_1412 = arith.remsi %squeeze3A_1404, %select_n3A_1411 : i32
      %ne3A_1413 = arith.constant 0 : i32
      %ne3A_1414 = arith.cmpi ne, %rem3A_1412, %ne3A_1413 : i32
      %lt3A_1415 = arith.constant 0 : i32
      %lt3A_1416 = arith.cmpi slt, %rem3A_1412, %lt3A_1415 : i32
      %lt3A_1417 = arith.constant 0 : i32
      %lt3A_1418 = arith.cmpi slt, %select_n3A_1411, %lt3A_1417 : i32
      %ne3A_1419 = arith.xori %lt3A_1416, %lt3A_1418 : i1
      %and3A_1420 = arith.andi %ne3A_1419, %ne3A_1414 : i1
      %add3A_1421 = arith.addi %rem3A_1412, %select_n3A_1411 : i32
      %select_n3A_1422 = arith.select %and3A_1420, %add3A_1421, %rem3A_1412 : i32
      %broadcast_in_dim3A_1423 = vector.broadcast %select_n3A_1422 : i32 to vector<16xi32>
      %jit3A_1424 = arith.constant 128 : i32
      %eq3A_1425 = arith.constant 0 : i32
      %eq3A_1426 = arith.cmpi eq, %jit3A_1424, %eq3A_1425 : i32
      %jit3A_1427 = arith.constant 1 : i32
      %select_n3A_1428 = arith.select %eq3A_1426, %jit3A_1427, %jit3A_1424 : i32
      %rem3A_1429 = arith.remsi %squeeze3A_1406, %select_n3A_1428 : i32
      %ne3A_1430 = arith.constant 0 : i32
      %ne3A_1431 = arith.cmpi ne, %rem3A_1429, %ne3A_1430 : i32
      %lt3A_1432 = arith.constant 0 : i32
      %lt3A_1433 = arith.cmpi slt, %rem3A_1429, %lt3A_1432 : i32
      %lt3A_1434 = arith.constant 0 : i32
      %lt3A_1435 = arith.cmpi slt, %select_n3A_1428, %lt3A_1434 : i32
      %ne3A_1436 = arith.xori %lt3A_1433, %lt3A_1435 : i1
      %and3A_1437 = arith.andi %ne3A_1436, %ne3A_1431 : i1
      %add3A_1438 = arith.addi %rem3A_1429, %select_n3A_1428 : i32
      %select_n3A_1439 = arith.select %and3A_1437, %add3A_1438, %rem3A_1429 : i32
      %broadcast_in_dim3A_1440 = vector.broadcast %select_n3A_1439 : i32 to vector<16xi32>
      %gather3A_1441 = tpu.vector_load_idx %arg15[%iota3A, %broadcast_in_dim3A_1423] : memref<32x128xf32, #tpu.memory_space<vmem>>[vector<16xi32>, vector<16xi32>], vector<16xf32>,
      %gather3A_1442 = tpu.vector_load_idx %arg15[%add3A_13, %broadcast_in_dim3A_1423] : memref<32x128xf32, #tpu.memory_space<vmem>>[vector<16xi32>, vector<16xi32>], vector<16xf32>,
      %gather3A_1443 = tpu.vector_load_idx %arg23[%iota3A, %broadcast_in_dim3A_1440] : memref<32x128xf32, #tpu.memory_space<vmem>>[vector<16xi32>, vector<16xi32>], vector<16xf32>,
      %gather3A_1444 = tpu.vector_load_idx %arg23[%add3A_13, %broadcast_in_dim3A_1440] : memref<32x128xf32, #tpu.memory_space<vmem>>[vector<16xi32>, vector<16xi32>], vector<16xf32>,
      %mul3A_1445 = arith.mulf %gather3A_1441, %gather3A_1443 : vector<16xf32>
      %mul3A_1446 = arith.mulf %gather3A_1442, %gather3A_1444 : vector<16xf32>
      %add3A_1447 = arith.addf %mul3A_1445, %mul3A_1446 : vector<16xf32>
      %broadcast_in_dim3A_1448 = vector.shape_cast %xor3A_15 : vector<16xi32> to vector<16x1xi32>
      %gather3A_1449 = vector.shape_cast %broadcast_in_dim3A_1448 : vector<16x1xi32> to vector<16xi32>
      %gather3A_1450 = tpu.dynamic_gather %add3A_1447[%gather3A_1449] in [0] : vector<16xf32>, vector<16xi32> -> vector<16xf32>
      %add3A_1451 = arith.addf %add3A_1447, %gather3A_1450 : vector<16xf32>
      %broadcast_in_dim3A_1452 = vector.shape_cast %xor3A_18 : vector<16xi32> to vector<16x1xi32>
      %gather3A_1453 = vector.shape_cast %broadcast_in_dim3A_1452 : vector<16x1xi32> to vector<16xi32>
      %gather3A_1454 = tpu.dynamic_gather %add3A_1451[%gather3A_1453] in [0] : vector<16xf32>, vector<16xi32> -> vector<16xf32>
      %add3A_1455 = arith.addf %add3A_1451, %gather3A_1454 : vector<16xf32>
      %broadcast_in_dim3A_1456 = vector.shape_cast %xor3A_21 : vector<16xi32> to vector<16x1xi32>
      %gather3A_1457 = vector.shape_cast %broadcast_in_dim3A_1456 : vector<16x1xi32> to vector<16xi32>
      %gather3A_1458 = tpu.dynamic_gather %add3A_1455[%gather3A_1457] in [0] : vector<16xf32>, vector<16xi32> -> vector<16xf32>
      %add3A_1459 = arith.addf %add3A_1455, %gather3A_1458 : vector<16xf32>
      %broadcast_in_dim3A_1460 = vector.shape_cast %xor3A_24 : vector<16xi32> to vector<16x1xi32>
      %gather3A_1461 = vector.shape_cast %broadcast_in_dim3A_1460 : vector<16x1xi32> to vector<16xi32>
      %gather3A_1462 = tpu.dynamic_gather %add3A_1459[%gather3A_1461] in [0] : vector<16xf32>, vector<16xi32> -> vector<16xf32>
      %add3A_1463 = arith.addf %add3A_1459, %gather3A_1462 : vector<16xf32>
      %eq3A_1464 = arith.constant 5 : i32
      %eq3A_1465 = vector.broadcast %eq3A_1464 : i32 to vector<16xi32>
      %eq3A_1466 = arith.cmpi eq, %iota3A, %eq3A_1465 : vector<16xi32>
      %select_n3A_1467 = arith.select %eq3A_1466, %add3A_1463, %select_n3A_1324 : vector<16xi1>, vector<16xf32>
      %slice3A_1468 = vector.extract_strided_slice %get3A_670 {offsets = [5], sizes = [1], strides = [1]} : vector<16xi32> to vector<1xi32>
      %squeeze3A_1469 = vector.extract %slice3A_1468[0] : i32 from vector<1xi32>
      %slice3A_1470 = vector.extract_strided_slice %get3A_676 {offsets = [5], sizes = [1], strides = [1]} : vector<16xi32> to vector<1xi32>
      %squeeze3A_1471 = vector.extract %slice3A_1470[0] : i32 from vector<1xi32>
      %jit3A_1472 = arith.constant 128 : i32
      %div3A_1473 = arith.divsi %squeeze3A_1469, %jit3A_1472 : i32
      %sign3A_1474 = arith.constant 0 : i32
      %sign3A_1475 = arith.cmpi sgt, %squeeze3A_1469, %sign3A_1474 : i32
      %sign3A_1476 = arith.extui %sign3A_1475 : i1 to i32
      %sign3A_1477 = arith.constant 0 : i32
      %sign3A_1478 = arith.cmpi slt, %squeeze3A_1469, %sign3A_1477 : i32
      %sign3A_1479 = arith.extui %sign3A_1478 : i1 to i32
      %sign3A_1480 = arith.subi %sign3A_1476, %sign3A_1479 : i32
      %sign3A_1481 = arith.constant 0 : i32
      %sign3A_1482 = arith.cmpi sgt, %jit3A_1472, %sign3A_1481 : i32
      %sign3A_1483 = arith.extui %sign3A_1482 : i1 to i32
      %sign3A_1484 = arith.constant 0 : i32
      %sign3A_1485 = arith.cmpi slt, %jit3A_1472, %sign3A_1484 : i32
      %sign3A_1486 = arith.extui %sign3A_1485 : i1 to i32
      %sign3A_1487 = arith.subi %sign3A_1483, %sign3A_1486 : i32
      %ne3A_1488 = arith.cmpi ne, %sign3A_1480, %sign3A_1487 : i32
      %rem3A_1489 = arith.remsi %squeeze3A_1469, %jit3A_1472 : i32
      %ne3A_1490 = arith.constant 0 : i32
      %ne3A_1491 = arith.cmpi ne, %rem3A_1489, %ne3A_1490 : i32
      %and3A_1492 = arith.andi %ne3A_1488, %ne3A_1491 : i1
      %sub3A_1493 = arith.constant 1 : i32
      %sub3A_1494 = arith.subi %div3A_1473, %sub3A_1493 : i32
      %select_n3A_1495 = arith.select %and3A_1492, %sub3A_1494, %div3A_1473 : i32
      %mul3A_1496 = arith.constant 128 : i32
      %mul3A_1497 = arith.muli %select_n3A_1495, %mul3A_1496 : i32
      %multiple_of3A_1498 = tpu.assume_multiple %mul3A_1497, 128 : i32
      %dma_start3A_1499 = arith.constant 0 : i32
      %dma_start3A_1500 = tpu.memref_slice %arg4[%dma_start3A_1499, %multiple_of3A_1498] : memref<32x1000000xf32, #tpu.memory_space<hbm>> -> memref<32x128xf32, #tpu.memory_space<hbm>>
      %dma_start3A_1501 = arith.constant 0 : i32
      %dma_start3A_1502 = tpu.memref_slice %arg4[%dma_start3A_1501, %multiple_of3A_1498] : memref<32x1000000xf32, #tpu.memory_space<hbm>> -> memref<32x128xf32, #tpu.memory_space<hbm>>
      tpu.enqueue_dma source(%dma_start3A_1502 : memref<32x128xf32, #tpu.memory_space<hbm>>) target(%arg15 : memref<32x128xf32, #tpu.memory_space<vmem>>) target_semaphore(%arg26 : memref<!tpu.dma_semaphore, #tpu.memory_space<semaphore_mem>>)
      %jit3A_1503 = arith.constant 128 : i32
      %div3A_1504 = arith.divsi %squeeze3A_1471, %jit3A_1503 : i32
      %sign3A_1505 = arith.constant 0 : i32
      %sign3A_1506 = arith.cmpi sgt, %squeeze3A_1471, %sign3A_1505 : i32
      %sign3A_1507 = arith.extui %sign3A_1506 : i1 to i32
      %sign3A_1508 = arith.constant 0 : i32
      %sign3A_1509 = arith.cmpi slt, %squeeze3A_1471, %sign3A_1508 : i32
      %sign3A_1510 = arith.extui %sign3A_1509 : i1 to i32
      %sign3A_1511 = arith.subi %sign3A_1507, %sign3A_1510 : i32
      %sign3A_1512 = arith.constant 0 : i32
      %sign3A_1513 = arith.cmpi sgt, %jit3A_1503, %sign3A_1512 : i32
      %sign3A_1514 = arith.extui %sign3A_1513 : i1 to i32
      %sign3A_1515 = arith.constant 0 : i32
      %sign3A_1516 = arith.cmpi slt, %jit3A_1503, %sign3A_1515 : i32
      %sign3A_1517 = arith.extui %sign3A_1516 : i1 to i32
      %sign3A_1518 = arith.subi %sign3A_1514, %sign3A_1517 : i32
      %ne3A_1519 = arith.cmpi ne, %sign3A_1511, %sign3A_1518 : i32
      %rem3A_1520 = arith.remsi %squeeze3A_1471, %jit3A_1503 : i32
      %ne3A_1521 = arith.constant 0 : i32
      %ne3A_1522 = arith.cmpi ne, %rem3A_1520, %ne3A_1521 : i32
      %and3A_1523 = arith.andi %ne3A_1519, %ne3A_1522 : i1
      %sub3A_1524 = arith.constant 1 : i32
      %sub3A_1525 = arith.subi %div3A_1504, %sub3A_1524 : i32
      %select_n3A_1526 = arith.select %and3A_1523, %sub3A_1525, %div3A_1504 : i32
      %mul3A_1527 = arith.constant 128 : i32
      %mul3A_1528 = arith.muli %select_n3A_1526, %mul3A_1527 : i32
      %multiple_of3A_1529 = tpu.assume_multiple %mul3A_1528, 128 : i32
      %dma_start3A_1530 = arith.constant 0 : i32
      %dma_start3A_1531 = tpu.memref_slice %arg5[%dma_start3A_1530, %multiple_of3A_1529] : memref<32x1000000xf32, #tpu.memory_space<hbm>> -> memref<32x128xf32, #tpu.memory_space<hbm>>
      %dma_start3A_1532 = arith.constant 0 : i32
      %dma_start3A_1533 = tpu.memref_slice %arg5[%dma_start3A_1532, %multiple_of3A_1529] : memref<32x1000000xf32, #tpu.memory_space<hbm>> -> memref<32x128xf32, #tpu.memory_space<hbm>>
      tpu.enqueue_dma source(%dma_start3A_1533 : memref<32x128xf32, #tpu.memory_space<hbm>>) target(%arg23 : memref<32x128xf32, #tpu.memory_space<vmem>>) target_semaphore(%arg27 : memref<!tpu.dma_semaphore, #tpu.memory_space<semaphore_mem>>)
      %dma_wait3A_1534 = arith.constant 0 : i32
      %dma_wait3A_1535 = arith.constant 0 : i32
      %dma_wait3A_1536 = tpu.memref_slice %arg4[%dma_wait3A_1534, %dma_wait3A_1535] : memref<32x1000000xf32, #tpu.memory_space<hbm>> -> memref<32x128xf32, #tpu.memory_space<hbm>>
      %dma_wait3A_1537 = arith.constant 0 : i32
      %dma_wait3A_1538 = arith.constant 0 : i32
      %dma_wait3A_1539 = tpu.memref_slice %arg4[%dma_wait3A_1537, %dma_wait3A_1538] : memref<32x1000000xf32, #tpu.memory_space<hbm>> -> memref<32x128xf32, #tpu.memory_space<hbm>>
      tpu.wait_dma2 semaphore(%arg26 : memref<!tpu.dma_semaphore, #tpu.memory_space<semaphore_mem>>) src(%dma_wait3A_1539 : memref<32x128xf32, #tpu.memory_space<hbm>>) dst(%arg16 : memref<32x128xf32, #tpu.memory_space<vmem>>)
      %dma_wait3A_1540 = arith.constant 0 : i32
      %dma_wait3A_1541 = arith.constant 0 : i32
      %dma_wait3A_1542 = tpu.memref_slice %arg5[%dma_wait3A_1540, %dma_wait3A_1541] : memref<32x1000000xf32, #tpu.memory_space<hbm>> -> memref<32x128xf32, #tpu.memory_space<hbm>>
      %dma_wait3A_1543 = arith.constant 0 : i32
      %dma_wait3A_1544 = arith.constant 0 : i32
      %dma_wait3A_1545 = tpu.memref_slice %arg5[%dma_wait3A_1543, %dma_wait3A_1544] : memref<32x1000000xf32, #tpu.memory_space<hbm>> -> memref<32x128xf32, #tpu.memory_space<hbm>>
      tpu.wait_dma2 semaphore(%arg27 : memref<!tpu.dma_semaphore, #tpu.memory_space<semaphore_mem>>) src(%dma_wait3A_1545 : memref<32x128xf32, #tpu.memory_space<hbm>>) dst(%arg24 : memref<32x128xf32, #tpu.memory_space<vmem>>)
      %slice3A_1546 = vector.extract_strided_slice %get3A_660 {offsets = [6], sizes = [1], strides = [1]} : vector<16xi32> to vector<1xi32>
      %squeeze3A_1547 = vector.extract %slice3A_1546[0] : i32 from vector<1xi32>
      %slice3A_1548 = vector.extract_strided_slice %get3A_664 {offsets = [6], sizes = [1], strides = [1]} : vector<16xi32> to vector<1xi32>
      %squeeze3A_1549 = vector.extract %slice3A_1548[0] : i32 from vector<1xi32>
      %jit3A_1550 = arith.constant 128 : i32
      %eq3A_1551 = arith.constant 0 : i32
      %eq3A_1552 = arith.cmpi eq, %jit3A_1550, %eq3A_1551 : i32
      %jit3A_1553 = arith.constant 1 : i32
      %select_n3A_1554 = arith.select %eq3A_1552, %jit3A_1553, %jit3A_1550 : i32
      %rem3A_1555 = arith.remsi %squeeze3A_1547, %select_n3A_1554 : i32
      %ne3A_1556 = arith.constant 0 : i32
      %ne3A_1557 = arith.cmpi ne, %rem3A_1555, %ne3A_1556 : i32
      %lt3A_1558 = arith.constant 0 : i32
      %lt3A_1559 = arith.cmpi slt, %rem3A_1555, %lt3A_1558 : i32
      %lt3A_1560 = arith.constant 0 : i32
      %lt3A_1561 = arith.cmpi slt, %select_n3A_1554, %lt3A_1560 : i32
      %ne3A_1562 = arith.xori %lt3A_1559, %lt3A_1561 : i1
      %and3A_1563 = arith.andi %ne3A_1562, %ne3A_1557 : i1
      %add3A_1564 = arith.addi %rem3A_1555, %select_n3A_1554 : i32
      %select_n3A_1565 = arith.select %and3A_1563, %add3A_1564, %rem3A_1555 : i32
      %broadcast_in_dim3A_1566 = vector.broadcast %select_n3A_1565 : i32 to vector<16xi32>
      %jit3A_1567 = arith.constant 128 : i32
      %eq3A_1568 = arith.constant 0 : i32
      %eq3A_1569 = arith.cmpi eq, %jit3A_1567, %eq3A_1568 : i32
      %jit3A_1570 = arith.constant 1 : i32
      %select_n3A_1571 = arith.select %eq3A_1569, %jit3A_1570, %jit3A_1567 : i32
      %rem3A_1572 = arith.remsi %squeeze3A_1549, %select_n3A_1571 : i32
      %ne3A_1573 = arith.constant 0 : i32
      %ne3A_1574 = arith.cmpi ne, %rem3A_1572, %ne3A_1573 : i32
      %lt3A_1575 = arith.constant 0 : i32
      %lt3A_1576 = arith.cmpi slt, %rem3A_1572, %lt3A_1575 : i32
      %lt3A_1577 = arith.constant 0 : i32
      %lt3A_1578 = arith.cmpi slt, %select_n3A_1571, %lt3A_1577 : i32
      %ne3A_1579 = arith.xori %lt3A_1576, %lt3A_1578 : i1
      %and3A_1580 = arith.andi %ne3A_1579, %ne3A_1574 : i1
      %add3A_1581 = arith.addi %rem3A_1572, %select_n3A_1571 : i32
      %select_n3A_1582 = arith.select %and3A_1580, %add3A_1581, %rem3A_1572 : i32
      %broadcast_in_dim3A_1583 = vector.broadcast %select_n3A_1582 : i32 to vector<16xi32>
      %gather3A_1584 = tpu.vector_load_idx %arg16[%iota3A, %broadcast_in_dim3A_1566] : memref<32x128xf32, #tpu.memory_space<vmem>>[vector<16xi32>, vector<16xi32>], vector<16xf32>,
      %gather3A_1585 = tpu.vector_load_idx %arg16[%add3A_13, %broadcast_in_dim3A_1566] : memref<32x128xf32, #tpu.memory_space<vmem>>[vector<16xi32>, vector<16xi32>], vector<16xf32>,
      %gather3A_1586 = tpu.vector_load_idx %arg24[%iota3A, %broadcast_in_dim3A_1583] : memref<32x128xf32, #tpu.memory_space<vmem>>[vector<16xi32>, vector<16xi32>], vector<16xf32>,
      %gather3A_1587 = tpu.vector_load_idx %arg24[%add3A_13, %broadcast_in_dim3A_1583] : memref<32x128xf32, #tpu.memory_space<vmem>>[vector<16xi32>, vector<16xi32>], vector<16xf32>,
      %mul3A_1588 = arith.mulf %gather3A_1584, %gather3A_1586 : vector<16xf32>
      %mul3A_1589 = arith.mulf %gather3A_1585, %gather3A_1587 : vector<16xf32>
      %add3A_1590 = arith.addf %mul3A_1588, %mul3A_1589 : vector<16xf32>
      %broadcast_in_dim3A_1591 = vector.shape_cast %xor3A_15 : vector<16xi32> to vector<16x1xi32>
      %gather3A_1592 = vector.shape_cast %broadcast_in_dim3A_1591 : vector<16x1xi32> to vector<16xi32>
      %gather3A_1593 = tpu.dynamic_gather %add3A_1590[%gather3A_1592] in [0] : vector<16xf32>, vector<16xi32> -> vector<16xf32>
      %add3A_1594 = arith.addf %add3A_1590, %gather3A_1593 : vector<16xf32>
      %broadcast_in_dim3A_1595 = vector.shape_cast %xor3A_18 : vector<16xi32> to vector<16x1xi32>
      %gather3A_1596 = vector.shape_cast %broadcast_in_dim3A_1595 : vector<16x1xi32> to vector<16xi32>
      %gather3A_1597 = tpu.dynamic_gather %add3A_1594[%gather3A_1596] in [0] : vector<16xf32>, vector<16xi32> -> vector<16xf32>
      %add3A_1598 = arith.addf %add3A_1594, %gather3A_1597 : vector<16xf32>
      %broadcast_in_dim3A_1599 = vector.shape_cast %xor3A_21 : vector<16xi32> to vector<16x1xi32>
      %gather3A_1600 = vector.shape_cast %broadcast_in_dim3A_1599 : vector<16x1xi32> to vector<16xi32>
      %gather3A_1601 = tpu.dynamic_gather %add3A_1598[%gather3A_1600] in [0] : vector<16xf32>, vector<16xi32> -> vector<16xf32>
      %add3A_1602 = arith.addf %add3A_1598, %gather3A_1601 : vector<16xf32>
      %broadcast_in_dim3A_1603 = vector.shape_cast %xor3A_24 : vector<16xi32> to vector<16x1xi32>
      %gather3A_1604 = vector.shape_cast %broadcast_in_dim3A_1603 : vector<16x1xi32> to vector<16xi32>
      %gather3A_1605 = tpu.dynamic_gather %add3A_1602[%gather3A_1604] in [0] : vector<16xf32>, vector<16xi32> -> vector<16xf32>
      %add3A_1606 = arith.addf %add3A_1602, %gather3A_1605 : vector<16xf32>
      %eq3A_1607 = arith.constant 6 : i32
      %eq3A_1608 = vector.broadcast %eq3A_1607 : i32 to vector<16xi32>
      %eq3A_1609 = arith.cmpi eq, %iota3A, %eq3A_1608 : vector<16xi32>
      %select_n3A_1610 = arith.select %eq3A_1609, %add3A_1606, %select_n3A_1467 : vector<16xi1>, vector<16xf32>
      %slice3A_1611 = vector.extract_strided_slice %get3A_670 {offsets = [6], sizes = [1], strides = [1]} : vector<16xi32> to vector<1xi32>
      %squeeze3A_1612 = vector.extract %slice3A_1611[0] : i32 from vector<1xi32>
      %slice3A_1613 = vector.extract_strided_slice %get3A_676 {offsets = [6], sizes = [1], strides = [1]} : vector<16xi32> to vector<1xi32>
      %squeeze3A_1614 = vector.extract %slice3A_1613[0] : i32 from vector<1xi32>
      %jit3A_1615 = arith.constant 128 : i32
      %div3A_1616 = arith.divsi %squeeze3A_1612, %jit3A_1615 : i32
      %sign3A_1617 = arith.constant 0 : i32
      %sign3A_1618 = arith.cmpi sgt, %squeeze3A_1612, %sign3A_1617 : i32
      %sign3A_1619 = arith.extui %sign3A_1618 : i1 to i32
      %sign3A_1620 = arith.constant 0 : i32
      %sign3A_1621 = arith.cmpi slt, %squeeze3A_1612, %sign3A_1620 : i32
      %sign3A_1622 = arith.extui %sign3A_1621 : i1 to i32
      %sign3A_1623 = arith.subi %sign3A_1619, %sign3A_1622 : i32
      %sign3A_1624 = arith.constant 0 : i32
      %sign3A_1625 = arith.cmpi sgt, %jit3A_1615, %sign3A_1624 : i32
      %sign3A_1626 = arith.extui %sign3A_1625 : i1 to i32
      %sign3A_1627 = arith.constant 0 : i32
      %sign3A_1628 = arith.cmpi slt, %jit3A_1615, %sign3A_1627 : i32
      %sign3A_1629 = arith.extui %sign3A_1628 : i1 to i32
      %sign3A_1630 = arith.subi %sign3A_1626, %sign3A_1629 : i32
      %ne3A_1631 = arith.cmpi ne, %sign3A_1623, %sign3A_1630 : i32
      %rem3A_1632 = arith.remsi %squeeze3A_1612, %jit3A_1615 : i32
      %ne3A_1633 = arith.constant 0 : i32
      %ne3A_1634 = arith.cmpi ne, %rem3A_1632, %ne3A_1633 : i32
      %and3A_1635 = arith.andi %ne3A_1631, %ne3A_1634 : i1
      %sub3A_1636 = arith.constant 1 : i32
      %sub3A_1637 = arith.subi %div3A_1616, %sub3A_1636 : i32
      %select_n3A_1638 = arith.select %and3A_1635, %sub3A_1637, %div3A_1616 : i32
      %mul3A_1639 = arith.constant 128 : i32
      %mul3A_1640 = arith.muli %select_n3A_1638, %mul3A_1639 : i32
      %multiple_of3A_1641 = tpu.assume_multiple %mul3A_1640, 128 : i32
      %dma_start3A_1642 = arith.constant 0 : i32
      %dma_start3A_1643 = tpu.memref_slice %arg4[%dma_start3A_1642, %multiple_of3A_1641] : memref<32x1000000xf32, #tpu.memory_space<hbm>> -> memref<32x128xf32, #tpu.memory_space<hbm>>
      %dma_start3A_1644 = arith.constant 0 : i32
      %dma_start3A_1645 = tpu.memref_slice %arg4[%dma_start3A_1644, %multiple_of3A_1641] : memref<32x1000000xf32, #tpu.memory_space<hbm>> -> memref<32x128xf32, #tpu.memory_space<hbm>>
      tpu.enqueue_dma source(%dma_start3A_1645 : memref<32x128xf32, #tpu.memory_space<hbm>>) target(%arg16 : memref<32x128xf32, #tpu.memory_space<vmem>>) target_semaphore(%arg26 : memref<!tpu.dma_semaphore, #tpu.memory_space<semaphore_mem>>)
      %jit3A_1646 = arith.constant 128 : i32
      %div3A_1647 = arith.divsi %squeeze3A_1614, %jit3A_1646 : i32
      %sign3A_1648 = arith.constant 0 : i32
      %sign3A_1649 = arith.cmpi sgt, %squeeze3A_1614, %sign3A_1648 : i32
      %sign3A_1650 = arith.extui %sign3A_1649 : i1 to i32
      %sign3A_1651 = arith.constant 0 : i32
      %sign3A_1652 = arith.cmpi slt, %squeeze3A_1614, %sign3A_1651 : i32
      %sign3A_1653 = arith.extui %sign3A_1652 : i1 to i32
      %sign3A_1654 = arith.subi %sign3A_1650, %sign3A_1653 : i32
      %sign3A_1655 = arith.constant 0 : i32
      %sign3A_1656 = arith.cmpi sgt, %jit3A_1646, %sign3A_1655 : i32
      %sign3A_1657 = arith.extui %sign3A_1656 : i1 to i32
      %sign3A_1658 = arith.constant 0 : i32
      %sign3A_1659 = arith.cmpi slt, %jit3A_1646, %sign3A_1658 : i32
      %sign3A_1660 = arith.extui %sign3A_1659 : i1 to i32
      %sign3A_1661 = arith.subi %sign3A_1657, %sign3A_1660 : i32
      %ne3A_1662 = arith.cmpi ne, %sign3A_1654, %sign3A_1661 : i32
      %rem3A_1663 = arith.remsi %squeeze3A_1614, %jit3A_1646 : i32
      %ne3A_1664 = arith.constant 0 : i32
      %ne3A_1665 = arith.cmpi ne, %rem3A_1663, %ne3A_1664 : i32
      %and3A_1666 = arith.andi %ne3A_1662, %ne3A_1665 : i1
      %sub3A_1667 = arith.constant 1 : i32
      %sub3A_1668 = arith.subi %div3A_1647, %sub3A_1667 : i32
      %select_n3A_1669 = arith.select %and3A_1666, %sub3A_1668, %div3A_1647 : i32
      %mul3A_1670 = arith.constant 128 : i32
      %mul3A_1671 = arith.muli %select_n3A_1669, %mul3A_1670 : i32
      %multiple_of3A_1672 = tpu.assume_multiple %mul3A_1671, 128 : i32
      %dma_start3A_1673 = arith.constant 0 : i32
      %dma_start3A_1674 = tpu.memref_slice %arg5[%dma_start3A_1673, %multiple_of3A_1672] : memref<32x1000000xf32, #tpu.memory_space<hbm>> -> memref<32x128xf32, #tpu.memory_space<hbm>>
      %dma_start3A_1675 = arith.constant 0 : i32
      %dma_start3A_1676 = tpu.memref_slice %arg5[%dma_start3A_1675, %multiple_of3A_1672] : memref<32x1000000xf32, #tpu.memory_space<hbm>> -> memref<32x128xf32, #tpu.memory_space<hbm>>
      tpu.enqueue_dma source(%dma_start3A_1676 : memref<32x128xf32, #tpu.memory_space<hbm>>) target(%arg24 : memref<32x128xf32, #tpu.memory_space<vmem>>) target_semaphore(%arg27 : memref<!tpu.dma_semaphore, #tpu.memory_space<semaphore_mem>>)
      %dma_wait3A_1677 = arith.constant 0 : i32
      %dma_wait3A_1678 = arith.constant 0 : i32
      %dma_wait3A_1679 = tpu.memref_slice %arg4[%dma_wait3A_1677, %dma_wait3A_1678] : memref<32x1000000xf32, #tpu.memory_space<hbm>> -> memref<32x128xf32, #tpu.memory_space<hbm>>
      %dma_wait3A_1680 = arith.constant 0 : i32
      %dma_wait3A_1681 = arith.constant 0 : i32
      %dma_wait3A_1682 = tpu.memref_slice %arg4[%dma_wait3A_1680, %dma_wait3A_1681] : memref<32x1000000xf32, #tpu.memory_space<hbm>> -> memref<32x128xf32, #tpu.memory_space<hbm>>
      tpu.wait_dma2 semaphore(%arg26 : memref<!tpu.dma_semaphore, #tpu.memory_space<semaphore_mem>>) src(%dma_wait3A_1682 : memref<32x128xf32, #tpu.memory_space<hbm>>) dst(%arg17 : memref<32x128xf32, #tpu.memory_space<vmem>>)
      %dma_wait3A_1683 = arith.constant 0 : i32
      %dma_wait3A_1684 = arith.constant 0 : i32
      %dma_wait3A_1685 = tpu.memref_slice %arg5[%dma_wait3A_1683, %dma_wait3A_1684] : memref<32x1000000xf32, #tpu.memory_space<hbm>> -> memref<32x128xf32, #tpu.memory_space<hbm>>
      %dma_wait3A_1686 = arith.constant 0 : i32
      %dma_wait3A_1687 = arith.constant 0 : i32
      %dma_wait3A_1688 = tpu.memref_slice %arg5[%dma_wait3A_1686, %dma_wait3A_1687] : memref<32x1000000xf32, #tpu.memory_space<hbm>> -> memref<32x128xf32, #tpu.memory_space<hbm>>
      tpu.wait_dma2 semaphore(%arg27 : memref<!tpu.dma_semaphore, #tpu.memory_space<semaphore_mem>>) src(%dma_wait3A_1688 : memref<32x128xf32, #tpu.memory_space<hbm>>) dst(%arg25 : memref<32x128xf32, #tpu.memory_space<vmem>>)
      %slice3A_1689 = vector.extract_strided_slice %get3A_660 {offsets = [7], sizes = [1], strides = [1]} : vector<16xi32> to vector<1xi32>
      %squeeze3A_1690 = vector.extract %slice3A_1689[0] : i32 from vector<1xi32>
      %slice3A_1691 = vector.extract_strided_slice %get3A_664 {offsets = [7], sizes = [1], strides = [1]} : vector<16xi32> to vector<1xi32>
      %squeeze3A_1692 = vector.extract %slice3A_1691[0] : i32 from vector<1xi32>
      %jit3A_1693 = arith.constant 128 : i32
      %eq3A_1694 = arith.constant 0 : i32
      %eq3A_1695 = arith.cmpi eq, %jit3A_1693, %eq3A_1694 : i32
      %jit3A_1696 = arith.constant 1 : i32
      %select_n3A_1697 = arith.select %eq3A_1695, %jit3A_1696, %jit3A_1693 : i32
      %rem3A_1698 = arith.remsi %squeeze3A_1690, %select_n3A_1697 : i32
      %ne3A_1699 = arith.constant 0 : i32
      %ne3A_1700 = arith.cmpi ne, %rem3A_1698, %ne3A_1699 : i32
      %lt3A_1701 = arith.constant 0 : i32
      %lt3A_1702 = arith.cmpi slt, %rem3A_1698, %lt3A_1701 : i32
      %lt3A_1703 = arith.constant 0 : i32
      %lt3A_1704 = arith.cmpi slt, %select_n3A_1697, %lt3A_1703 : i32
      %ne3A_1705 = arith.xori %lt3A_1702, %lt3A_1704 : i1
      %and3A_1706 = arith.andi %ne3A_1705, %ne3A_1700 : i1
      %add3A_1707 = arith.addi %rem3A_1698, %select_n3A_1697 : i32
      %select_n3A_1708 = arith.select %and3A_1706, %add3A_1707, %rem3A_1698 : i32
      %broadcast_in_dim3A_1709 = vector.broadcast %select_n3A_1708 : i32 to vector<16xi32>
      %jit3A_1710 = arith.constant 128 : i32
      %eq3A_1711 = arith.constant 0 : i32
      %eq3A_1712 = arith.cmpi eq, %jit3A_1710, %eq3A_1711 : i32
      %jit3A_1713 = arith.constant 1 : i32
      %select_n3A_1714 = arith.select %eq3A_1712, %jit3A_1713, %jit3A_1710 : i32
      %rem3A_1715 = arith.remsi %squeeze3A_1692, %select_n3A_1714 : i32
      %ne3A_1716 = arith.constant 0 : i32
      %ne3A_1717 = arith.cmpi ne, %rem3A_1715, %ne3A_1716 : i32
      %lt3A_1718 = arith.constant 0 : i32
      %lt3A_1719 = arith.cmpi slt, %rem3A_1715, %lt3A_1718 : i32
      %lt3A_1720 = arith.constant 0 : i32
      %lt3A_1721 = arith.cmpi slt, %select_n3A_1714, %lt3A_1720 : i32
      %ne3A_1722 = arith.xori %lt3A_1719, %lt3A_1721 : i1
      %and3A_1723 = arith.andi %ne3A_1722, %ne3A_1717 : i1
      %add3A_1724 = arith.addi %rem3A_1715, %select_n3A_1714 : i32
      %select_n3A_1725 = arith.select %and3A_1723, %add3A_1724, %rem3A_1715 : i32
      %broadcast_in_dim3A_1726 = vector.broadcast %select_n3A_1725 : i32 to vector<16xi32>
      %gather3A_1727 = tpu.vector_load_idx %arg17[%iota3A, %broadcast_in_dim3A_1709] : memref<32x128xf32, #tpu.memory_space<vmem>>[vector<16xi32>, vector<16xi32>], vector<16xf32>,
      %gather3A_1728 = tpu.vector_load_idx %arg17[%add3A_13, %broadcast_in_dim3A_1709] : memref<32x128xf32, #tpu.memory_space<vmem>>[vector<16xi32>, vector<16xi32>], vector<16xf32>,
      %gather3A_1729 = tpu.vector_load_idx %arg25[%iota3A, %broadcast_in_dim3A_1726] : memref<32x128xf32, #tpu.memory_space<vmem>>[vector<16xi32>, vector<16xi32>], vector<16xf32>,
      %gather3A_1730 = tpu.vector_load_idx %arg25[%add3A_13, %broadcast_in_dim3A_1726] : memref<32x128xf32, #tpu.memory_space<vmem>>[vector<16xi32>, vector<16xi32>], vector<16xf32>,
      %mul3A_1731 = arith.mulf %gather3A_1727, %gather3A_1729 : vector<16xf32>
      %mul3A_1732 = arith.mulf %gather3A_1728, %gather3A_1730 : vector<16xf32>
      %add3A_1733 = arith.addf %mul3A_1731, %mul3A_1732 : vector<16xf32>
      %broadcast_in_dim3A_1734 = vector.shape_cast %xor3A_15 : vector<16xi32> to vector<16x1xi32>
      %gather3A_1735 = vector.shape_cast %broadcast_in_dim3A_1734 : vector<16x1xi32> to vector<16xi32>
      %gather3A_1736 = tpu.dynamic_gather %add3A_1733[%gather3A_1735] in [0] : vector<16xf32>, vector<16xi32> -> vector<16xf32>
      %add3A_1737 = arith.addf %add3A_1733, %gather3A_1736 : vector<16xf32>
      %broadcast_in_dim3A_1738 = vector.shape_cast %xor3A_18 : vector<16xi32> to vector<16x1xi32>
      %gather3A_1739 = vector.shape_cast %broadcast_in_dim3A_1738 : vector<16x1xi32> to vector<16xi32>
      %gather3A_1740 = tpu.dynamic_gather %add3A_1737[%gather3A_1739] in [0] : vector<16xf32>, vector<16xi32> -> vector<16xf32>
      %add3A_1741 = arith.addf %add3A_1737, %gather3A_1740 : vector<16xf32>
      %broadcast_in_dim3A_1742 = vector.shape_cast %xor3A_21 : vector<16xi32> to vector<16x1xi32>
      %gather3A_1743 = vector.shape_cast %broadcast_in_dim3A_1742 : vector<16x1xi32> to vector<16xi32>
      %gather3A_1744 = tpu.dynamic_gather %add3A_1741[%gather3A_1743] in [0] : vector<16xf32>, vector<16xi32> -> vector<16xf32>
      %add3A_1745 = arith.addf %add3A_1741, %gather3A_1744 : vector<16xf32>
      %broadcast_in_dim3A_1746 = vector.shape_cast %xor3A_24 : vector<16xi32> to vector<16x1xi32>
      %gather3A_1747 = vector.shape_cast %broadcast_in_dim3A_1746 : vector<16x1xi32> to vector<16xi32>
      %gather3A_1748 = tpu.dynamic_gather %add3A_1745[%gather3A_1747] in [0] : vector<16xf32>, vector<16xi32> -> vector<16xf32>
      %add3A_1749 = arith.addf %add3A_1745, %gather3A_1748 : vector<16xf32>
      %eq3A_1750 = arith.constant 7 : i32
      %eq3A_1751 = vector.broadcast %eq3A_1750 : i32 to vector<16xi32>
      %eq3A_1752 = arith.cmpi eq, %iota3A, %eq3A_1751 : vector<16xi32>
      %select_n3A_1753 = arith.select %eq3A_1752, %add3A_1749, %select_n3A_1610 : vector<16xi1>, vector<16xf32>
      %slice3A_1754 = vector.extract_strided_slice %get3A_670 {offsets = [7], sizes = [1], strides = [1]} : vector<16xi32> to vector<1xi32>
      %squeeze3A_1755 = vector.extract %slice3A_1754[0] : i32 from vector<1xi32>
      %slice3A_1756 = vector.extract_strided_slice %get3A_676 {offsets = [7], sizes = [1], strides = [1]} : vector<16xi32> to vector<1xi32>
      %squeeze3A_1757 = vector.extract %slice3A_1756[0] : i32 from vector<1xi32>
      %jit3A_1758 = arith.constant 128 : i32
      %div3A_1759 = arith.divsi %squeeze3A_1755, %jit3A_1758 : i32
      %sign3A_1760 = arith.constant 0 : i32
      %sign3A_1761 = arith.cmpi sgt, %squeeze3A_1755, %sign3A_1760 : i32
      %sign3A_1762 = arith.extui %sign3A_1761 : i1 to i32
      %sign3A_1763 = arith.constant 0 : i32
      %sign3A_1764 = arith.cmpi slt, %squeeze3A_1755, %sign3A_1763 : i32
      %sign3A_1765 = arith.extui %sign3A_1764 : i1 to i32
      %sign3A_1766 = arith.subi %sign3A_1762, %sign3A_1765 : i32
      %sign3A_1767 = arith.constant 0 : i32
      %sign3A_1768 = arith.cmpi sgt, %jit3A_1758, %sign3A_1767 : i32
      %sign3A_1769 = arith.extui %sign3A_1768 : i1 to i32
      %sign3A_1770 = arith.constant 0 : i32
      %sign3A_1771 = arith.cmpi slt, %jit3A_1758, %sign3A_1770 : i32
      %sign3A_1772 = arith.extui %sign3A_1771 : i1 to i32
      %sign3A_1773 = arith.subi %sign3A_1769, %sign3A_1772 : i32
      %ne3A_1774 = arith.cmpi ne, %sign3A_1766, %sign3A_1773 : i32
      %rem3A_1775 = arith.remsi %squeeze3A_1755, %jit3A_1758 : i32
      %ne3A_1776 = arith.constant 0 : i32
      %ne3A_1777 = arith.cmpi ne, %rem3A_1775, %ne3A_1776 : i32
      %and3A_1778 = arith.andi %ne3A_1774, %ne3A_1777 : i1
      %sub3A_1779 = arith.constant 1 : i32
      %sub3A_1780 = arith.subi %div3A_1759, %sub3A_1779 : i32
      %select_n3A_1781 = arith.select %and3A_1778, %sub3A_1780, %div3A_1759 : i32
      %mul3A_1782 = arith.constant 128 : i32
      %mul3A_1783 = arith.muli %select_n3A_1781, %mul3A_1782 : i32
      %multiple_of3A_1784 = tpu.assume_multiple %mul3A_1783, 128 : i32
      %dma_start3A_1785 = arith.constant 0 : i32
      %dma_start3A_1786 = tpu.memref_slice %arg4[%dma_start3A_1785, %multiple_of3A_1784] : memref<32x1000000xf32, #tpu.memory_space<hbm>> -> memref<32x128xf32, #tpu.memory_space<hbm>>
      %dma_start3A_1787 = arith.constant 0 : i32
      %dma_start3A_1788 = tpu.memref_slice %arg4[%dma_start3A_1787, %multiple_of3A_1784] : memref<32x1000000xf32, #tpu.memory_space<hbm>> -> memref<32x128xf32, #tpu.memory_space<hbm>>
      tpu.enqueue_dma source(%dma_start3A_1788 : memref<32x128xf32, #tpu.memory_space<hbm>>) target(%arg17 : memref<32x128xf32, #tpu.memory_space<vmem>>) target_semaphore(%arg26 : memref<!tpu.dma_semaphore, #tpu.memory_space<semaphore_mem>>)
      %jit3A_1789 = arith.constant 128 : i32
      %div3A_1790 = arith.divsi %squeeze3A_1757, %jit3A_1789 : i32
      %sign3A_1791 = arith.constant 0 : i32
      %sign3A_1792 = arith.cmpi sgt, %squeeze3A_1757, %sign3A_1791 : i32
      %sign3A_1793 = arith.extui %sign3A_1792 : i1 to i32
      %sign3A_1794 = arith.constant 0 : i32
      %sign3A_1795 = arith.cmpi slt, %squeeze3A_1757, %sign3A_1794 : i32
      %sign3A_1796 = arith.extui %sign3A_1795 : i1 to i32
      %sign3A_1797 = arith.subi %sign3A_1793, %sign3A_1796 : i32
      %sign3A_1798 = arith.constant 0 : i32
      %sign3A_1799 = arith.cmpi sgt, %jit3A_1789, %sign3A_1798 : i32
      %sign3A_1800 = arith.extui %sign3A_1799 : i1 to i32
      %sign3A_1801 = arith.constant 0 : i32
      %sign3A_1802 = arith.cmpi slt, %jit3A_1789, %sign3A_1801 : i32
      %sign3A_1803 = arith.extui %sign3A_1802 : i1 to i32
      %sign3A_1804 = arith.subi %sign3A_1800, %sign3A_1803 : i32
      %ne3A_1805 = arith.cmpi ne, %sign3A_1797, %sign3A_1804 : i32
      %rem3A_1806 = arith.remsi %squeeze3A_1757, %jit3A_1789 : i32
      %ne3A_1807 = arith.constant 0 : i32
      %ne3A_1808 = arith.cmpi ne, %rem3A_1806, %ne3A_1807 : i32
      %and3A_1809 = arith.andi %ne3A_1805, %ne3A_1808 : i1
      %sub3A_1810 = arith.constant 1 : i32
      %sub3A_1811 = arith.subi %div3A_1790, %sub3A_1810 : i32
      %select_n3A_1812 = arith.select %and3A_1809, %sub3A_1811, %div3A_1790 : i32
      %mul3A_1813 = arith.constant 128 : i32
      %mul3A_1814 = arith.muli %select_n3A_1812, %mul3A_1813 : i32
      %multiple_of3A_1815 = tpu.assume_multiple %mul3A_1814, 128 : i32
      %dma_start3A_1816 = arith.constant 0 : i32
      %dma_start3A_1817 = tpu.memref_slice %arg5[%dma_start3A_1816, %multiple_of3A_1815] : memref<32x1000000xf32, #tpu.memory_space<hbm>> -> memref<32x128xf32, #tpu.memory_space<hbm>>
      %dma_start3A_1818 = arith.constant 0 : i32
      %dma_start3A_1819 = tpu.memref_slice %arg5[%dma_start3A_1818, %multiple_of3A_1815] : memref<32x1000000xf32, #tpu.memory_space<hbm>> -> memref<32x128xf32, #tpu.memory_space<hbm>>
      tpu.enqueue_dma source(%dma_start3A_1819 : memref<32x128xf32, #tpu.memory_space<hbm>>) target(%arg25 : memref<32x128xf32, #tpu.memory_space<vmem>>) target_semaphore(%arg27 : memref<!tpu.dma_semaphore, #tpu.memory_space<semaphore_mem>>)
      %mul3A_1820 = arith.constant 8 : i32
      %mul3A_1821 = arith.muli %scan3A_656, %mul3A_1820 : i32
      %swap3A_1822 = arith.index_cast %mul3A_1821 : i32 to index
      %swap3A_1823 = tpu.vector_load %arg9[%swap3A_1822] {strides = array<i32>} : memref<544xf32, #tpu.memory_space<vmem>>, vector<16xf32>,
      tpu.vector_store %arg9[%swap3A_1822], %select_n3A_1753 {strides = array<i32>} : memref<544xf32, #tpu.memory_space<vmem>>, vector<16xf32>,
    }
    %scan3A_548 = arith.constant 64 : i32
    %dma_wait3A = arith.constant 0 : i32
    %dma_wait3A_549 = arith.constant 0 : i32
    %dma_wait3A_550 = tpu.memref_slice %arg4[%dma_wait3A, %dma_wait3A_549] : memref<32x1000000xf32, #tpu.memory_space<hbm>> -> memref<32x128xf32, #tpu.memory_space<hbm>>
    %dma_wait3A_551 = arith.constant 0 : i32
    %dma_wait3A_552 = arith.constant 0 : i32
    %dma_wait3A_553 = tpu.memref_slice %arg4[%dma_wait3A_551, %dma_wait3A_552] : memref<32x1000000xf32, #tpu.memory_space<hbm>> -> memref<32x128xf32, #tpu.memory_space<hbm>>
    tpu.wait_dma2 semaphore(%arg26 : memref<!tpu.dma_semaphore, #tpu.memory_space<semaphore_mem>>) src(%dma_wait3A_553 : memref<32x128xf32, #tpu.memory_space<hbm>>) dst(%arg10 : memref<32x128xf32, #tpu.memory_space<vmem>>)
    %dma_wait3A_554 = arith.constant 0 : i32
    %dma_wait3A_555 = arith.constant 0 : i32
    %dma_wait3A_556 = tpu.memref_slice %arg5[%dma_wait3A_554, %dma_wait3A_555] : memref<32x1000000xf32, #tpu.memory_space<hbm>> -> memref<32x128xf32, #tpu.memory_space<hbm>>
    %dma_wait3A_557 = arith.constant 0 : i32
    %dma_wait3A_558 = arith.constant 0 : i32
    %dma_wait3A_559 = tpu.memref_slice %arg5[%dma_wait3A_557, %dma_wait3A_558] : memref<32x1000000xf32, #tpu.memory_space<hbm>> -> memref<32x128xf32, #tpu.memory_space<hbm>>
    tpu.wait_dma2 semaphore(%arg27 : memref<!tpu.dma_semaphore, #tpu.memory_space<semaphore_mem>>) src(%dma_wait3A_559 : memref<32x128xf32, #tpu.memory_space<hbm>>) dst(%arg18 : memref<32x128xf32, #tpu.memory_space<vmem>>)
    %dma_wait3A_560 = arith.constant 0 : i32
    %dma_wait3A_561 = arith.constant 0 : i32
    %dma_wait3A_562 = tpu.memref_slice %arg4[%dma_wait3A_560, %dma_wait3A_561] : memref<32x1000000xf32, #tpu.memory_space<hbm>> -> memref<32x128xf32, #tpu.memory_space<hbm>>
    %dma_wait3A_563 = arith.constant 0 : i32
    %dma_wait3A_564 = arith.constant 0 : i32
    %dma_wait3A_565 = tpu.memref_slice %arg4[%dma_wait3A_563, %dma_wait3A_564] : memref<32x1000000xf32, #tpu.memory_space<hbm>> -> memref<32x128xf32, #tpu.memory_space<hbm>>
    tpu.wait_dma2 semaphore(%arg26 : memref<!tpu.dma_semaphore, #tpu.memory_space<semaphore_mem>>) src(%dma_wait3A_565 : memref<32x128xf32, #tpu.memory_space<hbm>>) dst(%arg11 : memref<32x128xf32, #tpu.memory_space<vmem>>)
    %dma_wait3A_566 = arith.constant 0 : i32
    %dma_wait3A_567 = arith.constant 0 : i32
    %dma_wait3A_568 = tpu.memref_slice %arg5[%dma_wait3A_566, %dma_wait3A_567] : memref<32x1000000xf32, #tpu.memory_space<hbm>> -> memref<32x128xf32, #tpu.memory_space<hbm>>
    %dma_wait3A_569 = arith.constant 0 : i32
    %dma_wait3A_570 = arith.constant 0 : i32
    %dma_wait3A_571 = tpu.memref_slice %arg5[%dma_wait3A_569, %dma_wait3A_570] : memref<32x1000000xf32, #tpu.memory_space<hbm>> -> memref<32x128xf32, #tpu.memory_space<hbm>>
    tpu.wait_dma2 semaphore(%arg27 : memref<!tpu.dma_semaphore, #tpu.memory_space<semaphore_mem>>) src(%dma_wait3A_571 : memref<32x128xf32, #tpu.memory_space<hbm>>) dst(%arg19 : memref<32x128xf32, #tpu.memory_space<vmem>>)
    %dma_wait3A_572 = arith.constant 0 : i32
    %dma_wait3A_573 = arith.constant 0 : i32
    %dma_wait3A_574 = tpu.memref_slice %arg4[%dma_wait3A_572, %dma_wait3A_573] : memref<32x1000000xf32, #tpu.memory_space<hbm>> -> memref<32x128xf32, #tpu.memory_space<hbm>>
    %dma_wait3A_575 = arith.constant 0 : i32
    %dma_wait3A_576 = arith.constant 0 : i32
    %dma_wait3A_577 = tpu.memref_slice %arg4[%dma_wait3A_575, %dma_wait3A_576] : memref<32x1000000xf32, #tpu.memory_space<hbm>> -> memref<32x128xf32, #tpu.memory_space<hbm>>
    tpu.wait_dma2 semaphore(%arg26 : memref<!tpu.dma_semaphore, #tpu.memory_space<semaphore_mem>>) src(%dma_wait3A_577 : memref<32x128xf32, #tpu.memory_space<hbm>>) dst(%arg12 : memref<32x128xf32, #tpu.memory_space<vmem>>)
    %dma_wait3A_578 = arith.constant 0 : i32
    %dma_wait3A_579 = arith.constant 0 : i32
    %dma_wait3A_580 = tpu.memref_slice %arg5[%dma_wait3A_578, %dma_wait3A_579] : memref<32x1000000xf32, #tpu.memory_space<hbm>> -> memref<32x128xf32, #tpu.memory_space<hbm>>
    %dma_wait3A_581 = arith.constant 0 : i32
    %dma_wait3A_582 = arith.constant 0 : i32
    %dma_wait3A_583 = tpu.memref_slice %arg5[%dma_wait3A_581, %dma_wait3A_582] : memref<32x1000000xf32, #tpu.memory_space<hbm>> -> memref<32x128xf32, #tpu.memory_space<hbm>>
    tpu.wait_dma2 semaphore(%arg27 : memref<!tpu.dma_semaphore, #tpu.memory_space<semaphore_mem>>) src(%dma_wait3A_583 : memref<32x128xf32, #tpu.memory_space<hbm>>) dst(%arg20 : memref<32x128xf32, #tpu.memory_space<vmem>>)
    %dma_wait3A_584 = arith.constant 0 : i32
    %dma_wait3A_585 = arith.constant 0 : i32
    %dma_wait3A_586 = tpu.memref_slice %arg4[%dma_wait3A_584, %dma_wait3A_585] : memref<32x1000000xf32, #tpu.memory_space<hbm>> -> memref<32x128xf32, #tpu.memory_space<hbm>>
    %dma_wait3A_587 = arith.constant 0 : i32
    %dma_wait3A_588 = arith.constant 0 : i32
    %dma_wait3A_589 = tpu.memref_slice %arg4[%dma_wait3A_587, %dma_wait3A_588] : memref<32x1000000xf32, #tpu.memory_space<hbm>> -> memref<32x128xf32, #tpu.memory_space<hbm>>
    tpu.wait_dma2 semaphore(%arg26 : memref<!tpu.dma_semaphore, #tpu.memory_space<semaphore_mem>>) src(%dma_wait3A_589 : memref<32x128xf32, #tpu.memory_space<hbm>>) dst(%arg13 : memref<32x128xf32, #tpu.memory_space<vmem>>)
    %dma_wait3A_590 = arith.constant 0 : i32
    %dma_wait3A_591 = arith.constant 0 : i32
    %dma_wait3A_592 = tpu.memref_slice %arg5[%dma_wait3A_590, %dma_wait3A_591] : memref<32x1000000xf32, #tpu.memory_space<hbm>> -> memref<32x128xf32, #tpu.memory_space<hbm>>
    %dma_wait3A_593 = arith.constant 0 : i32
    %dma_wait3A_594 = arith.constant 0 : i32
    %dma_wait3A_595 = tpu.memref_slice %arg5[%dma_wait3A_593, %dma_wait3A_594] : memref<32x1000000xf32, #tpu.memory_space<hbm>> -> memref<32x128xf32, #tpu.memory_space<hbm>>
    tpu.wait_dma2 semaphore(%arg27 : memref<!tpu.dma_semaphore, #tpu.memory_space<semaphore_mem>>) src(%dma_wait3A_595 : memref<32x128xf32, #tpu.memory_space<hbm>>) dst(%arg21 : memref<32x128xf32, #tpu.memory_space<vmem>>)
    %dma_wait3A_596 = arith.constant 0 : i32
    %dma_wait3A_597 = arith.constant 0 : i32
    %dma_wait3A_598 = tpu.memref_slice %arg4[%dma_wait3A_596, %dma_wait3A_597] : memref<32x1000000xf32, #tpu.memory_space<hbm>> -> memref<32x128xf32, #tpu.memory_space<hbm>>
    %dma_wait3A_599 = arith.constant 0 : i32
    %dma_wait3A_600 = arith.constant 0 : i32
    %dma_wait3A_601 = tpu.memref_slice %arg4[%dma_wait3A_599, %dma_wait3A_600] : memref<32x1000000xf32, #tpu.memory_space<hbm>> -> memref<32x128xf32, #tpu.memory_space<hbm>>
    tpu.wait_dma2 semaphore(%arg26 : memref<!tpu.dma_semaphore, #tpu.memory_space<semaphore_mem>>) src(%dma_wait3A_601 : memref<32x128xf32, #tpu.memory_space<hbm>>) dst(%arg14 : memref<32x128xf32, #tpu.memory_space<vmem>>)
    %dma_wait3A_602 = arith.constant 0 : i32
    %dma_wait3A_603 = arith.constant 0 : i32
    %dma_wait3A_604 = tpu.memref_slice %arg5[%dma_wait3A_602, %dma_wait3A_603] : memref<32x1000000xf32, #tpu.memory_space<hbm>> -> memref<32x128xf32, #tpu.memory_space<hbm>>
    %dma_wait3A_605 = arith.constant 0 : i32
    %dma_wait3A_606 = arith.constant 0 : i32
    %dma_wait3A_607 = tpu.memref_slice %arg5[%dma_wait3A_605, %dma_wait3A_606] : memref<32x1000000xf32, #tpu.memory_space<hbm>> -> memref<32x128xf32, #tpu.memory_space<hbm>>
    tpu.wait_dma2 semaphore(%arg27 : memref<!tpu.dma_semaphore, #tpu.memory_space<semaphore_mem>>) src(%dma_wait3A_607 : memref<32x128xf32, #tpu.memory_space<hbm>>) dst(%arg22 : memref<32x128xf32, #tpu.memory_space<vmem>>)
    %dma_wait3A_608 = arith.constant 0 : i32
    %dma_wait3A_609 = arith.constant 0 : i32
    %dma_wait3A_610 = tpu.memref_slice %arg4[%dma_wait3A_608, %dma_wait3A_609] : memref<32x1000000xf32, #tpu.memory_space<hbm>> -> memref<32x128xf32, #tpu.memory_space<hbm>>
    %dma_wait3A_611 = arith.constant 0 : i32
    %dma_wait3A_612 = arith.constant 0 : i32
    %dma_wait3A_613 = tpu.memref_slice %arg4[%dma_wait3A_611, %dma_wait3A_612] : memref<32x1000000xf32, #tpu.memory_space<hbm>> -> memref<32x128xf32, #tpu.memory_space<hbm>>
    tpu.wait_dma2 semaphore(%arg26 : memref<!tpu.dma_semaphore, #tpu.memory_space<semaphore_mem>>) src(%dma_wait3A_613 : memref<32x128xf32, #tpu.memory_space<hbm>>) dst(%arg15 : memref<32x128xf32, #tpu.memory_space<vmem>>)
    %dma_wait3A_614 = arith.constant 0 : i32
    %dma_wait3A_615 = arith.constant 0 : i32
    %dma_wait3A_616 = tpu.memref_slice %arg5[%dma_wait3A_614, %dma_wait3A_615] : memref<32x1000000xf32, #tpu.memory_space<hbm>> -> memref<32x128xf32, #tpu.memory_space<hbm>>
    %dma_wait3A_617 = arith.constant 0 : i32
    %dma_wait3A_618 = arith.constant 0 : i32
    %dma_wait3A_619 = tpu.memref_slice %arg5[%dma_wait3A_617, %dma_wait3A_618] : memref<32x1000000xf32, #tpu.memory_space<hbm>> -> memref<32x128xf32, #tpu.memory_space<hbm>>
    tpu.wait_dma2 semaphore(%arg27 : memref<!tpu.dma_semaphore, #tpu.memory_space<semaphore_mem>>) src(%dma_wait3A_619 : memref<32x128xf32, #tpu.memory_space<hbm>>) dst(%arg23 : memref<32x128xf32, #tpu.memory_space<vmem>>)
    %dma_wait3A_620 = arith.constant 0 : i32
    %dma_wait3A_621 = arith.constant 0 : i32
    %dma_wait3A_622 = tpu.memref_slice %arg4[%dma_wait3A_620, %dma_wait3A_621] : memref<32x1000000xf32, #tpu.memory_space<hbm>> -> memref<32x128xf32, #tpu.memory_space<hbm>>
    %dma_wait3A_623 = arith.constant 0 : i32
    %dma_wait3A_624 = arith.constant 0 : i32
    %dma_wait3A_625 = tpu.memref_slice %arg4[%dma_wait3A_623, %dma_wait3A_624] : memref<32x1000000xf32, #tpu.memory_space<hbm>> -> memref<32x128xf32, #tpu.memory_space<hbm>>
    tpu.wait_dma2 semaphore(%arg26 : memref<!tpu.dma_semaphore, #tpu.memory_space<semaphore_mem>>) src(%dma_wait3A_625 : memref<32x128xf32, #tpu.memory_space<hbm>>) dst(%arg16 : memref<32x128xf32, #tpu.memory_space<vmem>>)
    %dma_wait3A_626 = arith.constant 0 : i32
    %dma_wait3A_627 = arith.constant 0 : i32
    %dma_wait3A_628 = tpu.memref_slice %arg5[%dma_wait3A_626, %dma_wait3A_627] : memref<32x1000000xf32, #tpu.memory_space<hbm>> -> memref<32x128xf32, #tpu.memory_space<hbm>>
    %dma_wait3A_629 = arith.constant 0 : i32
    %dma_wait3A_630 = arith.constant 0 : i32
    %dma_wait3A_631 = tpu.memref_slice %arg5[%dma_wait3A_629, %dma_wait3A_630] : memref<32x1000000xf32, #tpu.memory_space<hbm>> -> memref<32x128xf32, #tpu.memory_space<hbm>>
    tpu.wait_dma2 semaphore(%arg27 : memref<!tpu.dma_semaphore, #tpu.memory_space<semaphore_mem>>) src(%dma_wait3A_631 : memref<32x128xf32, #tpu.memory_space<hbm>>) dst(%arg24 : memref<32x128xf32, #tpu.memory_space<vmem>>)
    %dma_wait3A_632 = arith.constant 0 : i32
    %dma_wait3A_633 = arith.constant 0 : i32
    %dma_wait3A_634 = tpu.memref_slice %arg4[%dma_wait3A_632, %dma_wait3A_633] : memref<32x1000000xf32, #tpu.memory_space<hbm>> -> memref<32x128xf32, #tpu.memory_space<hbm>>
    %dma_wait3A_635 = arith.constant 0 : i32
    %dma_wait3A_636 = arith.constant 0 : i32
    %dma_wait3A_637 = tpu.memref_slice %arg4[%dma_wait3A_635, %dma_wait3A_636] : memref<32x1000000xf32, #tpu.memory_space<hbm>> -> memref<32x128xf32, #tpu.memory_space<hbm>>
    tpu.wait_dma2 semaphore(%arg26 : memref<!tpu.dma_semaphore, #tpu.memory_space<semaphore_mem>>) src(%dma_wait3A_637 : memref<32x128xf32, #tpu.memory_space<hbm>>) dst(%arg17 : memref<32x128xf32, #tpu.memory_space<vmem>>)
    %dma_wait3A_638 = arith.constant 0 : i32
    %dma_wait3A_639 = arith.constant 0 : i32
    %dma_wait3A_640 = tpu.memref_slice %arg5[%dma_wait3A_638, %dma_wait3A_639] : memref<32x1000000xf32, #tpu.memory_space<hbm>> -> memref<32x128xf32, #tpu.memory_space<hbm>>
    %dma_wait3A_641 = arith.constant 0 : i32
    %dma_wait3A_642 = arith.constant 0 : i32
    %dma_wait3A_643 = tpu.memref_slice %arg5[%dma_wait3A_641, %dma_wait3A_642] : memref<32x1000000xf32, #tpu.memory_space<hbm>> -> memref<32x128xf32, #tpu.memory_space<hbm>>
    tpu.wait_dma2 semaphore(%arg27 : memref<!tpu.dma_semaphore, #tpu.memory_space<semaphore_mem>>) src(%dma_wait3A_643 : memref<32x128xf32, #tpu.memory_space<hbm>>) dst(%arg25 : memref<32x128xf32, #tpu.memory_space<vmem>>)
    %dma_start3A_644 = arith.constant 0 : i32
    %dma_start3A_645 = tpu.memref_slice %arg9[%dma_start3A_644] : memref<544xf32, #tpu.memory_space<vmem>> -> memref<512xf32, #tpu.memory_space<vmem>>
    %dma_start3A_646 = tpu.memref_slice %arg6[%mul3A_2] : memref<16384xf32, #tpu.memory_space<hbm>> -> memref<512xf32, #tpu.memory_space<hbm>>
    %dma_start3A_647 = tpu.memref_slice %arg6[%mul3A_2] : memref<16384xf32, #tpu.memory_space<hbm>> -> memref<512xf32, #tpu.memory_space<hbm>>
    %dma_start3A_648 = arith.constant 0 : i32
    %dma_start3A_649 = tpu.memref_slice %arg9[%dma_start3A_648] : memref<544xf32, #tpu.memory_space<vmem>> -> memref<512xf32, #tpu.memory_space<vmem>>
    tpu.enqueue_dma source(%dma_start3A_649 : memref<512xf32, #tpu.memory_space<vmem>>) target(%dma_start3A_647 : memref<512xf32, #tpu.memory_space<hbm>>) target_semaphore(%arg28 : memref<!tpu.dma_semaphore, #tpu.memory_space<semaphore_mem>>)
    %dma_wait3A_650 = arith.constant 0 : i32
    %dma_wait3A_651 = tpu.memref_slice %arg9[%dma_wait3A_650] : memref<544xf32, #tpu.memory_space<vmem>> -> memref<512xf32, #tpu.memory_space<vmem>>
    %dma_wait3A_652 = tpu.memref_slice %arg6[%mul3A_2] : memref<16384xf32, #tpu.memory_space<hbm>> -> memref<512xf32, #tpu.memory_space<hbm>>
    %dma_wait3A_653 = tpu.memref_slice %arg6[%mul3A_2] : memref<16384xf32, #tpu.memory_space<hbm>> -> memref<512xf32, #tpu.memory_space<hbm>>
    %dma_wait3A_654 = arith.constant 0 : i32
    %dma_wait3A_655 = tpu.memref_slice %arg9[%dma_wait3A_654] : memref<544xf32, #tpu.memory_space<vmem>> -> memref<512xf32, #tpu.memory_space<vmem>>
    tpu.wait_dma2 semaphore(%arg28 : memref<!tpu.dma_semaphore, #tpu.memory_space<semaphore_mem>>) src(%dma_wait3A_655 : memref<512xf32, #tpu.memory_space<vmem>>) dst(%dma_wait3A_653 : memref<512xf32, #tpu.memory_space<hbm>>)
    return
  }
}

</mosaic_0001>

<sc_bundles>
// kernel: kernel.3.cloned.1.call-start
scs
__scs_entry_jumppad:
0x0: {  	(pc) =	sbr.rel $0x88, $3  }
0x1: {  	(tag) =	ssettag $0x0;
	lr =	simm.s32 $0x1  }
0x2: {  	[smem:$0x3F9D] =	sst lr;
	_ =	strace $0xD0000000  }
0x3: {  	_ = 	snop  }
0x4: {  	_ = 	snop  }
0x5: {  	_ = 	snop  }
0x6: {  	_ = 	snop  }
0x7: {  	_ = 	snop  }
__scs_overlays_trampoline_lowered:
0x8: {  	[smem:$0x3FAC] =	sst s0  }
0x9: {  	[smem:$0x3FAD] =	sst s1  }
0xa: {  	[smem:$0x3FAE] =	sst s2  }
0xb: {  	[smem:$0x3FAF] =	sst s3  }
0xc: {  	[smem:$0x3FB0] =	sst s4  }
0xd: {  	[smem:$0x3FB1] =	sst s5  }
0xe: {  	[smem:$0x3FB2] =	sst s6  }
0xf: {  	[smem:$0x3FB3] =	sst s7  }
0x10: {  	[smem:$0x3FB4] =	sst s8  }
0x11: {  	[smem:$0x3FB5] =	sst s9;
	s0 =	simm.s32 @!p0 $0x0  }
0x12: {  	s1 =	sld [smem:$0x3F9B];
	s0 =	simm.s32 @p0 $0x1  }
0x13: {  	[smem:$0x3FB6] =	sst s0;
	s0 =	simm.s32 @!p1 $0x0  }
0x14: {  	s2 =	sld [smem:$0x3F9A];
	s0 =	simm.s32 @p1 $0x1  }
0x15: {  	[smem:$0x3FB7] =	sst s0;
	s0 =	simm.s32 @!p2 $0x0  }
0x16: {  	s3 =	sld [smem:$0x3FDB];
	s0 =	simm.s32 @p2 $0x1  }
0x17: {  	s4 =	simm.s32 $0x1BF5;
	[smem:$0x3FB9] =	sst s0  }
0x18: {  	s0 =	sld [smem:$0x3F9C];
	_ =	swait.ge [sflag:s4], $0x0  }
0x19: {  	s7 =	sld [smem:$0x3F9D]  }
0x1a: {  	s8 =	sadd.s32 $0xFFFFE003, lr  }
0x1b: {  	s9 =	sadd.s32 $0xFFFFFEF7, lr;
	s5 =	simm.s32 $0xFFFFFFFF;
	p2 =	slt.u32 s8, $0xFFFFF086  }
0x1c: {  	p1 =	slt.u32 s9, $0xF7A;
	s5 =	simm.s32 @!p2 $0x0  }
0x1d: {  	s5 =	simm.s32 @p1 $0x1;
	p0 =	seq.s32 s7, s2  }
0x1e: {  	s7 =	smul.u32 @!p0 $0xF7A, s2;
	p2 =	seq.s32 @!p0 s5, $0x0  }
0x1f: {  	s9 =	smul.u32 $0xF7A, s1;
	s8 =	simm.s32 @!p0 $0x1BF5;
	p2 =	por !p2, p0  }
0x20: {  	[sflag:s8] =	ssyncset.s32 @!p0 $0xFFFFF086;
	s6 =	sadd.s32 @!p0 s3, s7;
	s7 =	simm.s32 @!p0 $0x108  }
0x21: {  	s3 =	sadd.s32 s3, s9;
	s6 =	sadd.s32 @!p0 $0x88, s6;
	s7 =	simm.s32 @p2 $0x1082  }
0x22: {  	[simem:s7], [sflag:s8] =	dma.local @!p0 [hbm:s6], $0xF7A  }
0x23: {  	s9 =	sor.u32 $0xD0000000, s2;
	s6 =	simm.s32 $0x108;
	_ =	swait.ge @!p0 [sflag:s8], $0x0  }
0x24: {  	s3 =	sadd.s32 $0x88, s3;
	s6 =	simm.s32 @!p1 $0x1082;
	[sflag:s4] =	ssyncset.s32 $0xFFFFF086  }
0x25: {  	[simem:s6], [sflag:s4] =	dma.local [hbm:s3], $0xF7A  }
0x26: {  	[smem:$0x3F9D] =	sst s1;
	(tag) =	ssettag s2;
	_ =	strace s9  }
0x27: {  	s1 =	sld [smem:$0x3FAD]  }
0x28: {  	s2 =	sld [smem:$0x3FAE]  }
0x29: {  	s4 =	sld [smem:$0x3FB0]  }
0x2a: {  	p0 =	seq.s32 s5, $0x0;
	s5 =	sld [smem:$0x3FB1]  }
0x2b: {  	s6 =	sld [smem:$0x3FB2]  }
0x2c: {  	s7 =	sld [smem:$0x3FB3]  }
0x2d: {  	s3 =	simm.s32 $0x108;
	s8 =	sld [smem:$0x3FB4]  }
0x2e: {  	s3 =	simm.s32 @!p0 $0x1082;
	s9 =	sld [smem:$0x3FB5]  }
0x2f: {  	lr =	sadd.s32 s0, s3;
	s0 =	sld [smem:$0x3FAC]  }
0x30: {  	s3 =	sld [smem:$0x3FAF]  }
0x31: {  	[smem:$0x3FB8] =	sst s10  }
0x32: {  	s10 =	sld [smem:$0x3FB6];
	_ =	sdelay $0x3  }
0x33: {  	p0 =	seq.s32 s10, $0x1;
	s10 =	sld [smem:$0x3FB8];
	_ =	sdelay $0x3  }
0x34: {  	[smem:$0x3FB8] =	sst s10  }
0x35: {  	s10 =	sld [smem:$0x3FB7];
	_ =	sdelay $0x3  }
0x36: {  	p1 =	seq.s32 s10, $0x1;
	s10 =	sld [smem:$0x3FB8];
	_ =	sdelay $0x3  }
0x37: {  	[smem:$0x3FB8] =	sst s10  }
0x38: {  	s10 =	sld [smem:$0x3FB9]  }
0x39: {  	_ = 	snop;
	(pc) =	sbr.ind lr, $3  }
0x3a: {  	_ = 	snop  }
0x3b: {  	_ = 	snop  }
0x3c: {  	p2 =	seq.s32 s10, $0x1;
	s10 =	sld [smem:$0x3FB8]  }
0x3d: {  	_ =	shalt  }
0x3e: {  	_ =	shalt  }
0x3f: {  	_ =	shalt  }
0x40: {  	_ =	shalt  }
0x41: {  	_ =	shalt  }
0x42: {  	_ =	shalt  }
0x43: {  	_ =	shalt  }
0x44: {  	_ =	shalt  }
0x45: {  	_ =	shalt  }
0x46: {  	_ =	shalt  }
0x47: {  	_ =	shalt  }
0x48: {  	_ =	shalt  }
0x49: {  	_ =	shalt  }
0x4a: {  	_ =	shalt  }
0x4b: {  	_ =	shalt  }
0x4c: {  	_ =	shalt  }
0x4d: {  	_ =	shalt  }
0x4e: {  	_ =	shalt  }
0x4f: {  	_ =	shalt  }
0x50: {  	_ =	shalt  }
0x51: {  	_ =	shalt  }
0x52: {  	_ =	shalt  }
0x53: {  	_ =	shalt  }
0x54: {  	_ =	shalt  }
0x55: {  	_ =	shalt  }
0x56: {  	_ =	shalt  }
0x57: {  	_ =	shalt  }
0x58: {  	_ =	shalt  }
0x59: {  	_ =	shalt  }
0x5a: {  	_ =	shalt  }
0x5b: {  	_ =	shalt  }
0x5c: {  	_ =	shalt  }
0x5d: {  	_ =	shalt  }
0x5e: {  	_ =	shalt  }
0x5f: {  	_ =	shalt  }
0x60: {  	_ =	shalt  }
0x61: {  	_ =	shalt  }
0x62: {  	_ =	shalt  }
0x63: {  	_ =	shalt  }
0x64: {  	_ =	shalt  }
0x65: {  	_ =	shalt  }
0x66: {  	_ =	shalt  }
0x67: {  	_ =	shalt  }
0x68: {  	_ =	shalt  }
0x69: {  	_ =	shalt  }
0x6a: {  	_ =	shalt  }
0x6b: {  	_ =	shalt  }
0x6c: {  	_ =	shalt  }
0x6d: {  	_ =	shalt  }
0x6e: {  	_ =	shalt  }
0x6f: {  	_ =	shalt  }
0x70: {  	_ =	shalt  }
0x71: {  	_ =	shalt  }
0x72: {  	_ =	shalt  }
0x73: {  	_ =	shalt  }
0x74: {  	_ =	shalt  }
0x75: {  	_ =	shalt  }
0x76: {  	_ =	shalt  }
0x77: {  	_ =	shalt  }
0x78: {  	_ =	shalt  }
0x79: {  	_ =	shalt  }
0x7a: {  	_ =	shalt  }
0x7b: {  	_ =	shalt  }
0x7c: {  	_ =	shalt  }
0x7d: {  	_ =	shalt  }
0x7e: {  	_ =	shalt  }
0x7f: {  	_ =	shalt  }
0x80: {  	_ =	shalt  }
0x81: {  	_ =	shalt  }
0x82: {  	_ =	shalt  }
0x83: {  	_ =	shalt  }
0x84: {  	_ =	shalt  }
0x85: {  	_ =	shalt  }
0x86: {  	_ =	shalt  }
0x87: {  	_ =	shalt  }
.Lfunc_end0:
.L_simem_size_0:
called_computation_lowered:
.L_overlay_start_0:
0x88: {  	s2 =	sld [smem:$0x3FD9]  }
0x89: {  	s3 =	sld [smem:$0x3FFE];
	_ =	sdelay $0x1  }
0x8a: {  	s1 =	srdreg.scid  }
0x8b: {  	s0 =	sand.u32 $0x1, s1  }
0x8c: {  	s18 =	sshll.u32 s0, $0xA;
	s2 =	sadd.s32 s3, s2  }
0x8d: {  	s2 =	sadd.s32 s2, s18  }
0x8e: {  	[smem:$0x3FC4] =	sst s2  }
0x8f: {  	_ = 	snop  }
0x90: {  	s2 =	sld [smem:$0x3FC9]  }
0x91: {  	s19 =	sld [smem:$0x3FC8]  }
0x92: {  	s4 =	sld [smem:$0x3FC7]  }
0x93: {  	s5 =	sld [smem:$0x3FC6]  }
0x94: {  	s6 =	sld [smem:$0x3FD0];
	(tm) =	ssettm $0x1  }
0x95: {  	s7 =	sld [smem:$0x3FFB];
	_ =	sdelay $0x3  }
0x96: {  	_ =	strace s7  }
0x97: {  	s7 =	sld [smem:$0x3FFC];
	_ =	sdelay $0x3  }
0x98: {  	_ =	strace s7  }
0x99: {  	s7 =	sld [smem:$0x3FFD];
	_ =	sdelay $0x3  }
0x9a: {  	_ =	strace s7  }
0x9b: {  	_ =	strace $0x8FFFFFFF  }
0x9c: {  	s20 =	sld [smem:$0x3FDB];
	_ =	sdelay $0x1  }
0x9d: {  	s8 =	simm.s32 $_scs_section_size  }
0x9e: {  	s9 =	simm.s32 $_size__tile_overlayer_lowered;
	s10 =	simm.s32 $_tile_overlayer_lowered  }
0x9f: {  	s23 =	simm.s32 $0x1BFF;
	s22 =	sshll.u32 s10, $0x1;
	s7 =	sadd.s32 s8, s20  }
0xa0: {  	s11 =	simm.s32 $0x0;
	s21 =	sshll.u32 s9, $0x1;
	s9 =	sadd.s32 s22, s7  }
0xa1: {  	[timem:s11], [sflag:s23] =	dma.local [hbm:s9], s21  }
0xa2: {  	_ =	swait.ge [sflag:s23], s21  }
0xa3: {  	s8 =	ssub.s32 $0x0, s21;
	[sflag:s23] =	ssyncset.done $0x0  }
0xa4: {  	[sflag:s23] =	ssyncadd.s32 s8;
	_ =	sdelay $0x1  }
0xa5: {  	s24 =	simm.s32 $0x1B8B  }
0xa6: {  	_ =	swait.ge [sflag:s24], $0x1  }
0xa7: {  	[sflag:s24] =	ssyncset.done $0x0  }
0xa8: {  	s25 =	simm.s32 $0x1B8E;
	[sflag:s24] =	ssyncadd.s32 $0xFFFFFFFF  }
0xa9: {  	s26 =	simm.s32 $execute0_lowered;
	[smem:$0x3FD2] =	sst s25  }
0xaa: {  	s8 =	sshll.u32 s26, $0x1;
	_ =	strace $0x80000046;
	[dreg:$0x1] =	wrdreg $0xFFFFFFFF  }
0xab: {  	s28 =	simm.s32 $_size_execute0_lowered;
	s7 =	sadd.s32 s7, s8;
	[dreg:$0x0] =	wrdreg $0x0  }
0xac: {  	s8 =	sshll.u32 s28, $0x1;
	[dreg:$0x2] =	wrdreg s7  }
0xad: {  	[dreg:$0x3] =	wrdreg s8  }
0xae: {  	[dreg:$0x4] =	wrdreg $0xC0  }
0xaf: {  	_ =	task [dreg:s11], $0x5FFFF  }
0xb0: {  	[dreg:$0x1] =	wrdreg $0xFFFFFFFF  }
0xb1: {  	[dreg:$0x0] =	wrdreg $0x60  }
0xb2: {  	[dreg:$0x2] =	wrdreg s2  }
0xb3: {  	[dreg:$0x3] =	wrdreg s19  }
0xb4: {  	[dreg:$0x4] =	wrdreg s4  }
0xb5: {  	[dreg:$0x5] =	wrdreg s5  }
0xb6: {  	[dreg:$0x6] =	wrdreg s6  }
0xb7: {  	[dreg:$0x7] =	wrdreg $0x9  }
0xb8: {  	_ =	task.clear_ibuf [dreg:s11], $0x8FFFF;
	_ =	strace $0x90000046  }
0xb9: {  	s29 =	simm.s32 $0x9;
	_ =	strace $0x80000048  }
0xba: {  	_ =	swait.ge [sflag:s29], $0x1  }
0xbb: {  	[sflag:s29] =	ssyncadd.s32 $0xFFFFFFFF  }
0xbc: {  	_ =	strace $0x90000048  }
0xbd: {  	_ =	sfence  }
0xbe: {  	s30 =	sld [smem:$0x0];
	_ =	sdelay $0x2  }
0xbf: {  	s31 =	sshll.u32 s1, $0xD;
	s1 =	sshrl.u32 s1, $0x2  }
0xc0: {  	s3 =	sand.u32 $0x4000, s31;
	s1 =	sadd.s32 s1, s30  }
0xc1: {  	s0 =	sor.u32 s3, s0;
	s1 =	sshll.u32 s1, $0x11  }
0xc2: {  	s0 =	sor.u32 s1, s0  }
0xc3: {  	s0 =	sadd.s32 $0x8F2B, s0  }
0xc4: {  	[sflag:s0] =	ssyncadd.remote.s32 $0x1  }
0xc5: {  	_ =	sfence.sel $0xFFFF  }
0xc6: {  	[dreg:$0x0] =	wrdreg $0xFFFFFFFF;
	(pc) =	sbr.abs _section_cstart, $3  }
0xc7: {  	[dreg:$0x1] =	wrdreg $0xFFFFFFFF  }
0xc8: {  	_ =	task.clear_ibuf [dreg:s11], $0x2FFFF;
	_ =	strace $0x9FFFFFFF  }
0xc9: {  	(tm) =	ssettm $0x7FFFFFFF  }
tec
execute0_lowered:
.L_overlay_start_1:
0x0: {  	(tag) =	ssettag $0x1  }
0x1: {  	s1 =	rddreg [dreg:$0x0]  }
0x2: {  	s3 =	rddreg [dreg:$0x1]  }
0x3: {  	s0 =	rddreg [dreg:$0x2]  }
0x4: {  	s2 =	rddreg [dreg:$0x3]  }
0x5: {  	v0 =	vimm.s32 $0xBA98FEDC;
	v1 =	vimm.s32 $0x32107654;
	s5 =	rddreg [dreg:$0x4];
	s4 =	simm.s32 $0x0;
	s6 =	srdreg.scid;
	v3 =	vimm.s32 $0x76543210  }
0x6: {  	s24 =	stileid.u32;
	v4 =	vimm.s32 $0xFEDCBA98;
	v5 =	vimm.s32 $0xDCFE98BA;
	s11 =	simm.s32 $0x1;
	s12 =	simm.s32 $0x400  }
0x7: {  	v7 =	vimm.s32 $0x67452301;
	s13 =	simm.s32 $0x7A1400;
	s14 =	simm.s32 $0x780;
	s15 =	simm.s32 $0x8780;
	v2 =	vunpack.c.l.s4.s8 v0;
	v1 =	vunpack.c.l.s4.s8 v1  }
0x8: {  	s16 =	simm.s32 $0x1780;
	s17 =	simm.s32 $0x9780;
	s18 =	simm.s32 $0x2780;
	vm0 =	vmmov $0x1;
	vm1 =	vcmask $0x320;
	vm2 =	vcmask $0x720  }
0x9: {  	s19 =	simm.s32 $0xA780;
	s20 =	simm.s32 $0x3780;
	s21 =	simm.s32 $0xB780;
	vm3 =	vcmask $0xB20;
	v2 =	vunpack.c.0.s8.s32 v2;
	v1 =	vunpack.c.0.s8.s32 v1  }
0xa: {  	s22 =	simm.s32 $0x4780;
	s23 =	simm.s32 $0xC780;
	s28 =	simm.s32 $0xE780;
	vm4 =	vcmask $0xF20;
	vm5 =	vcmask $0x1320;
	vm6 =	vcmask $0x1720  }
0xb: {  	s29 =	simm.s32 $0x7780;
	s30 =	simm.s32 $0xF780;
	s6 =	sand.u32 $0x1, s6;
	v4 =	vunpack.c.l.s4.s8 v4;
	v7 =	vunpack.c.l.s4.s8 v7;
	v6 =	vcombine.low v1, v2  }
0xc: {  	s8 =	sshll.u32 s24, $0x7;
	s7 =	ssub.s32 $0x2, s6;
	s6 =	sshll.u32 s6, $0x6;
	v1 =	vunpack.c.l.s4.s8 v5;
	v2 =	vimm.s32 $0x54761032;
	v5 =	vimm.s32 $0xEFCDAB89  }
0xd: {  	s31 =	simm.s32 $0x2;
	s10 =	simm.s32 $0x0;
	v0 =	vlaneseq.u32;
	s8 =	sor.u32 s6, s8;
	v2 =	vunpack.c.l.s4.s8 v2;
	v5 =	vunpack.c.l.s4.s8 v5  }
0xe: {  	[smem:$0x7FF] =	sst s4;
	v3 =	vunpack.c.l.s4.s8 v3;
	s24 =	simm.s32 $0x5780;
	v4 =	vunpack.c.0.s8.s32 v4;
	v7 =	vunpack.c.0.s8.s32 v7;
	s1 =	sadd.s32 s1, s8  }
0xf: {  	_ =	strace $0x80000047;
	s3 =	sadd.s32 s3, s8;
	[dreg:$0x6] =	wrdreg s1;
	v1 =	vunpack.c.0.s8.s32 v1;
	v2 =	vunpack.c.0.s8.s32 v2;
	v5 =	vunpack.c.0.s8.s32 v5  }
0x10: {  	vm7 =	vcmask $0x1B20;
	v0 =	vmul.u32 $0x80, v0;
	s9 =	sshrl.u32 s7, $0x1;
	v3 =	vunpack.c.0.s8.s32 v3;
	s25 =	sadd.s32 s5, s8;
	[dreg:$0x7] =	wrdreg s3  }
0x11: {  	s9 =	ssub.s32 s7, s9;
	s1 =	simm.s32 $0x0;
	[dreg:$0x8] =	wrdreg s25;
	v4 =	vand.u32 $0xF, v4;
	v8 =	vcombine.low v2, v1;
	v7 =	vcombine.low v7, v5  }
0x12: {  	s26 =	smax.u32 s9, $0x1;
	s9 =	simm.s32 $0x4;
	s25 =	simm.s32 $0xD780;
	v3 =	vcombine.low v4, v3;
	v4 =	vand.u32 $0xF, v6;
	v1 =	vimm.s32 $0x0  }
0x13: {  	s3 =	simm.s32 $0x3;
	[dreg:$0x9] =	wrdreg s26;
	s26 =	simm.s32 $0x6780;
	v2 =	vor.u32 $0x800, v0;
	v5 =	vand.u32 $0xF, v8;
	v6 =	vand.u32 $0xF, v7  }
.LBB2_1:
0x14: {  	s4 =	rddreg [dreg:$0x6]  }
0x15: {  	[tilespmem:s1], [sflag:$0x4] =	stream.linear.gather [hbm4b:s4+s1], $0x200, $0x38;
	[tilespmem:$0x10780] =	vst v63  }
0x16: {  	_ =	swait.ge [sflag:s9], $0x200  }
0x17: {  	[sflag:s9] =	ssyncset.done $0x0  }
0x18: {  	s5 =	simm.s32 $0x280;
	s8 =	rddreg [dreg:$0x7];
	[sflag:s9] =	ssyncadd.s32 $0xFFFFFE00  }
0x19: {  	[tilespmem:s5], [sflag:$0x4] =	stream.linear.gather [hbm4b:s8+s1], $0x200, $0x38;
	[tilespmem:$0x10780] =	vst v63  }
0x1a: {  	_ =	swait.ge [sflag:s9], $0x200  }
0x1b: {  	[sflag:s9] =	ssyncset.done $0x0  }
0x1c: {  	[sflag:s9] =	ssyncadd.s32 $0xFFFFFE00  }
0x1d: {  	v8 =	vld [tilespmem:$0x0];
	_ =	sdelay $0x4  }
0x1e: {  	(v2sf) =	vpush v8, $0x0  }
0x1f: {  	v7 =	vld [tilespmem:$0x280];
	_ =	sdelay $0x4  }
0x20: {  	(v2sf) =	vpush v7, $0x0;
	_ =	sdelay $0x8  }
0x21: {  	s4 =	spop (v2sf)  }
0x22: {  	(v2sf) =	vpush v8, $0x1;
	s6 =	sand.u32 $0x7F, s4  }
0x23: {  	s7 =	sshra.s32 s4, $0x1F;
	p1 =	slt.s32 s4, $0x1;
	p0 =	sne.s32 s6, $0x0  }
0x24: {  	s5 =	sshrl.u32 s7, $0x19;
	p0 =	por !p1, !p0  }
0x25: {  	s1 =	sadd.s32 s5, s4;
	s5 =	simm.s32 $0x1;
	p0 =	por !p0, !p0  }
0x26: {  	s1 =	sshrl.u32 s1, $0x7;
	s5 =	simm.s32 @!p0 $0x0  }
0x27: {  	[tilespmem:$0x200] =	vst v1;
	s8 =	spop (v2sf);
	s1 =	ssub.s32 s1, s5  }
0x28: {  	[tilespmem:$0x210] =	vst v1;
	s6 =	sshra.s32 s8, $0x1F;
	s4 =	sand.u32 $0x7F, s8;
	s1 =	sshll.u32 s1, $0x7  }
0x29: {  	[tilespmem:$0x480] =	vst v1;
	(v2sf) =	vpush v7, $0x1;
	p2 =	slt.s32 s8, $0x1;
	p1 =	sne.s32 s4, $0x0;
	s1 =	sand.u32 $0x1FFFFF80, s1  }
0x2a: {  	[tilespmem:$0x490] =	vst v1;
	p0 =	por !p2, !p1;
	s5 =	sshrl.u32 s6, $0x19;
	s1 =	sadd.s32 s0, s1  }
0x2b: {  	[tilespmem:s14], [sflag:$0x1] =	stream.strided.gather [hbm4b:s1+s12], $0x1000, s13, s12, $0x38;
	[tilespmem:$0x10780] =	vst v63  }
0x2c: {  	p0 =	por !p0, !p0;
	s1 =	sadd.s32 s5, s8;
	s5 =	simm.s32 $0x1  }
0x2d: {  	s1 =	sshrl.u32 s1, $0x7;
	s5 =	simm.s32 @!p0 $0x0  }
0x2e: {  	s1 =	ssub.s32 s1, s5  }
0x2f: {  	s1 =	sshll.u32 s1, $0x7  }
0x30: {  	s1 =	sand.u32 $0x1FFFFF80, s1  }
0x31: {  	s1 =	sadd.s32 s2, s1;
	s7 =	spop (v2sf)  }
0x32: {  	[tilespmem:s15], [sflag:$0x2] =	stream.strided.gather [hbm4b:s1+s12], $0x1000, s13, s12, $0x38;
	[tilespmem:$0x10780] =	vst v63  }
0x33: {  	(v2sf) =	vpush v8, $0x2;
	s8 =	sand.u32 $0x7F, s7  }
0x34: {  	s4 =	sshra.s32 s7, $0x1F;
	p4 =	slt.s32 s7, $0x1;
	p3 =	sne.s32 s8, $0x0  }
0x35: {  	s5 =	sshrl.u32 s4, $0x19;
	p0 =	por !p4, !p3  }
0x36: {  	s1 =	sadd.s32 s5, s7;
	s5 =	simm.s32 $0x1;
	p0 =	por !p0, !p0  }
0x37: {  	s1 =	sshrl.u32 s1, $0x7;
	s5 =	simm.s32 @!p0 $0x0  }
0x38: {  	s6 =	spop (v2sf);
	s1 =	ssub.s32 s1, s5  }
0x39: {  	s8 =	sshra.s32 s6, $0x1F;
	s7 =	sand.u32 $0x7F, s6;
	s1 =	sshll.u32 s1, $0x7  }
0x3a: {  	(v2sf) =	vpush v7, $0x2;
	p6 =	slt.s32 s6, $0x1;
	p5 =	sne.s32 s7, $0x0;
	s1 =	sand.u32 $0x1FFFFF80, s1  }
0x3b: {  	p0 =	por !p6, !p5;
	s5 =	sshrl.u32 s8, $0x19;
	s1 =	sadd.s32 s0, s1  }
0x3c: {  	[tilespmem:s16], [sflag:$0x1] =	stream.strided.gather [hbm4b:s1+s12], $0x1000, s13, s12, $0x38;
	[tilespmem:$0x10780] =	vst v63  }
0x3d: {  	p0 =	por !p0, !p0;
	s1 =	sadd.s32 s5, s6;
	s5 =	simm.s32 $0x1  }
0x3e: {  	s1 =	sshrl.u32 s1, $0x7;
	s5 =	simm.s32 @!p0 $0x0  }
0x3f: {  	s1 =	ssub.s32 s1, s5  }
0x40: {  	s1 =	sshll.u32 s1, $0x7  }
0x41: {  	s1 =	sand.u32 $0x1FFFFF80, s1  }
0x42: {  	s1 =	sadd.s32 s2, s1;
	s4 =	spop (v2sf)  }
0x43: {  	[tilespmem:s17], [sflag:$0x2] =	stream.strided.gather [hbm4b:s1+s12], $0x1000, s13, s12, $0x38;
	[tilespmem:$0x10780] =	vst v63  }
0x44: {  	(v2sf) =	vpush v8, $0x3;
	s6 =	sand.u32 $0x7F, s4  }
0x45: {  	s7 =	sshra.s32 s4, $0x1F;
	p2 =	slt.s32 s4, $0x1;
	p1 =	sne.s32 s6, $0x0  }
0x46: {  	s5 =	sshrl.u32 s7, $0x19;
	p0 =	por !p2, !p1  }
0x47: {  	s1 =	sadd.s32 s5, s4;
	s5 =	simm.s32 $0x1;
	p0 =	por !p0, !p0  }
0x48: {  	s1 =	sshrl.u32 s1, $0x7;
	s5 =	simm.s32 @!p0 $0x0  }
0x49: {  	s8 =	spop (v2sf);
	s1 =	ssub.s32 s1, s5  }
0x4a: {  	s6 =	sshra.s32 s8, $0x1F;
	s4 =	sand.u32 $0x7F, s8;
	s1 =	sshll.u32 s1, $0x7  }
0x4b: {  	(v2sf) =	vpush v7, $0x3;
	p4 =	slt.s32 s8, $0x1;
	p3 =	sne.s32 s4, $0x0;
	s1 =	sand.u32 $0x1FFFFF80, s1  }
0x4c: {  	p0 =	por !p4, !p3;
	s5 =	sshrl.u32 s6, $0x19;
	s1 =	sadd.s32 s0, s1  }
0x4d: {  	[tilespmem:s18], [sflag:$0x1] =	stream.strided.gather [hbm4b:s1+s12], $0x1000, s13, s12, $0x38;
	[tilespmem:$0x10780] =	vst v63  }
0x4e: {  	p0 =	por !p0, !p0;
	s1 =	sadd.s32 s5, s8;
	s5 =	simm.s32 $0x1  }
0x4f: {  	s1 =	sshrl.u32 s1, $0x7;
	s5 =	simm.s32 @!p0 $0x0  }
0x50: {  	s1 =	ssub.s32 s1, s5  }
0x51: {  	s1 =	sshll.u32 s1, $0x7  }
0x52: {  	s1 =	sand.u32 $0x1FFFFF80, s1  }
0x53: {  	s1 =	sadd.s32 s2, s1;
	s7 =	spop (v2sf)  }
0x54: {  	[tilespmem:s19], [sflag:$0x2] =	stream.strided.gather [hbm4b:s1+s12], $0x1000, s13, s12, $0x38;
	[tilespmem:$0x10780] =	vst v63  }
0x55: {  	(v2sf) =	vpush v8, $0x4;
	s8 =	sand.u32 $0x7F, s7  }
0x56: {  	s4 =	sshra.s32 s7, $0x1F;
	p6 =	slt.s32 s7, $0x1;
	p5 =	sne.s32 s8, $0x0  }
0x57: {  	s5 =	sshrl.u32 s4, $0x19;
	p0 =	por !p6, !p5  }
0x58: {  	s1 =	sadd.s32 s5, s7;
	s5 =	simm.s32 $0x1;
	p0 =	por !p0, !p0  }
0x59: {  	s1 =	sshrl.u32 s1, $0x7;
	s5 =	simm.s32 @!p0 $0x0  }
0x5a: {  	s6 =	spop (v2sf);
	s1 =	ssub.s32 s1, s5  }
0x5b: {  	s8 =	sshra.s32 s6, $0x1F;
	s7 =	sand.u32 $0x7F, s6;
	s1 =	sshll.u32 s1, $0x7  }
0x5c: {  	(v2sf) =	vpush v7, $0x4;
	p2 =	slt.s32 s6, $0x1;
	p1 =	sne.s32 s7, $0x0;
	s1 =	sand.u32 $0x1FFFFF80, s1  }
0x5d: {  	p0 =	por !p2, !p1;
	s5 =	sshrl.u32 s8, $0x19;
	s1 =	sadd.s32 s0, s1  }
0x5e: {  	[tilespmem:s20], [sflag:$0x1] =	stream.strided.gather [hbm4b:s1+s12], $0x1000, s13, s12, $0x38;
	[tilespmem:$0x10780] =	vst v63  }
0x5f: {  	p0 =	por !p0, !p0;
	s1 =	sadd.s32 s5, s6;
	s5 =	simm.s32 $0x1  }
0x60: {  	s1 =	sshrl.u32 s1, $0x7;
	s5 =	simm.s32 @!p0 $0x0  }
0x61: {  	s1 =	ssub.s32 s1, s5  }
0x62: {  	s1 =	sshll.u32 s1, $0x7  }
0x63: {  	s1 =	sand.u32 $0x1FFFFF80, s1  }
0x64: {  	s1 =	sadd.s32 s2, s1;
	s4 =	spop (v2sf)  }
0x65: {  	[tilespmem:s21], [sflag:$0x2] =	stream.strided.gather [hbm4b:s1+s12], $0x1000, s13, s12, $0x38;
	[tilespmem:$0x10780] =	vst v63  }
0x66: {  	(v2sf) =	vpush v8, $0x5;
	s6 =	sand.u32 $0x7F, s4  }
0x67: {  	s7 =	sshra.s32 s4, $0x1F;
	p4 =	slt.s32 s4, $0x1;
	p3 =	sne.s32 s6, $0x0  }
0x68: {  	s5 =	sshrl.u32 s7, $0x19;
	p0 =	por !p4, !p3  }
0x69: {  	s1 =	sadd.s32 s5, s4;
	s5 =	simm.s32 $0x1;
	p0 =	por !p0, !p0  }
0x6a: {  	s1 =	sshrl.u32 s1, $0x7;
	s5 =	simm.s32 @!p0 $0x0  }
0x6b: {  	s8 =	spop (v2sf);
	s1 =	ssub.s32 s1, s5  }
0x6c: {  	s6 =	sshra.s32 s8, $0x1F;
	s4 =	sand.u32 $0x7F, s8;
	s1 =	sshll.u32 s1, $0x7  }
0x6d: {  	(v2sf) =	vpush v7, $0x5;
	p6 =	slt.s32 s8, $0x1;
	p5 =	sne.s32 s4, $0x0;
	s1 =	sand.u32 $0x1FFFFF80, s1  }
0x6e: {  	p0 =	por !p6, !p5;
	s5 =	sshrl.u32 s6, $0x19;
	s1 =	sadd.s32 s0, s1  }
0x6f: {  	[tilespmem:s22], [sflag:$0x1] =	stream.strided.gather [hbm4b:s1+s12], $0x1000, s13, s12, $0x38;
	[tilespmem:$0x10780] =	vst v63  }
0x70: {  	p0 =	por !p0, !p0;
	s1 =	sadd.s32 s5, s8;
	s5 =	simm.s32 $0x1  }
0x71: {  	s1 =	sshrl.u32 s1, $0x7;
	s5 =	simm.s32 @!p0 $0x0  }
0x72: {  	s1 =	ssub.s32 s1, s5  }
0x73: {  	s1 =	sshll.u32 s1, $0x7  }
0x74: {  	s1 =	sand.u32 $0x1FFFFF80, s1  }
0x75: {  	s1 =	sadd.s32 s2, s1;
	s7 =	spop (v2sf)  }
0x76: {  	[tilespmem:s23], [sflag:$0x2] =	stream.strided.gather [hbm4b:s1+s12], $0x1000, s13, s12, $0x38;
	[tilespmem:$0x10780] =	vst v63  }
0x77: {  	(v2sf) =	vpush v8, $0x6;
	s8 =	sand.u32 $0x7F, s7  }
0x78: {  	s4 =	sshra.s32 s7, $0x1F;
	p2 =	slt.s32 s7, $0x1;
	p1 =	sne.s32 s8, $0x0  }
0x79: {  	s5 =	sshrl.u32 s4, $0x19;
	p0 =	por !p2, !p1  }
0x7a: {  	s1 =	sadd.s32 s5, s7;
	s5 =	simm.s32 $0x1;
	p0 =	por !p0, !p0  }
0x7b: {  	s1 =	sshrl.u32 s1, $0x7;
	s5 =	simm.s32 @!p0 $0x0  }
0x7c: {  	s6 =	spop (v2sf);
	s1 =	ssub.s32 s1, s5  }
0x7d: {  	s8 =	sshra.s32 s6, $0x1F;
	s7 =	sand.u32 $0x7F, s6;
	s1 =	sshll.u32 s1, $0x7  }
0x7e: {  	(v2sf) =	vpush v7, $0x6;
	p4 =	slt.s32 s6, $0x1;
	p3 =	sne.s32 s7, $0x0;
	s1 =	sand.u32 $0x1FFFFF80, s1  }
0x7f: {  	p0 =	por !p4, !p3;
	s5 =	sshrl.u32 s8, $0x19;
	s1 =	sadd.s32 s0, s1  }
0x80: {  	[tilespmem:s24], [sflag:$0x1] =	stream.strided.gather [hbm4b:s1+s12], $0x1000, s13, s12, $0x38;
	[tilespmem:$0x10780] =	vst v63  }
0x81: {  	p0 =	por !p0, !p0;
	s1 =	sadd.s32 s5, s6;
	s5 =	simm.s32 $0x1  }
0x82: {  	s1 =	sshrl.u32 s1, $0x7;
	s5 =	simm.s32 @!p0 $0x0  }
0x83: {  	s1 =	ssub.s32 s1, s5  }
0x84: {  	s1 =	sshll.u32 s1, $0x7  }
0x85: {  	s1 =	sand.u32 $0x1FFFFF80, s1  }
0x86: {  	s1 =	sadd.s32 s2, s1;
	s4 =	spop (v2sf)  }
0x87: {  	[tilespmem:s25], [sflag:$0x2] =	stream.strided.gather [hbm4b:s1+s12], $0x1000, s13, s12, $0x38;
	[tilespmem:$0x10780] =	vst v63  }
0x88: {  	(v2sf) =	vpush v8, $0x7;
	s6 =	sand.u32 $0x7F, s4  }
0x89: {  	s7 =	sshra.s32 s4, $0x1F;
	p6 =	slt.s32 s4, $0x1;
	p5 =	sne.s32 s6, $0x0  }
0x8a: {  	s5 =	sshrl.u32 s7, $0x19;
	p0 =	por !p6, !p5  }
0x8b: {  	s1 =	sadd.s32 s5, s4;
	s5 =	simm.s32 $0x1;
	p0 =	por !p0, !p0  }
0x8c: {  	s1 =	sshrl.u32 s1, $0x7;
	s5 =	simm.s32 @!p0 $0x0  }
0x8d: {  	s8 =	spop (v2sf);
	s1 =	ssub.s32 s1, s5  }
0x8e: {  	s6 =	sshra.s32 s8, $0x1F;
	s4 =	sand.u32 $0x7F, s8;
	s1 =	sshll.u32 s1, $0x7  }
0x8f: {  	(v2sf) =	vpush v7, $0x7;
	p2 =	slt.s32 s8, $0x1;
	p1 =	sne.s32 s4, $0x0;
	s1 =	sand.u32 $0x1FFFFF80, s1  }
0x90: {  	p0 =	por !p2, !p1;
	s5 =	sshrl.u32 s6, $0x19;
	s1 =	sadd.s32 s0, s1  }
0x91: {  	[tilespmem:s26], [sflag:$0x1] =	stream.strided.gather [hbm4b:s1+s12], $0x1000, s13, s12, $0x38;
	[tilespmem:$0x10780] =	vst v63  }
0x92: {  	p0 =	por !p0, !p0;
	s1 =	sadd.s32 s5, s8;
	s5 =	simm.s32 $0x1  }
0x93: {  	s1 =	sshrl.u32 s1, $0x7;
	s5 =	simm.s32 @!p0 $0x0  }
0x94: {  	s1 =	ssub.s32 s1, s5  }
0x95: {  	s1 =	sshll.u32 s1, $0x7  }
0x96: {  	s1 =	sand.u32 $0x1FFFFF80, s1  }
0x97: {  	s7 =	spop (v2sf);
	s1 =	sadd.s32 s2, s1  }
0x98: {  	[tilespmem:s28], [sflag:$0x2] =	stream.strided.gather [hbm4b:s1+s12], $0x1000, s13, s12, $0x38;
	[tilespmem:$0x10780] =	vst v63  }
0x99: {  	s8 =	sand.u32 $0x7F, s7  }
0x9a: {  	s4 =	sshra.s32 s7, $0x1F;
	p4 =	slt.s32 s7, $0x1;
	p3 =	sne.s32 s8, $0x0  }
0x9b: {  	s1 =	sshrl.u32 s4, $0x19;
	p0 =	por !p4, !p3  }
0x9c: {  	s5 =	simm.s32 $0x1;
	s1 =	sadd.s32 s1, s7;
	p0 =	por !p0, !p0  }
0x9d: {  	s1 =	sshrl.u32 s1, $0x7;
	s5 =	simm.s32 @!p0 $0x0  }
0x9e: {  	s6 =	spop (v2sf);
	s1 =	ssub.s32 s1, s5  }
0x9f: {  	s8 =	sshra.s32 s6, $0x1F;
	s7 =	sand.u32 $0x7F, s6;
	s1 =	sshll.u32 s1, $0x7  }
0xa0: {  	p6 =	slt.s32 s6, $0x1;
	p5 =	sne.s32 s7, $0x0;
	s1 =	sand.u32 $0x1FFFFF80, s1  }
0xa1: {  	p0 =	por !p6, !p5;
	s5 =	sshrl.u32 s8, $0x19;
	s1 =	sadd.s32 s0, s1  }
0xa2: {  	[tilespmem:s29], [sflag:$0x1] =	stream.strided.gather [hbm4b:s1+s12], $0x1000, s13, s12, $0x38;
	[tilespmem:$0x10780] =	vst v63  }
0xa3: {  	p0 =	por !p0, !p0;
	s1 =	sadd.s32 s5, s6;
	s5 =	simm.s32 $0x1  }
0xa4: {  	s1 =	sshrl.u32 s1, $0x7;
	s5 =	simm.s32 @!p0 $0x0  }
0xa5: {  	s1 =	ssub.s32 s1, s5  }
0xa6: {  	s1 =	sshll.u32 s1, $0x7  }
0xa7: {  	s1 =	sand.u32 $0x1FFFFF80, s1  }
0xa8: {  	s1 =	sadd.s32 s2, s1  }
0xa9: {  	[tilespmem:s30], [sflag:$0x2] =	stream.strided.gather [hbm4b:s1+s12], $0x1000, s13, s12, $0x38;
	[tilespmem:$0x10780] =	vst v63  }
0xaa: {  	s1 =	simm.s32 $0x0  }
.LBB2_2:
0xab: {  	s5 =	sshra.s32 s1, $0x2  }
0xac: {  	v9 =	vld [tilespmem:s5+$0x0]  }
0xad: {  	v10 =	vld [tilespmem:s5+$0x280]  }
0xae: {  	v8 =	vld [tilespmem:s5+$0x8]  }
0xaf: {  	v7 =	vld [tilespmem:s5+$0x288];
	_ =	swait.ge [sflag:s11], $0x1000  }
0xb0: {  	[sflag:s11] =	ssyncset.done $0x0  }
0xb1: {  	[sflag:s11] =	ssyncadd.s32 $0xFFFFF000  }
0xb2: {  	_ =	swait.ge [sflag:s31], $0x1000  }
0xb3: {  	(v2sf) =	vpush v9, $0x0  }
0xb4: {  	(v2sf) =	vpush v10, $0x0  }
0xb5: {  	(v2sf) =	vpush v8, $0x0;
	_ =	sdelay $0xa  }
0xb6: {  	(v2sf) =	vpush v7, $0x0;
	_ =	sdelay $0x1  }
0xb7: {  	s6 =	spop (v2sf)  }
0xb8: {  	s7 =	spop (v2sf)  }
0xb9: {  	s8 =	spop (v2sf)  }
0xba: {  	s6 =	sand.u32 $0x7F, s6;
	s4 =	sand.u32 $0x7F, s8  }
0xbb: {  	v11 =	vor.u32 s6, v0;
	v12 =	vor.u32 s6, v2;
	s6 =	sshra.s32 s8, $0x1F;
	p0 =	slt.s32 s8, $0x1;
	p1 =	sne.s32 s4, $0x0  }
0xbc: {  	s7 =	sand.u32 $0x7F, s7;
	s6 =	sshrl.u32 s6, $0x19;
	p0 =	por !p0, !p1  }
0xbd: {  	v13 =	vor.u32 s7, v0;
	s4 =	sadd.s32 s6, s8;
	s6 =	simm.s32 $0x1;
	p0 =	por !p0, !p0  }
0xbe: {  	[sflag:s31] =	ssyncset.done $0x0;
	v14 =	vor.u32 s7, v2;
	s4 =	sshrl.u32 s4, $0x7;
	s6 =	simm.s32 @!p0 $0x0  }
0xbf: {  	[sflag:s31] =	ssyncadd.s32 $0xFFFFF000;
	s4 =	ssub.s32 s4, s6  }
0xc0: {  	v11 =	vld.idx.msk [tilespmem:v11+s14+$0x0], $0xffff;
	s4 =	sshll.u32 s4, $0x7  }
0xc1: {  	v12 =	vld.idx.msk [tilespmem:v12+s14+$0x0], $0xffff;
	s4 =	sand.u32 $0x1FFFFF80, s4  }
0xc2: {  	v13 =	vld.idx.msk [tilespmem:v13+s15+$0x0], $0xffff;
	s4 =	sadd.s32 s0, s4  }
0xc3: {  	v14 =	vld.idx.msk [tilespmem:v14+s15+$0x0], $0xffff;
	[tilespmem:s14], [sflag:$0x1] =	stream.strided.gather [hbm4b:s4+s12], $0x1000, s13, s12, $0x38  }
0xc4: {  	s4 =	spop (v2sf)  }
0xc5: {  	s7 =	sand.u32 $0x7F, s4  }
0xc6: {  	s8 =	sshra.s32 s4, $0x1F;
	p1 =	slt.s32 s4, $0x1;
	p2 =	sne.s32 s7, $0x0  }
0xc7: {  	s8 =	sshrl.u32 s8, $0x19;
	p0 =	por !p1, !p2  }
0xc8: {  	s6 =	simm.s32 $0x1;
	s4 =	sadd.s32 s8, s4;
	p0 =	por !p0, !p0  }
0xc9: {  	s4 =	sshrl.u32 s4, $0x7;
	s6 =	simm.s32 @!p0 $0x0  }
0xca: {  	s4 =	ssub.s32 s4, s6  }
0xcb: {  	s4 =	sshll.u32 s4, $0x7  }
0xcc: {  	s4 =	sand.u32 $0x1FFFFF80, s4  }
0xcd: {  	s4 =	sadd.s32 s2, s4  }
0xce: {  	[tilespmem:s15], [sflag:$0x2] =	stream.strided.gather [hbm4b:s4+s12], $0x1000, s13, s12, $0x38;
	[tilespmem:$0x10780] =	vst v63  }
0xcf: {  	_ =	swait.ge [sflag:s11], $0x1000  }
0xd0: {  	[sflag:s11] =	ssyncset.done $0x0  }
0xd1: {  	[sflag:s11] =	ssyncadd.s32 $0xFFFFF000  }
0xd2: {  	_ =	swait.ge [sflag:s31], $0x1000  }
0xd3: {  	(v2sf) =	vpush v9, $0x1  }
0xd4: {  	(v2sf) =	vpush v10, $0x1  }
0xd5: {  	(v2sf) =	vpush v8, $0x1;
	_ =	sdelay $0xa  }
0xd6: {  	(v2sf) =	vpush v7, $0x1;
	_ =	sdelay $0x1  }
0xd7: {  	s7 =	spop (v2sf)  }
0xd8: {  	s8 =	spop (v2sf)  }
0xd9: {  	s4 =	sand.u32 $0x7F, s7;
	s7 =	spop (v2sf)  }
0xda: {  	s6 =	sand.u32 $0x7F, s8;
	s8 =	sand.u32 $0x7F, s7  }
0xdb: {  	v15 =	vor.u32 s4, v0;
	v16 =	vor.u32 s4, v2;
	s4 =	sshra.s32 s7, $0x1F;
	p3 =	slt.s32 s7, $0x1;
	p4 =	sne.s32 s8, $0x0  }
0xdc: {  	s4 =	sshrl.u32 s4, $0x19;
	p0 =	por !p3, !p4  }
0xdd: {  	v17 =	vor.u32 s6, v0;
	v18 =	vor.u32 s6, v2;
	s6 =	simm.s32 $0x1;
	s4 =	sadd.s32 s4, s7;
	p0 =	por !p0, !p0  }
0xde: {  	[sflag:s31] =	ssyncset.done $0x0;
	s4 =	sshrl.u32 s4, $0x7;
	s6 =	simm.s32 @!p0 $0x0  }
0xdf: {  	[sflag:s31] =	ssyncadd.s32 $0xFFFFF000;
	s4 =	ssub.s32 s4, s6  }
0xe0: {  	v15 =	vld.idx.msk [tilespmem:v15+s16+$0x0], $0xffff;
	s4 =	sshll.u32 s4, $0x7  }
0xe1: {  	v16 =	vld.idx.msk [tilespmem:v16+s16+$0x0], $0xffff;
	s4 =	sand.u32 $0x1FFFFF80, s4  }
0xe2: {  	v17 =	vld.idx.msk [tilespmem:v17+s17+$0x0], $0xffff;
	s4 =	sadd.s32 s0, s4  }
0xe3: {  	v18 =	vld.idx.msk [tilespmem:v18+s17+$0x0], $0xffff;
	[tilespmem:s16], [sflag:$0x1] =	stream.strided.gather [hbm4b:s4+s12], $0x1000, s13, s12, $0x38  }
0xe4: {  	s4 =	spop (v2sf)  }
0xe5: {  	s7 =	sand.u32 $0x7F, s4  }
0xe6: {  	s8 =	sshra.s32 s4, $0x1F;
	p5 =	slt.s32 s4, $0x1;
	p6 =	sne.s32 s7, $0x0  }
0xe7: {  	s8 =	sshrl.u32 s8, $0x19;
	p0 =	por !p5, !p6  }
0xe8: {  	s6 =	simm.s32 $0x1;
	s4 =	sadd.s32 s8, s4;
	p0 =	por !p0, !p0  }
0xe9: {  	s4 =	sshrl.u32 s4, $0x7;
	s6 =	simm.s32 @!p0 $0x0  }
0xea: {  	s4 =	ssub.s32 s4, s6  }
0xeb: {  	s4 =	sshll.u32 s4, $0x7  }
0xec: {  	s4 =	sand.u32 $0x1FFFFF80, s4  }
0xed: {  	s4 =	sadd.s32 s2, s4  }
0xee: {  	[tilespmem:s17], [sflag:$0x2] =	stream.strided.gather [hbm4b:s4+s12], $0x1000, s13, s12, $0x38;
	[tilespmem:$0x10780] =	vst v63  }
0xef: {  	_ =	swait.ge [sflag:s11], $0x1000  }
0xf0: {  	[sflag:s11] =	ssyncset.done $0x0  }
0xf1: {  	[sflag:s11] =	ssyncadd.s32 $0xFFFFF000  }
0xf2: {  	_ =	swait.ge [sflag:s31], $0x1000  }
0xf3: {  	(v2sf) =	vpush v9, $0x2  }
0xf4: {  	(v2sf) =	vpush v10, $0x2  }
0xf5: {  	(v2sf) =	vpush v8, $0x2;
	_ =	sdelay $0xa  }
0xf6: {  	(v2sf) =	vpush v7, $0x2;
	_ =	sdelay $0x1  }
0xf7: {  	s7 =	spop (v2sf)  }
0xf8: {  	s8 =	spop (v2sf)  }
0xf9: {  	s4 =	sand.u32 $0x7F, s7;
	s7 =	spop (v2sf)  }
0xfa: {  	s6 =	sand.u32 $0x7F, s8;
	s8 =	sand.u32 $0x7F, s7  }
0xfb: {  	v19 =	vor.u32 s4, v0;
	v20 =	vor.u32 s4, v2;
	s4 =	sshra.s32 s7, $0x1F;
	p1 =	slt.s32 s7, $0x1;
	p2 =	sne.s32 s8, $0x0  }
0xfc: {  	s4 =	sshrl.u32 s4, $0x19;
	p0 =	por !p1, !p2  }
0xfd: {  	v21 =	vor.u32 s6, v0;
	v22 =	vor.u32 s6, v2;
	s6 =	simm.s32 $0x1;
	s4 =	sadd.s32 s4, s7;
	p0 =	por !p0, !p0  }
0xfe: {  	[sflag:s31] =	ssyncset.done $0x0;
	s4 =	sshrl.u32 s4, $0x7;
	s6 =	simm.s32 @!p0 $0x0  }
0xff: {  	[sflag:s31] =	ssyncadd.s32 $0xFFFFF000;
	s4 =	ssub.s32 s4, s6  }
0x100: {  	v19 =	vld.idx.msk [tilespmem:v19+s18+$0x0], $0xffff;
	s4 =	sshll.u32 s4, $0x7  }
0x101: {  	v20 =	vld.idx.msk [tilespmem:v20+s18+$0x0], $0xffff;
	s4 =	sand.u32 $0x1FFFFF80, s4  }
0x102: {  	v21 =	vld.idx.msk [tilespmem:v21+s19+$0x0], $0xffff;
	s4 =	sadd.s32 s0, s4  }
0x103: {  	v22 =	vld.idx.msk [tilespmem:v22+s19+$0x0], $0xffff;
	[tilespmem:s18], [sflag:$0x1] =	stream.strided.gather [hbm4b:s4+s12], $0x1000, s13, s12, $0x38  }
0x104: {  	s4 =	spop (v2sf)  }
0x105: {  	s7 =	sand.u32 $0x7F, s4  }
0x106: {  	s8 =	sshra.s32 s4, $0x1F;
	p3 =	slt.s32 s4, $0x1;
	p4 =	sne.s32 s7, $0x0  }
0x107: {  	s8 =	sshrl.u32 s8, $0x19;
	p0 =	por !p3, !p4  }
0x108: {  	s6 =	simm.s32 $0x1;
	s4 =	sadd.s32 s8, s4;
	p0 =	por !p0, !p0  }
0x109: {  	s4 =	sshrl.u32 s4, $0x7;
	s6 =	simm.s32 @!p0 $0x0  }
0x10a: {  	s4 =	ssub.s32 s4, s6  }
0x10b: {  	s4 =	sshll.u32 s4, $0x7  }
0x10c: {  	s4 =	sand.u32 $0x1FFFFF80, s4  }
0x10d: {  	s4 =	sadd.s32 s2, s4  }
0x10e: {  	[tilespmem:s19], [sflag:$0x2] =	stream.strided.gather [hbm4b:s4+s12], $0x1000, s13, s12, $0x38;
	[tilespmem:$0x10780] =	vst v63  }
0x10f: {  	_ =	swait.ge [sflag:s11], $0x1000  }
0x110: {  	[sflag:s11] =	ssyncset.done $0x0  }
0x111: {  	[sflag:s11] =	ssyncadd.s32 $0xFFFFF000  }
0x112: {  	_ =	swait.ge [sflag:s31], $0x1000  }
0x113: {  	(v2sf) =	vpush v9, $0x3  }
0x114: {  	(v2sf) =	vpush v10, $0x3  }
0x115: {  	(v2sf) =	vpush v8, $0x3;
	_ =	sdelay $0xa  }
0x116: {  	(v2sf) =	vpush v7, $0x3;
	_ =	sdelay $0x1  }
0x117: {  	s7 =	spop (v2sf)  }
0x118: {  	s8 =	spop (v2sf)  }
0x119: {  	s4 =	sand.u32 $0x7F, s7;
	s7 =	spop (v2sf)  }
0x11a: {  	s6 =	sand.u32 $0x7F, s8;
	s8 =	sand.u32 $0x7F, s7  }
0x11b: {  	v23 =	vor.u32 s4, v0;
	v24 =	vor.u32 s4, v2;
	s4 =	sshra.s32 s7, $0x1F;
	p5 =	slt.s32 s7, $0x1;
	p6 =	sne.s32 s8, $0x0  }
0x11c: {  	s4 =	sshrl.u32 s4, $0x19;
	p0 =	por !p5, !p6  }
0x11d: {  	v25 =	vor.u32 s6, v0;
	v26 =	vor.u32 s6, v2;
	s6 =	simm.s32 $0x1;
	s4 =	sadd.s32 s4, s7;
	p0 =	por !p0, !p0  }
0x11e: {  	[sflag:s31] =	ssyncset.done $0x0;
	s4 =	sshrl.u32 s4, $0x7;
	s6 =	simm.s32 @!p0 $0x0  }
0x11f: {  	[sflag:s31] =	ssyncadd.s32 $0xFFFFF000;
	s4 =	ssub.s32 s4, s6  }
0x120: {  	v23 =	vld.idx.msk [tilespmem:v23+s20+$0x0], $0xffff;
	s4 =	sshll.u32 s4, $0x7  }
0x121: {  	v24 =	vld.idx.msk [tilespmem:v24+s20+$0x0], $0xffff;
	s4 =	sand.u32 $0x1FFFFF80, s4  }
0x122: {  	v25 =	vld.idx.msk [tilespmem:v25+s21+$0x0], $0xffff;
	s4 =	sadd.s32 s0, s4  }
0x123: {  	v26 =	vld.idx.msk [tilespmem:v26+s21+$0x0], $0xffff;
	[tilespmem:s20], [sflag:$0x1] =	stream.strided.gather [hbm4b:s4+s12], $0x1000, s13, s12, $0x38  }
0x124: {  	s4 =	spop (v2sf)  }
0x125: {  	s7 =	sand.u32 $0x7F, s4  }
0x126: {  	s8 =	sshra.s32 s4, $0x1F;
	p1 =	slt.s32 s4, $0x1;
	p2 =	sne.s32 s7, $0x0  }
0x127: {  	s8 =	sshrl.u32 s8, $0x19;
	p0 =	por !p1, !p2  }
0x128: {  	s6 =	simm.s32 $0x1;
	s4 =	sadd.s32 s8, s4;
	p0 =	por !p0, !p0  }
0x129: {  	s4 =	sshrl.u32 s4, $0x7;
	s6 =	simm.s32 @!p0 $0x0  }
0x12a: {  	s4 =	ssub.s32 s4, s6  }
0x12b: {  	s4 =	sshll.u32 s4, $0x7  }
0x12c: {  	s4 =	sand.u32 $0x1FFFFF80, s4  }
0x12d: {  	s4 =	sadd.s32 s2, s4  }
0x12e: {  	[tilespmem:s21], [sflag:$0x2] =	stream.strided.gather [hbm4b:s4+s12], $0x1000, s13, s12, $0x38;
	[tilespmem:$0x10780] =	vst v63  }
0x12f: {  	_ =	swait.ge [sflag:s11], $0x1000  }
0x130: {  	[sflag:s11] =	ssyncset.done $0x0  }
0x131: {  	[sflag:s11] =	ssyncadd.s32 $0xFFFFF000  }
0x132: {  	_ =	swait.ge [sflag:s31], $0x1000  }
0x133: {  	(v2sf) =	vpush v9, $0x4  }
0x134: {  	(v2sf) =	vpush v10, $0x4  }
0x135: {  	(v2sf) =	vpush v8, $0x4;
	_ =	sdelay $0xa  }
0x136: {  	(v2sf) =	vpush v7, $0x4;
	_ =	sdelay $0x1  }
0x137: {  	s7 =	spop (v2sf)  }
0x138: {  	s8 =	spop (v2sf)  }
0x139: {  	s4 =	sand.u32 $0x7F, s7;
	s7 =	spop (v2sf)  }
0x13a: {  	s6 =	sand.u32 $0x7F, s8;
	s8 =	sand.u32 $0x7F, s7  }
0x13b: {  	v27 =	vor.u32 s4, v0;
	v28 =	vor.u32 s4, v2;
	s4 =	sshra.s32 s7, $0x1F;
	p3 =	slt.s32 s7, $0x1;
	p4 =	sne.s32 s8, $0x0  }
0x13c: {  	s4 =	sshrl.u32 s4, $0x19;
	p0 =	por !p3, !p4  }
0x13d: {  	v29 =	vor.u32 s6, v0;
	v30 =	vor.u32 s6, v2;
	s6 =	simm.s32 $0x1;
	s4 =	sadd.s32 s4, s7;
	p0 =	por !p0, !p0  }
0x13e: {  	[sflag:s31] =	ssyncset.done $0x0;
	s4 =	sshrl.u32 s4, $0x7;
	s6 =	simm.s32 @!p0 $0x0  }
0x13f: {  	[sflag:s31] =	ssyncadd.s32 $0xFFFFF000;
	s4 =	ssub.s32 s4, s6  }
0x140: {  	v27 =	vld.idx.msk [tilespmem:v27+s22+$0x0], $0xffff;
	s4 =	sshll.u32 s4, $0x7  }
0x141: {  	v28 =	vld.idx.msk [tilespmem:v28+s22+$0x0], $0xffff;
	s4 =	sand.u32 $0x1FFFFF80, s4  }
0x142: {  	v29 =	vld.idx.msk [tilespmem:v29+s23+$0x0], $0xffff;
	s4 =	sadd.s32 s0, s4  }
0x143: {  	v30 =	vld.idx.msk [tilespmem:v30+s23+$0x0], $0xffff;
	[tilespmem:s22], [sflag:$0x1] =	stream.strided.gather [hbm4b:s4+s12], $0x1000, s13, s12, $0x38  }
0x144: {  	s4 =	spop (v2sf)  }
0x145: {  	s7 =	sand.u32 $0x7F, s4  }
0x146: {  	s8 =	sshra.s32 s4, $0x1F;
	p5 =	slt.s32 s4, $0x1;
	p6 =	sne.s32 s7, $0x0  }
0x147: {  	s8 =	sshrl.u32 s8, $0x19;
	p0 =	por !p5, !p6  }
0x148: {  	s6 =	simm.s32 $0x1;
	s4 =	sadd.s32 s8, s4;
	p0 =	por !p0, !p0  }
0x149: {  	s4 =	sshrl.u32 s4, $0x7;
	s6 =	simm.s32 @!p0 $0x0  }
0x14a: {  	s4 =	ssub.s32 s4, s6  }
0x14b: {  	s4 =	sshll.u32 s4, $0x7  }
0x14c: {  	s4 =	sand.u32 $0x1FFFFF80, s4  }
0x14d: {  	s4 =	sadd.s32 s2, s4  }
0x14e: {  	[tilespmem:s23], [sflag:$0x2] =	stream.strided.gather [hbm4b:s4+s12], $0x1000, s13, s12, $0x38;
	[tilespmem:$0x10780] =	vst v63  }
0x14f: {  	_ =	swait.ge [sflag:s11], $0x1000  }
0x150: {  	[sflag:s11] =	ssyncset.done $0x0  }
0x151: {  	[sflag:s11] =	ssyncadd.s32 $0xFFFFF000  }
0x152: {  	_ =	swait.ge [sflag:s31], $0x1000  }
0x153: {  	(v2sf) =	vpush v9, $0x5  }
0x154: {  	(v2sf) =	vpush v10, $0x5  }
0x155: {  	(v2sf) =	vpush v8, $0x5;
	_ =	sdelay $0xa  }
0x156: {  	(v2sf) =	vpush v7, $0x5;
	_ =	sdelay $0x1  }
0x157: {  	s7 =	spop (v2sf)  }
0x158: {  	s8 =	spop (v2sf)  }
0x159: {  	s4 =	sand.u32 $0x7F, s7;
	s7 =	spop (v2sf)  }
0x15a: {  	s6 =	sand.u32 $0x7F, s8;
	s8 =	sand.u32 $0x7F, s7  }
0x15b: {  	v31 =	vor.u32 s4, v0;
	v32 =	vor.u32 s4, v2;
	s4 =	sshra.s32 s7, $0x1F;
	p1 =	slt.s32 s7, $0x1;
	p2 =	sne.s32 s8, $0x0  }
0x15c: {  	s4 =	sshrl.u32 s4, $0x19;
	p0 =	por !p1, !p2  }
0x15d: {  	v33 =	vor.u32 s6, v0;
	v34 =	vor.u32 s6, v2;
	s6 =	simm.s32 $0x1;
	s4 =	sadd.s32 s4, s7;
	p0 =	por !p0, !p0  }
0x15e: {  	[sflag:s31] =	ssyncset.done $0x0;
	s4 =	sshrl.u32 s4, $0x7;
	s6 =	simm.s32 @!p0 $0x0  }
0x15f: {  	[sflag:s31] =	ssyncadd.s32 $0xFFFFF000;
	s4 =	ssub.s32 s4, s6  }
0x160: {  	v31 =	vld.idx.msk [tilespmem:v31+s24+$0x0], $0xffff;
	s4 =	sshll.u32 s4, $0x7  }
0x161: {  	v32 =	vld.idx.msk [tilespmem:v32+s24+$0x0], $0xffff;
	s4 =	sand.u32 $0x1FFFFF80, s4  }
0x162: {  	v33 =	vld.idx.msk [tilespmem:v33+s25+$0x0], $0xffff;
	s4 =	sadd.s32 s0, s4  }
0x163: {  	v34 =	vld.idx.msk [tilespmem:v34+s25+$0x0], $0xffff;
	[tilespmem:s24], [sflag:$0x1] =	stream.strided.gather [hbm4b:s4+s12], $0x1000, s13, s12, $0x38  }
0x164: {  	s4 =	spop (v2sf)  }
0x165: {  	s7 =	sand.u32 $0x7F, s4  }
0x166: {  	s8 =	sshra.s32 s4, $0x1F;
	p3 =	slt.s32 s4, $0x1;
	p4 =	sne.s32 s7, $0x0  }
0x167: {  	s8 =	sshrl.u32 s8, $0x19;
	p0 =	por !p3, !p4  }
0x168: {  	s6 =	simm.s32 $0x1;
	s4 =	sadd.s32 s8, s4;
	p0 =	por !p0, !p0  }
0x169: {  	s4 =	sshrl.u32 s4, $0x7;
	s6 =	simm.s32 @!p0 $0x0  }
0x16a: {  	s4 =	ssub.s32 s4, s6  }
0x16b: {  	s4 =	sshll.u32 s4, $0x7  }
0x16c: {  	s4 =	sand.u32 $0x1FFFFF80, s4  }
0x16d: {  	s4 =	sadd.s32 s2, s4  }
0x16e: {  	[tilespmem:s25], [sflag:$0x2] =	stream.strided.gather [hbm4b:s4+s12], $0x1000, s13, s12, $0x38;
	[tilespmem:$0x10780] =	vst v63  }
0x16f: {  	_ =	swait.ge [sflag:s11], $0x1000  }
0x170: {  	[sflag:s11] =	ssyncset.done $0x0  }
0x171: {  	[sflag:s11] =	ssyncadd.s32 $0xFFFFF000  }
0x172: {  	_ =	swait.ge [sflag:s31], $0x1000  }
0x173: {  	(v2sf) =	vpush v9, $0x6  }
0x174: {  	(v2sf) =	vpush v10, $0x6  }
0x175: {  	(v2sf) =	vpush v8, $0x6;
	_ =	sdelay $0xa  }
0x176: {  	(v2sf) =	vpush v7, $0x6;
	_ =	sdelay $0x1  }
0x177: {  	s7 =	spop (v2sf)  }
0x178: {  	s8 =	spop (v2sf)  }
0x179: {  	s4 =	sand.u32 $0x7F, s7;
	s7 =	spop (v2sf)  }
0x17a: {  	s6 =	sand.u32 $0x7F, s8;
	s8 =	sand.u32 $0x7F, s7  }
0x17b: {  	v35 =	vor.u32 s4, v0;
	p6 =	slt.s32 s7, $0x1;
	p5 =	sne.s32 s8, $0x0;
	s8 =	sshra.s32 s7, $0x1F  }
0x17c: {  	v36 =	vor.u32 s4, v2;
	s4 =	sshrl.u32 s8, $0x19;
	p0 =	por !p6, !p5  }
0x17d: {  	v37 =	vor.u32 s6, v0;
	v38 =	vor.u32 s6, v2;
	s6 =	simm.s32 $0x1;
	s4 =	sadd.s32 s4, s7;
	p0 =	por !p0, !p0  }
0x17e: {  	[sflag:s31] =	ssyncset.done $0x0;
	s4 =	sshrl.u32 s4, $0x7;
	s6 =	simm.s32 @!p0 $0x0  }
0x17f: {  	[sflag:s31] =	ssyncadd.s32 $0xFFFFF000;
	s4 =	ssub.s32 s4, s6  }
0x180: {  	v35 =	vld.idx.msk [tilespmem:v35+s26+$0x0], $0xffff;
	s4 =	sshll.u32 s4, $0x7  }
0x181: {  	v36 =	vld.idx.msk [tilespmem:v36+s26+$0x0], $0xffff;
	s4 =	sand.u32 $0x1FFFFF80, s4  }
0x182: {  	v37 =	vld.idx.msk [tilespmem:v37+s28+$0x0], $0xffff;
	s4 =	sadd.s32 s0, s4  }
0x183: {  	v38 =	vld.idx.msk [tilespmem:v38+s28+$0x0], $0xffff;
	[tilespmem:s26], [sflag:$0x1] =	stream.strided.gather [hbm4b:s4+s12], $0x1000, s13, s12, $0x38  }
0x184: {  	s4 =	spop (v2sf)  }
0x185: {  	s7 =	sand.u32 $0x7F, s4  }
0x186: {  	s8 =	sshra.s32 s4, $0x1F;
	p2 =	slt.s32 s4, $0x1;
	p1 =	sne.s32 s7, $0x0  }
0x187: {  	s6 =	sshrl.u32 s8, $0x19;
	p0 =	por !p2, !p1  }
0x188: {  	s4 =	sadd.s32 s6, s4;
	s6 =	simm.s32 $0x1;
	p0 =	por !p0, !p0  }
0x189: {  	s4 =	sshrl.u32 s4, $0x7;
	s6 =	simm.s32 @!p0 $0x0  }
0x18a: {  	s4 =	ssub.s32 s4, s6  }
0x18b: {  	s4 =	sshll.u32 s4, $0x7  }
0x18c: {  	s4 =	sand.u32 $0x1FFFFF80, s4  }
0x18d: {  	s4 =	sadd.s32 s2, s4  }
0x18e: {  	[tilespmem:s28], [sflag:$0x2] =	stream.strided.gather [hbm4b:s4+s12], $0x1000, s13, s12, $0x38;
	[tilespmem:$0x10780] =	vst v63  }
0x18f: {  	_ =	swait.ge [sflag:s11], $0x1000  }
0x190: {  	[sflag:s11] =	ssyncset.done $0x0  }
0x191: {  	[sflag:s11] =	ssyncadd.s32 $0xFFFFF000  }
0x192: {  	_ =	swait.ge [sflag:s31], $0x1000  }
0x193: {  	(v2sf) =	vpush v9, $0x7;
	_ =	sdelay $0x1  }
0x194: {  	(v2sf) =	vpush v10, $0x7;
	_ =	sdelay $0x5  }
0x195: {  	v50 =	vmul.f32 v13, v11;
	v51 =	vmul.f32 v14, v12  }
0x196: {  	v52 =	vmul.f32 v17, v15;
	v53 =	vmul.f32 v18, v16  }
0x197: {  	v9 =	vadd.f32 v51, v50  }
0x198: {  	v54 =	vadd.f32 v53, v52  }
0x199: {  	v55 =	vperm.xlane v9, v3  }
0x19a: {  	v12 =	vperm.xlane v54, v3  }
0x19b: {  	(v2sf) =	vpush v8, $0x7;
	v9 =	vadd.f32 v9, v55  }
0x19c: {  	v10 =	vadd.f32 v54, v12;
	s7 =	spop (v2sf)  }
0x19d: {  	v11 =	vperm.xlane v9, v4;
	s4 =	sand.u32 $0x7F, s7  }
0x19e: {  	v12 =	vperm.xlane v10, v4;
	s8 =	spop (v2sf);
	v59 =	vor.u32 s4, v0  }
0x19f: {  	v21 =	vmul.f32 v21, v19;
	v8 =	vadd.f32 v9, v11;
	s6 =	sand.u32 $0x7F, s8;
	v60 =	vor.u32 s4, v2  }
0x1a0: {  	v22 =	vmul.f32 v22, v20;
	v56 =	vadd.f32 v10, v12;
	v61 =	vor.u32 s6, v0  }
0x1a1: {  	[sflag:s31] =	ssyncset.done $0x0;
	v57 =	vperm.xlane v8, v5;
	v62 =	vor.u32 s6, v2  }
0x1a2: {  	v14 =	vadd.f32 v22, v21;
	[sflag:s31] =	ssyncadd.s32 $0xFFFFF000;
	v58 =	vperm.xlane v56, v5  }
0x1a3: {  	v8 =	vadd.f32 v8, v57;
	v12 =	vld.idx.msk [tilespmem:v59+s29+$0x0], $0xffff  }
0x1a4: {  	v40 =	vperm.xlane v14, v3;
	v25 =	vmul.f32 v25, v23;
	v9 =	vadd.f32 v56, v58;
	v13 =	vld.idx.msk [tilespmem:v60+s29+$0x0], $0xffff  }
0x1a5: {  	v26 =	vmul.f32 v26, v24;
	v63 =	vperm.xlane v8, v6;
	(v2sf) =	vpush v7, $0x7;
	v7 =	vld.idx.msk [tilespmem:v61+s30+$0x0], $0xffff  }
0x1a6: {  	v29 =	vmul.f32 v29, v27;
	v18 =	vperm.xlane v9, v6;
	v11 =	vld.idx.msk [tilespmem:v62+s30+$0x0], $0xffff  }
0x1a7: {  	v30 =	vmul.f32 v30, v28;
	v33 =	vmul.f32 v33, v31;
	v8 =	vadd.f32 v8, v63  }
0x1a8: {  	v34 =	vmul.f32 v34, v32;
	v10 =	vadd.f32 v26, v25;
	v9 =	vadd.f32 v9, v18  }
0x1a9: {  	v37 =	vmul.f32 v37, v35;
	v39 =	vmul.f32 v38, v36;
	v8 =	vnsel vm0, $0x0, v8  }
0x1aa: {  	v41 =	vperm.xlane v10, v3;
	s4 =	spop (v2sf);
	v8 =	vsel vm1, v8, v9;
	v9 =	vadd.f32 v30, v29  }
0x1ab: {  	v15 =	vadd.f32 v34, v33;
	s7 =	sand.u32 $0x7F, s4;
	v7 =	vmul.f32 v7, v12;
	v11 =	vmul.f32 v11, v13  }
0x1ac: {  	v16 =	vadd.f32 v39, v37;
	s8 =	sshra.s32 s4, $0x1F;
	p4 =	slt.s32 s4, $0x1;
	p3 =	sne.s32 s7, $0x0;
	v42 =	vperm.xlane v9, v3;
	v12 =	vadd.f32 v14, v40  }
0x1ad: {  	v43 =	vperm.xlane v15, v3;
	v10 =	vadd.f32 v10, v41;
	s6 =	sshrl.u32 s8, $0x19;
	p0 =	por !p4, !p3;
	v7 =	vadd.f32 v11, v7  }
0x1ae: {  	v45 =	vperm.xlane v16, v3;
	s4 =	sadd.s32 s6, s4;
	s6 =	simm.s32 $0x1;
	p0 =	por !p0, !p0;
	v9 =	vadd.f32 v9, v42;
	v44 =	vperm.xlane v12, v4  }
0x1af: {  	v46 =	vperm.xlane v10, v4;
	s4 =	sshrl.u32 s4, $0x7;
	s6 =	simm.s32 @!p0 $0x0;
	v13 =	vadd.f32 v15, v43;
	v47 =	vperm.xlane v7, v3  }
0x1b0: {  	s4 =	ssub.s32 s4, s6;
	v48 =	vperm.xlane v9, v4;
	v14 =	vadd.f32 v16, v45;
	v11 =	vadd.f32 v12, v44  }
0x1b1: {  	v10 =	vadd.f32 v10, v46;
	s4 =	sshll.u32 s4, $0x7;
	v49 =	vperm.xlane v13, v4;
	v7 =	vadd.f32 v7, v47  }
0x1b2: {  	s4 =	sand.u32 $0x1FFFFF80, s4;
	v9 =	vadd.f32 v9, v48;
	v51 =	vperm.xlane v14, v4;
	v50 =	vperm.xlane v11, v5  }
0x1b3: {  	v17 =	vperm.xlane v10, v5;
	s4 =	sadd.s32 s0, s4;
	v13 =	vadd.f32 v13, v49;
	v52 =	vperm.xlane v7, v4  }
0x1b4: {  	[tilespmem:s29], [sflag:$0x1] =	stream.strided.gather [hbm4b:s4+s12], $0x1000, s13, s12, $0x38;
	v53 =	vperm.xlane v9, v5;
	v12 =	vadd.f32 v14, v51;
	v11 =	vadd.f32 v11, v50;
	[tilespmem:$0x10780] =	vst v63  }
0x1b5: {  	v10 =	vadd.f32 v10, v17;
	s4 =	spop (v2sf);
	v54 =	vperm.xlane v13, v5;
	v7 =	vadd.f32 v7, v52  }
0x1b6: {  	s7 =	sand.u32 $0x7F, s4;
	v9 =	vadd.f32 v9, v53;
	v56 =	vperm.xlane v12, v5;
	v55 =	vperm.xlane v11, v6  }
0x1b7: {  	v17 =	vperm.xlane v10, v6;
	s8 =	sshra.s32 s4, $0x1F;
	p6 =	slt.s32 s4, $0x1;
	p5 =	sne.s32 s7, $0x0;
	v13 =	vadd.f32 v13, v54;
	v57 =	vperm.xlane v7, v5  }
0x1b8: {  	s6 =	sshrl.u32 s8, $0x19;
	p0 =	por !p6, !p5;
	v58 =	vperm.xlane v9, v6;
	v12 =	vadd.f32 v12, v56;
	v11 =	vadd.f32 v11, v55  }
0x1b9: {  	v10 =	vadd.f32 v10, v17;
	s4 =	sadd.s32 s6, s4;
	s6 =	simm.s32 $0x1;
	p0 =	por !p0, !p0;
	v59 =	vperm.xlane v13, v6;
	v7 =	vadd.f32 v7, v57  }
0x1ba: {  	s4 =	sshrl.u32 s4, $0x7;
	s6 =	simm.s32 @!p0 $0x0;
	v9 =	vadd.f32 v9, v58;
	v60 =	vperm.xlane v12, v6;
	v8 =	vsel vm2, v8, v11  }
0x1bb: {  	p0 =	sne.s32 s1, $0x7E0;
	s4 =	ssub.s32 s4, s6;
	v61 =	vadd.f32 v13, v59;
	v8 =	vsel vm3, v8, v10;
	v62 =	vperm.xlane v7, v6  }
.Ltmp0:
0x1bc: {  	s4 =	sshll.u32 s4, $0x7;
	v63 =	vadd.f32 v12, v60;
	v8 =	vsel vm4, v8, v9;
	(pc) =	sbr.rel @p0 .LBB2_2-.Ltmp0, $4  }
0x1bd: {  	s4 =	sand.u32 $0x1FFFFF80, s4;
	v8 =	vsel vm5, v8, v61;
	v7 =	vadd.f32 v7, v62  }
0x1be: {  	s4 =	sadd.s32 s2, s4;
	v8 =	vsel vm6, v8, v63  }
0x1bf: {  	[tilespmem:s30], [sflag:$0x2] =	stream.strided.gather [hbm4b:s4+s12], $0x1000, s13, s12, $0x38;
	v7 =	vsel vm7, v8, v7;
	[tilespmem:$0x10780] =	vst v63  }
0x1c0: {  	s1 =	sadd.s32 $0x20, s1;
	[tilespmem:s5+$0x500] =	vst v7  }
0x1c1: {  	_ =	swait.ge [sflag:s11], $0x1000  }
0x1c2: {  	[sflag:s11] =	ssyncset.done $0x0  }
0x1c3: {  	[sflag:s11] =	ssyncadd.s32 $0xFFFFF000  }
0x1c4: {  	_ =	swait.ge [sflag:s31], $0x1000  }
0x1c5: {  	[sflag:s31] =	ssyncset.done $0x0  }
0x1c6: {  	[sflag:s31] =	ssyncadd.s32 $0xFFFFF000  }
0x1c7: {  	_ =	swait.ge [sflag:s11], $0x1000  }
0x1c8: {  	[sflag:s11] =	ssyncset.done $0x0  }
0x1c9: {  	[sflag:s11] =	ssyncadd.s32 $0xFFFFF000  }
0x1ca: {  	_ =	swait.ge [sflag:s31], $0x1000  }
0x1cb: {  	[sflag:s31] =	ssyncset.done $0x0  }
0x1cc: {  	[sflag:s31] =	ssyncadd.s32 $0xFFFFF000  }
0x1cd: {  	_ =	swait.ge [sflag:s11], $0x1000  }
0x1ce: {  	[sflag:s11] =	ssyncset.done $0x0  }
0x1cf: {  	[sflag:s11] =	ssyncadd.s32 $0xFFFFF000  }
0x1d0: {  	_ =	swait.ge [sflag:s31], $0x1000  }
0x1d1: {  	[sflag:s31] =	ssyncset.done $0x0  }
0x1d2: {  	[sflag:s31] =	ssyncadd.s32 $0xFFFFF000  }
0x1d3: {  	_ =	swait.ge [sflag:s11], $0x1000  }
0x1d4: {  	[sflag:s11] =	ssyncset.done $0x0  }
0x1d5: {  	[sflag:s11] =	ssyncadd.s32 $0xFFFFF000  }
0x1d6: {  	_ =	swait.ge [sflag:s31], $0x1000  }
0x1d7: {  	[sflag:s31] =	ssyncset.done $0x0  }
0x1d8: {  	[sflag:s31] =	ssyncadd.s32 $0xFFFFF000  }
0x1d9: {  	_ =	swait.ge [sflag:s11], $0x1000  }
0x1da: {  	[sflag:s11] =	ssyncset.done $0x0  }
0x1db: {  	[sflag:s11] =	ssyncadd.s32 $0xFFFFF000  }
0x1dc: {  	_ =	swait.ge [sflag:s31], $0x1000  }
0x1dd: {  	[sflag:s31] =	ssyncset.done $0x0  }
0x1de: {  	[sflag:s31] =	ssyncadd.s32 $0xFFFFF000  }
0x1df: {  	_ =	swait.ge [sflag:s11], $0x1000  }
0x1e0: {  	[sflag:s11] =	ssyncset.done $0x0  }
0x1e1: {  	[sflag:s11] =	ssyncadd.s32 $0xFFFFF000  }
0x1e2: {  	_ =	swait.ge [sflag:s31], $0x1000  }
0x1e3: {  	[sflag:s31] =	ssyncset.done $0x0  }
0x1e4: {  	[sflag:s31] =	ssyncadd.s32 $0xFFFFF000  }
0x1e5: {  	_ =	swait.ge [sflag:s11], $0x1000  }
0x1e6: {  	[sflag:s11] =	ssyncset.done $0x0  }
0x1e7: {  	[sflag:s11] =	ssyncadd.s32 $0xFFFFF000  }
0x1e8: {  	_ =	swait.ge [sflag:s31], $0x1000  }
0x1e9: {  	[sflag:s31] =	ssyncset.done $0x0  }
0x1ea: {  	[sflag:s31] =	ssyncadd.s32 $0xFFFFF000  }
0x1eb: {  	_ =	swait.ge [sflag:s11], $0x1000  }
0x1ec: {  	[sflag:s11] =	ssyncset.done $0x0  }
0x1ed: {  	[sflag:s11] =	ssyncadd.s32 $0xFFFFF000  }
0x1ee: {  	_ =	swait.ge [sflag:s31], $0x1000  }
0x1ef: {  	s1 =	simm.s32 $0x0;
	[sflag:s31] =	ssyncset.done $0x0  }
0x1f0: {  	s5 =	simm.s32 $0x500;
	s4 =	rddreg [dreg:$0x8];
	[sflag:s31] =	ssyncadd.s32 $0xFFFFF000  }
0x1f1: {  	[hbm4b:s4+s1] =	stream.linear.scatter [tilespmem:s5], [sflag:$0x3], $0x200, $0x38;
	[tilespmem:$0x10780] =	vst v63  }
0x1f2: {  	_ =	swait.ge [sflag:s3], $0x200  }
0x1f3: {  	s10 =	sadd.s32 $0x1, s10;
	s8 =	rddreg [dreg:$0x9]  }
0x1f4: {  	p0 =	sne.s32 s10, s8  }
.Ltmp1:
0x1f5: {  	_ = 	snop;
	(pc) =	sbr.rel @p0 .LBB2_1-.Ltmp1, $3  }
0x1f6: {  	_ =	sdelay $0x1  }
0x1f7: {  	[sflag:s3] =	ssyncset.done $0x0  }
0x1f8: {  	[sflag:s3] =	ssyncadd.s32 $0xFFFFFE00  }
0x1f9: {  	_ =	sfence.sel $0x180000  }
0x1fa: {  	[bflag:$0x0] =	sbarrier.arrive $0xFFFF  }
0x1fb: {  	_ =	strace $0x90000047  }
0x1fc: {  	s0 =	stileid.u32;
	[bflag:$0x2] =	sbarrier.arrive $0xFFFF  }
0x1fd: {  	p0 =	sne.s32 s0, $0x0;
	s0 =	rddreg [dreg:$0x5]  }
0x1fe: {  	s0 =	sadd.s32 @!p0 $0x100000, s0  }
0x1ff: {  	[sflag:s0] =	ssyncadd.tile.s32 @!p0 $0x1;
	_ =	shalt  }
.Lfunc_end2:
_tile_overlayer_lowered:
.L_overlay_start_2:
0x200: {  	(tag) =	ssettag $0x2  }
0x201: {  	s0 =	rddreg [dreg:$0x0];
	s2 =	stileid.u32  }
0x202: {  	s1 =	rddreg [dreg:$0x1];
	p0 =	sne.s32 s2, $0x0  }
0x203: {  	s3 =	rddreg [dreg:$0x2];
	[bflag:$0x3] =	sbarrier.arrive $0xFFFF;
	s2 =	simm.s32 @!p0 $0x1C04  }
0x204: {  	[timem:s3], [sflag:s2] =	dma.local @!p0 [hbm:s0], s1  }
0x205: {  	s0 =	simm.s32 @!p0 $0x4  }
0x206: {  	_ =	swait.ge @!p0 [sflag:s0], s1  }
0x207: {  	s1 =	ssub.s32 @!p0 $0x0, s1;
	[sflag:s0] =	ssyncset.done @!p0 $0x0  }
0x208: {  	[sflag:s0] =	ssyncadd.s32 @!p0 s1  }
0x209: {  	[bflag:$0x3] =	sbarrier.arrive $0xFFFF  }
0x20a: {  	_ =	shalt  }

</sc_bundles>
